<compile_context>
chip_gen: v7x
topology: tpu7x:2x2x1
jax: 0.10.2.dev20260603
libtpu: 0.0.44.dev20260713+nightly
codegen_flags: <defaults>
</compile_context>

<pallas_src>
import functools

import jax
import jax.numpy as jnp
from jax import lax
from jax.experimental import pallas as pl
from jax.experimental.pallas import tpu as pltpu
from jax.experimental.pallas import tpu_sc as plsc

B, T, H = 1024, 50, 128
BT = B * T
KV = 1000
OV = 1000
SV = 100000
NC, NS = 2, 16
NW = NC * NS

KCH = 64
KNCH = (4 * T * B) // KCH // NW
KSLOT = 5
OCH = 64
ROWS_W = BT // NW
ONCH = ROWS_W // OCH
SROWS = B // NW


MESH = plsc.VectorSubcoreMesh(core_axis_name="c", subcore_axis_name="s")


def _sc_gather_obs(ocat_f, scat_f, o_tab, s_tab):

    @functools.partial(
        pl.kernel,
        out_type=(
            jax.ShapeDtypeStruct((BT, 2 * H), jnp.float32),
            jax.ShapeDtypeStruct((6 * B, H), jnp.float32),
        ),
        mesh=MESH,
        scratch_types=[
            pltpu.VMEM((2, OCH), jnp.int32),
            pltpu.VMEM((2, OCH, H), jnp.float32),
            pltpu.VMEM((SROWS,), jnp.int32),
            pltpu.VMEM((SROWS, H), jnp.float32),
            pltpu.SemaphoreType.DMA,
        ],
    )
    def body(ocat_hbm, scat_hbm, otab_hbm, stab_hbm,
             oout_hbm, sout_hbm,
             oidx_v, orows_v, sidx_v, srows_v, sem):
        wid = lax.axis_index("s") * NC + lax.axis_index("c")

        sbase = wid * SROWS
        for i in range(2):
            pltpu.sync_copy(scat_hbm.at[pl.ds(i * B + sbase, SROWS)], sidx_v)
            if i:
                for v in range(SROWS // 16):
                    sl = pl.ds(v * 16, 16)
                    sidx_v[sl] = sidx_v[sl] + i * SV
            pltpu.async_copy(stab_hbm.at[sidx_v], srows_v, sem).wait()
            pltpu.sync_copy(srows_v, sout_hbm.at[pl.ds(i * B + sbase, SROWS)])

        def oblock(c, carry):
            base = wid * ROWS_W + c * OCH
            for g in range(2):
                pltpu.sync_copy(
                    ocat_hbm.at[pl.ds(g * BT + base, OCH)], oidx_v.at[g])
            for q in range(OCH // 16):
                sl = pl.ds(q * 16, 16)
                oidx_v[1, sl] = oidx_v[1, sl] + OV
            descs = [
                pltpu.async_copy(otab_hbm.at[oidx_v.at[g]], orows_v.at[g], sem)
                for g in range(2)
            ]
            for d in descs:
                d.wait()
            descs = [
                pltpu.async_copy(
                    orows_v.at[g],
                    oout_hbm.at[pl.ds(base, OCH), pl.ds(g * H, H)], sem)
                for g in range(2)
            ]
            for d in descs:
                d.wait()
            return carry

        lax.fori_loop(0, ONCH, oblock, 0)

    return body(ocat_f, scat_f, o_tab, s_tab)


def _sc_gather_known(kcat_f, k_tab):

    @functools.partial(
        pl.kernel,
        out_type=jax.ShapeDtypeStruct((T * 12 * B, H), jnp.float32),
        mesh=MESH,
        scratch_types=[
            pltpu.VMEM((KSLOT, KCH), jnp.int32),
            pltpu.VMEM((KSLOT, KCH, H), jnp.float32),
            pltpu.SemaphoreType.DMA,
        ],
    )
    def body(kcat_hbm, ktab_hbm, kout_hbm, kidx_v, krows_v, sem):
        wid = lax.axis_index("s") * NC + lax.axis_index("c")
        kv = wid // (NW // 4)
        koff = kv * KV
        rbase = (wid % (NW // 4)) * KNCH

        def kblock(jb, carry):
            c0 = jb * KSLOT
            for u in range(KSLOT):
                src = (wid * KNCH + c0 + u) * KCH
                pltpu.sync_copy(kcat_hbm.at[pl.ds(src, KCH)], kidx_v.at[u])
                for q in range(KCH // 16):
                    sl = pl.ds(q * 16, 16)
                    kidx_v[u, sl] = kidx_v[u, sl] + koff
            descs = [
                pltpu.async_copy(ktab_hbm.at[kidx_v.at[u]], krows_v.at[u], sem)
                for u in range(KSLOT)
            ]
            for d in descs:
                d.wait()
            for u in range(KSLOT):
                r = rbase + c0 + u
                t = r // (B // KCH)
                bc = r % (B // KCH)
                dst = (t * 12 + kv) * B + bc * KCH
                pltpu.sync_copy(krows_v.at[u], kout_hbm.at[pl.ds(dst, KCH)])
            return carry

        lax.fori_loop(0, KNCH // KSLOT, kblock, 0)

    return body(kcat_f, k_tab)


def _known_cont_body(c_ref, vec_ref, bias_ref, alias_ref, out_ref):
    j = pl.program_id(1)
    c = c_ref[0]
    vec = vec_ref[...]
    bias = bias_ref[...]
    for jj in range(2):

        @pl.when(j == jj)
        def _():
            for u in range(4):
                cv = 4 * jj + u
                out_ref[u * B:(u + 1) * B, :] = jnp.dot(
                    c[:, cv:cv + 1], vec[cv:cv + 1, :],
                    preferred_element_type=jnp.float32) + bias[cv:cv + 1, :]


def _known_cont_fill(cont_tb, vec, bias, cat_buf):
    return pl.pallas_call(
        _known_cont_body,
        grid=(T, 2),
        in_specs=[
            pl.BlockSpec((1, B, 8), lambda t, j: (t, 0, 0)),
            pl.BlockSpec((8, H), lambda t, j: (0, 0)),
            pl.BlockSpec((8, H), lambda t, j: (0, 0)),
            pl.BlockSpec((8, H), lambda t, j: (0, 0)),
        ],
        out_specs=pl.BlockSpec((4 * B, H), lambda t, j: (3 * t + 1 + j, 0)),
        out_shape=jax.ShapeDtypeStruct((T * 12 * B, H), jnp.float32),
        input_output_aliases={3: 0},
    )(cont_tb, vec, bias, cat_buf)


GBO = 16


def _obs_asm_body(cat_ref, c_ref, vec_ref, bias_ref, out_ref):
    c = c_ref[...]
    vec = vec_ref[...]
    bias = bias_ref[...]
    for v in range(2):
        out_ref[:, :, v, :] = cat_ref[:, v * H:(v + 1) * H].reshape(GBO, T, H)
    for cv in range(6):
        out_ref[:, :, 2 + cv, :] = (
            c[:, cv:cv + 1] * vec[cv][None, :] + bias[cv][None, :]
        ).reshape(GBO, T, H)


def _obs_assemble(cat_buf, cont2, vec, bias):
    return pl.pallas_call(
        _obs_asm_body,
        grid=(B // GBO,),
        in_specs=[
            pl.BlockSpec((GBO * T, 2 * H), lambda i: (i, 0)),
            pl.BlockSpec((GBO * T, 6), lambda i: (i, 0)),
            pl.BlockSpec((6, H), lambda i: (0, 0)),
            pl.BlockSpec((6, H), lambda i: (0, 0)),
        ],
        out_specs=pl.BlockSpec((GBO, T, 8, H), lambda i: (i, 0, 0, 0)),
        out_shape=jax.ShapeDtypeStruct((B, T, 8, H), jnp.float32),
    )(cat_buf, cont2, vec, bias)


def _static_cont_body(c_ref, vec_ref, bias_ref, alias_ref, out_ref):
    v = pl.program_id(0)
    c = c_ref[...]
    vec = vec_ref[...]
    bias = bias_ref[...]
    for vv in range(4):

        @pl.when(v == vv)
        def _():
            out_ref[...] = jnp.dot(
                c[:, vv:vv + 1], vec[vv:vv + 1, :],
                preferred_element_type=jnp.float32) + bias[vv:vv + 1, :]


def _static_cont_fill(cont2, vec, bias, cat_buf):
    return pl.pallas_call(
        _static_cont_body,
        grid=(4,),
        in_specs=[
            pl.BlockSpec((B, 4), lambda v: (0, 0)),
            pl.BlockSpec((4, H), lambda v: (0, 0)),
            pl.BlockSpec((4, H), lambda v: (0, 0)),
            pl.BlockSpec((8, H), lambda v: (0, 0)),
        ],
        out_specs=pl.BlockSpec((B, H), lambda v: (v + 2, 0)),
        out_shape=jax.ShapeDtypeStruct((6 * B, H), jnp.float32),
        input_output_aliases={3: 0},
    )(cont2, vec, bias, cat_buf)


GBT = 32


def _tgt_body(c_ref, vec_ref, bias_ref, out_ref):
    out_ref[:, :, 0, :] = (
        c_ref[...] * vec_ref[...][0][None, :] + bias_ref[...][0][None, :]
    ).reshape(GBT, T, H)


def _tgt_fill(cont2, vec, bias):
    return pl.pallas_call(
        _tgt_body,
        grid=(B // GBT,),
        in_specs=[
            pl.BlockSpec((GBT * T, 1), lambda i: (i, 0)),
            pl.BlockSpec((1, H), lambda i: (0, 0)),
            pl.BlockSpec((1, H), lambda i: (0, 0)),
        ],
        out_specs=pl.BlockSpec((GBT, T, 1, H), lambda i: (i, 0, 0, 0)),
        out_shape=jax.ShapeDtypeStruct((B, T, 1, H), jnp.float32),
    )(cont2, vec, bias)


def kernel(s_cat, s_cont, k_cat, k_cont, o_cat, o_cont, target,
           s_cat_tables, k_cat_tables, o_cat_tables,
           s_cont_vec, s_cont_bias, k_cont_vec, k_cont_bias,
           o_cont_vec, o_cont_bias, tgt_vec, tgt_bias):
    kcat_f = jnp.transpose(k_cat, (2, 1, 0)).reshape(-1)
    ocat_f = o_cat.reshape(BT, 2).T.reshape(-1)
    scat_f = s_cat[:, 0, :].T.reshape(-1)
    k_tab = k_cat_tables.reshape(4 * KV, H)
    o_tab = o_cat_tables.reshape(2 * OV, H)
    s_tab = s_cat_tables.reshape(2 * SV, H)

    obuf, sbuf = _sc_gather_obs(ocat_f, scat_f, o_tab, s_tab)

    kc_tb = jnp.transpose(k_cont, (1, 0, 2))
    t_full = _tgt_fill(target.reshape(BT, 1), tgt_vec, tgt_bias)

    kbuf = _sc_gather_known(kcat_f, k_tab)

    o_full = _obs_assemble(obuf, o_cont.reshape(BT, 6),
                           o_cont_vec, o_cont_bias)
    sbuf = _static_cont_fill(s_cont[:, 0, :],
                             s_cont_vec, s_cont_bias, sbuf)
    kbuf = _known_cont_fill(kc_tb, k_cont_vec, k_cont_bias, kbuf)

    k_full = jnp.transpose(kbuf.reshape(T, 12, B, H), (2, 0, 1, 3))
    s_full = jnp.transpose(sbuf.reshape(6, B, H), (1, 0, 2))
    return (s_full, k_full, o_full, t_full)

# --- scband reference (transcript-rebuilt; emitter-appended) ---
"""Pipeline reference for scband-tftembedding-62414464745973 (READ-ONLY COPY).

The authoritative reference and input builder live on the scoring server;
editing this copy changes nothing except your own understanding.
"""

import jax, jax.numpy as jnp
import numpy as np

B, T, H = 1024, 50, 128
S_CAT_VOCAB, N_S_CAT = 100000, 2
K_CAT_VOCAB, N_K_CAT = 1000, 4
O_CAT_VOCAB, N_O_CAT = 1000, 2
N_S_CONT, N_K_CONT, N_O_CONT, N_TGT = 4, 8, 6, 1


def _xavier(key, shape):
    fan_in, fan_out = shape[-2], shape[-1]
    std = float(np.sqrt(2.0 / (fan_in + fan_out)))
    return jax.random.normal(key, shape, dtype=jnp.float32) * std


def setup_inputs(seed: int = 0) -> dict:
    key = jax.random.key(seed)
    ks = jax.random.split(key, 16)
    inp = {}
    inp['s_cat'] = jax.random.randint(ks[0], (B, T, N_S_CAT), 0, S_CAT_VOCAB, dtype=jnp.int32)
    inp['s_cont'] = jax.random.normal(ks[1], (B, T, N_S_CONT), dtype=jnp.float32)
    inp['k_cat'] = jax.random.randint(ks[2], (B, T, N_K_CAT), 0, K_CAT_VOCAB, dtype=jnp.int32)
    inp['k_cont'] = jax.random.normal(ks[3], (B, T, N_K_CONT), dtype=jnp.float32)
    inp['o_cat'] = jax.random.randint(ks[4], (B, T, N_O_CAT), 0, O_CAT_VOCAB, dtype=jnp.int32)
    inp['o_cont'] = jax.random.normal(ks[5], (B, T, N_O_CONT), dtype=jnp.float32)
    inp['target'] = jax.random.normal(ks[6], (B, T, N_TGT), dtype=jnp.float32)
    # learned parameters
    inp['s_cat_tables'] = jax.random.normal(ks[7], (N_S_CAT, S_CAT_VOCAB, H), dtype=jnp.float32)
    inp['k_cat_tables'] = jax.random.normal(ks[8], (N_K_CAT, K_CAT_VOCAB, H), dtype=jnp.float32)
    inp['o_cat_tables'] = jax.random.normal(ks[9], (N_O_CAT, O_CAT_VOCAB, H), dtype=jnp.float32)
    inp['s_cont_vec'] = _xavier(ks[10], (N_S_CONT, H))
    inp['s_cont_bias'] = jnp.zeros((N_S_CONT, H), dtype=jnp.float32)
    inp['k_cont_vec'] = _xavier(ks[11], (N_K_CONT, H))
    inp['k_cont_bias'] = jnp.zeros((N_K_CONT, H), dtype=jnp.float32)
    inp['o_cont_vec'] = _xavier(ks[12], (N_O_CONT, H))
    inp['o_cont_bias'] = jnp.zeros((N_O_CONT, H), dtype=jnp.float32)
    inp['tgt_vec'] = _xavier(ks[13], (N_TGT, H))
    inp['tgt_bias'] = jnp.zeros((N_TGT, H), dtype=jnp.float32)
    return inp


def _embed_cat(cat, tables):
    # cat: [..., n_vars] int; tables: [n_vars, vocab, H]
    return jnp.stack([jnp.take(tables[i], cat[..., i], axis=0) for i in range(tables.shape[0])], axis=-2)


def _embed_cont_v1(cont, vec, bias):
    # fused_pointwise_linear_v1: x.unsqueeze(-1) * a + b
    return cont[..., None] * vec + bias


def reference(s_cat, s_cont, k_cat, k_cont, o_cat, o_cont, target,
              s_cat_tables, k_cat_tables, o_cat_tables,
              s_cont_vec, s_cont_bias, k_cont_vec, k_cont_bias,
              o_cont_vec, o_cont_bias, tgt_vec, tgt_bias):
    # static path: take timestep 0
    s_cat0 = s_cat[:, 0, :]
    s_cont0 = s_cont[:, 0, :]
    s_inp = jnp.concatenate([
        _embed_cat(s_cat0, s_cat_tables),
        _embed_cont_v1(s_cont0, s_cont_vec, s_cont_bias),
    ], axis=-2)
    t_known_inp = jnp.concatenate([
        _embed_cat(k_cat, k_cat_tables),
        _embed_cont_v1(k_cont, k_cont_vec, k_cont_bias),
    ], axis=-2)
    t_observed_inp = jnp.concatenate([
        _embed_cat(o_cat, o_cat_tables),
        _embed_cont_v1(o_cont, o_cont_vec, o_cont_bias),
    ], axis=-2)
    # fused_pointwise_linear_v2: x.unsqueeze(3) * a + b (target is [B,T,n_tgt])
    t_observed_tgt = target[:, :, :, None] * tgt_vec + tgt_bias
    return (s_inp, t_known_inp, t_observed_inp, t_observed_tgt)

if __name__ == "__main__":
    import jax
    _d = setup_inputs()
    print(jax.jit(kernel)(*tuple(_d.values())))

</pallas_src>

<mosaic_0001>
#map = affine_map<(d0, d1) -> (0)>
#map1 = affine_map<(d0, d1) -> (0, 0)>
module attributes {stable_mosaic.version = 14 : i64} {
  func.func @body(%arg0: i32, %arg1: i32, %arg2: memref<204800xi32, #tpu.memory_space<hbm>>, %arg3: memref<4000x128xf32, #tpu.memory_space<hbm>>, %arg4: memref<614400x128xf32, #tpu.memory_space<hbm>>, %arg5: memref<5x64xi32, #tpu.memory_space<vmem>>, %arg6: memref<5x64x128xf32, #tpu.memory_space<vmem>>, %arg7: memref<!tpu.dma_semaphore, #tpu.memory_space<semaphore_mem>>) attributes {dimension_semantics = [#tpu.dimension_semantics<core_parallel>, #tpu.dimension_semantics<subcore_parallel>], iteration_bounds = array<i64: 2, 16>, scalar_prefetch = 0 : i64, scratch_operands = 3 : i64, tpu.core_type = #tpu.core_type<sc_vector_subcore>, window_params = [{transform_indices = #map}, {transform_indices = #map1}, {transform_indices = #map1}]} {
    %mul3A = arith.constant 2 : i32
    %mul3A_0 = arith.muli %arg1, %mul3A : i32
    %add3A = arith.addi %mul3A_0, %arg0 : i32
    %jit3A = arith.constant 8 : i32
    %div3A = arith.divsi %add3A, %jit3A : i32
    %sign3A = arith.constant 0 : i32
    %sign3A_1 = arith.cmpi sgt, %add3A, %sign3A : i32
    %sign3A_2 = arith.extui %sign3A_1 : i1 to i32
    %sign3A_3 = arith.constant 0 : i32
    %sign3A_4 = arith.cmpi slt, %add3A, %sign3A_3 : i32
    %sign3A_5 = arith.extui %sign3A_4 : i1 to i32
    %sign3A_6 = arith.subi %sign3A_2, %sign3A_5 : i32
    %sign3A_7 = arith.constant 0 : i32
    %sign3A_8 = arith.cmpi sgt, %jit3A, %sign3A_7 : i32
    %sign3A_9 = arith.extui %sign3A_8 : i1 to i32
    %sign3A_10 = arith.constant 0 : i32
    %sign3A_11 = arith.cmpi slt, %jit3A, %sign3A_10 : i32
    %sign3A_12 = arith.extui %sign3A_11 : i1 to i32
    %sign3A_13 = arith.subi %sign3A_9, %sign3A_12 : i32
    %ne3A = arith.cmpi ne, %sign3A_6, %sign3A_13 : i32
    %rem3A = arith.remsi %add3A, %jit3A : i32
    %ne3A_14 = arith.constant 0 : i32
    %ne3A_15 = arith.cmpi ne, %rem3A, %ne3A_14 : i32
    %and3A = arith.andi %ne3A, %ne3A_15 : i1
    %sub3A = arith.constant 1 : i32
    %sub3A_16 = arith.subi %div3A, %sub3A : i32
    %select_n3A = arith.select %and3A, %sub3A_16, %div3A : i32
    %mul3A_17 = arith.constant 1000 : i32
    %mul3A_18 = arith.muli %select_n3A, %mul3A_17 : i32
    %jit3A_19 = arith.constant 8 : i32
    %eq3A = arith.constant 0 : i32
    %eq3A_20 = arith.cmpi eq, %jit3A_19, %eq3A : i32
    %jit3A_21 = arith.constant 1 : i32
    %select_n3A_22 = arith.select %eq3A_20, %jit3A_21, %jit3A_19 : i32
    %rem3A_23 = arith.remsi %add3A, %select_n3A_22 : i32
    %ne3A_24 = arith.constant 0 : i32
    %ne3A_25 = arith.cmpi ne, %rem3A_23, %ne3A_24 : i32
    %lt3A = arith.constant 0 : i32
    %lt3A_26 = arith.cmpi slt, %rem3A_23, %lt3A : i32
    %lt3A_27 = arith.constant 0 : i32
    %lt3A_28 = arith.cmpi slt, %select_n3A_22, %lt3A_27 : i32
    %ne3A_29 = arith.xori %lt3A_26, %lt3A_28 : i1
    %and3A_30 = arith.andi %ne3A_29, %ne3A_25 : i1
    %add3A_31 = arith.addi %rem3A_23, %select_n3A_22 : i32
    %select_n3A_32 = arith.select %and3A_30, %add3A_31, %rem3A_23 : i32
    %mul3A_33 = arith.constant 100 : i32
    %mul3A_34 = arith.muli %select_n3A_32, %mul3A_33 : i32
    %scan3A = arith.constant 0 : i32
    %scan3A_35 = arith.constant 0 : i32
    %scan3A_36 = arith.constant 20 : i32
    %scan3A_37 = arith.addi %scan3A_35, %scan3A_36 : i32
    %scan3A_38 = arith.constant 1 : i32
    scf.for %scan3A_40 = %scan3A_35 to %scan3A_37 step %scan3A_38  : i32 {
      %mul3A_41 = arith.constant 5 : i32
      %mul3A_42 = arith.muli %scan3A_40, %mul3A_41 : i32
      %mul3A_43 = arith.constant 100 : i32
      %mul3A_44 = arith.muli %add3A, %mul3A_43 : i32
      %add3A_45 = arith.addi %mul3A_44, %mul3A_42 : i32
      %add3A_46 = arith.constant 0 : i32
      %add3A_47 = arith.addi %add3A_45, %add3A_46 : i32
      %mul3A_48 = arith.constant 64 : i32
      %mul3A_49 = arith.muli %add3A_47, %mul3A_48 : i32
      %run_scoped3A = arith.constant 0 : i32
      "tpu.region"() ({
        %run_scoped3A_718 = tpu.sem_alloc : memref<!tpu.dma_semaphore, #tpu.memory_space<semaphore_mem>>
        %dma_start3A_719 = arith.constant 0 : i32
        %dma_start3A_720 = tpu.memref_slice %arg5[%run_scoped3A, %dma_start3A_719] : memref<5x64xi32, #tpu.memory_space<vmem>> -> memref<1x64xi32, #tpu.memory_space<vmem>>
        %dma_start3A_721 = tpu.memref_squeeze %dma_start3A_720 : memref<1x64xi32, #tpu.memory_space<vmem>> -> memref<64xi32, #tpu.memory_space<vmem>>
        %dma_start3A_722 = tpu.memref_slice %arg2[%mul3A_49] : memref<204800xi32, #tpu.memory_space<hbm>> -> memref<64xi32, #tpu.memory_space<hbm>>
        %dma_start3A_723 = arith.constant 0 : i32
        %dma_start3A_724 = tpu.memref_slice %arg5[%run_scoped3A, %dma_start3A_723] : memref<5x64xi32, #tpu.memory_space<vmem>> -> memref<1x64xi32, #tpu.memory_space<vmem>>
        %dma_start3A_725 = tpu.memref_squeeze %dma_start3A_724 : memref<1x64xi32, #tpu.memory_space<vmem>> -> memref<64xi32, #tpu.memory_space<vmem>>
        %dma_start3A_726 = tpu.memref_slice %arg2[%mul3A_49] : memref<204800xi32, #tpu.memory_space<hbm>> -> memref<64xi32, #tpu.memory_space<hbm>>
        tpu.enqueue_dma source(%dma_start3A_726 : memref<64xi32, #tpu.memory_space<hbm>>) target(%dma_start3A_725 : memref<64xi32, #tpu.memory_space<vmem>>) target_semaphore(%run_scoped3A_718 : memref<!tpu.dma_semaphore, #tpu.memory_space<semaphore_mem>>)
        %dma_wait3A_727 = arith.constant 0 : i32
        %dma_wait3A_728 = tpu.memref_slice %arg5[%run_scoped3A, %dma_wait3A_727] : memref<5x64xi32, #tpu.memory_space<vmem>> -> memref<1x64xi32, #tpu.memory_space<vmem>>
        %dma_wait3A_729 = tpu.memref_squeeze %dma_wait3A_728 : memref<1x64xi32, #tpu.memory_space<vmem>> -> memref<64xi32, #tpu.memory_space<vmem>>
        %dma_wait3A_730 = tpu.memref_slice %arg2[%mul3A_49] : memref<204800xi32, #tpu.memory_space<hbm>> -> memref<64xi32, #tpu.memory_space<hbm>>
        %dma_wait3A_731 = arith.constant 0 : i32
        %dma_wait3A_732 = tpu.memref_slice %arg5[%run_scoped3A, %dma_wait3A_731] : memref<5x64xi32, #tpu.memory_space<vmem>> -> memref<1x64xi32, #tpu.memory_space<vmem>>
        %dma_wait3A_733 = tpu.memref_squeeze %dma_wait3A_732 : memref<1x64xi32, #tpu.memory_space<vmem>> -> memref<64xi32, #tpu.memory_space<vmem>>
        %dma_wait3A_734 = tpu.memref_slice %arg2[%mul3A_49] : memref<204800xi32, #tpu.memory_space<hbm>> -> memref<64xi32, #tpu.memory_space<hbm>>
        tpu.wait_dma2 semaphore(%run_scoped3A_718 : memref<!tpu.dma_semaphore, #tpu.memory_space<semaphore_mem>>) src(%dma_wait3A_734 : memref<64xi32, #tpu.memory_space<hbm>>) dst(%dma_wait3A_733 : memref<64xi32, #tpu.memory_space<vmem>>)
        tpu.yield
      }) : () -> ()
      %get3A = arith.constant 0 : i32
      %get3A_50 = arith.index_cast %get3A : i32 to index
      %get3A_51 = arith.constant 0 : index
      %get3A_52 = tpu.vector_load %arg5[%get3A_50, %get3A_51] {strides = array<i32>} : memref<5x64xi32, #tpu.memory_space<vmem>>, vector<1x16xi32>,
      %get3A_53 = vector.shape_cast %get3A_52 : vector<1x16xi32> to vector<16xi32>
      %add3A_54 = vector.broadcast %mul3A_18 : i32 to vector<16xi32>
      %add3A_55 = arith.addi %get3A_53, %add3A_54 : vector<16xi32>
      %swap3A = arith.constant 0 : i32
      %swap3A_56 = arith.index_cast %swap3A : i32 to index
      %swap3A_57 = arith.constant 0 : index
      %swap3A_58 = tpu.vector_load %arg5[%swap3A_56, %swap3A_57] {strides = array<i32>} : memref<5x64xi32, #tpu.memory_space<vmem>>, vector<1x16xi32>,
      %swap3A_59 = vector.shape_cast %swap3A_58 : vector<1x16xi32> to vector<16xi32>
      %swap3A_60 = vector.shape_cast %add3A_55 : vector<16xi32> to vector<1x16xi32>
      tpu.vector_store %arg5[%swap3A_56, %swap3A_57], %swap3A_60 {strides = array<i32>} : memref<5x64xi32, #tpu.memory_space<vmem>>, vector<1x16xi32>,
      %get3A_61 = arith.constant 0 : i32
      %get3A_62 = arith.index_cast %get3A_61 : i32 to index
      %get3A_63 = arith.constant 16 : index
      %get3A_64 = tpu.vector_load %arg5[%get3A_62, %get3A_63] {strides = array<i32>} : memref<5x64xi32, #tpu.memory_space<vmem>>, vector<1x16xi32>,
      %get3A_65 = vector.shape_cast %get3A_64 : vector<1x16xi32> to vector<16xi32>
      %add3A_66 = vector.broadcast %mul3A_18 : i32 to vector<16xi32>
      %add3A_67 = arith.addi %get3A_65, %add3A_66 : vector<16xi32>
      %swap3A_68 = arith.constant 0 : i32
      %swap3A_69 = arith.index_cast %swap3A_68 : i32 to index
      %swap3A_70 = arith.constant 16 : index
      %swap3A_71 = tpu.vector_load %arg5[%swap3A_69, %swap3A_70] {strides = array<i32>} : memref<5x64xi32, #tpu.memory_space<vmem>>, vector<1x16xi32>,
      %swap3A_72 = vector.shape_cast %swap3A_71 : vector<1x16xi32> to vector<16xi32>
      %swap3A_73 = vector.shape_cast %add3A_67 : vector<16xi32> to vector<1x16xi32>
      tpu.vector_store %arg5[%swap3A_69, %swap3A_70], %swap3A_73 {strides = array<i32>} : memref<5x64xi32, #tpu.memory_space<vmem>>, vector<1x16xi32>,
      %get3A_74 = arith.constant 0 : i32
      %get3A_75 = arith.index_cast %get3A_74 : i32 to index
      %get3A_76 = arith.constant 32 : index
      %get3A_77 = tpu.vector_load %arg5[%get3A_75, %get3A_76] {strides = array<i32>} : memref<5x64xi32, #tpu.memory_space<vmem>>, vector<1x16xi32>,
      %get3A_78 = vector.shape_cast %get3A_77 : vector<1x16xi32> to vector<16xi32>
      %add3A_79 = vector.broadcast %mul3A_18 : i32 to vector<16xi32>
      %add3A_80 = arith.addi %get3A_78, %add3A_79 : vector<16xi32>
      %swap3A_81 = arith.constant 0 : i32
      %swap3A_82 = arith.index_cast %swap3A_81 : i32 to index
      %swap3A_83 = arith.constant 32 : index
      %swap3A_84 = tpu.vector_load %arg5[%swap3A_82, %swap3A_83] {strides = array<i32>} : memref<5x64xi32, #tpu.memory_space<vmem>>, vector<1x16xi32>,
      %swap3A_85 = vector.shape_cast %swap3A_84 : vector<1x16xi32> to vector<16xi32>
      %swap3A_86 = vector.shape_cast %add3A_80 : vector<16xi32> to vector<1x16xi32>
      tpu.vector_store %arg5[%swap3A_82, %swap3A_83], %swap3A_86 {strides = array<i32>} : memref<5x64xi32, #tpu.memory_space<vmem>>, vector<1x16xi32>,
      %get3A_87 = arith.constant 0 : i32
      %get3A_88 = arith.index_cast %get3A_87 : i32 to index
      %get3A_89 = arith.constant 48 : index
      %get3A_90 = tpu.vector_load %arg5[%get3A_88, %get3A_89] {strides = array<i32>} : memref<5x64xi32, #tpu.memory_space<vmem>>, vector<1x16xi32>,
      %get3A_91 = vector.shape_cast %get3A_90 : vector<1x16xi32> to vector<16xi32>
      %add3A_92 = vector.broadcast %mul3A_18 : i32 to vector<16xi32>
      %add3A_93 = arith.addi %get3A_91, %add3A_92 : vector<16xi32>
      %swap3A_94 = arith.constant 0 : i32
      %swap3A_95 = arith.index_cast %swap3A_94 : i32 to index
      %swap3A_96 = arith.constant 48 : index
      %swap3A_97 = tpu.vector_load %arg5[%swap3A_95, %swap3A_96] {strides = array<i32>} : memref<5x64xi32, #tpu.memory_space<vmem>>, vector<1x16xi32>,
      %swap3A_98 = vector.shape_cast %swap3A_97 : vector<1x16xi32> to vector<16xi32>
      %swap3A_99 = vector.shape_cast %add3A_93 : vector<16xi32> to vector<1x16xi32>
      tpu.vector_store %arg5[%swap3A_95, %swap3A_96], %swap3A_99 {strides = array<i32>} : memref<5x64xi32, #tpu.memory_space<vmem>>, vector<1x16xi32>,
      %mul3A_100 = arith.constant 100 : i32
      %mul3A_101 = arith.muli %add3A, %mul3A_100 : i32
      %add3A_102 = arith.addi %mul3A_101, %mul3A_42 : i32
      %add3A_103 = arith.constant 1 : i32
      %add3A_104 = arith.addi %add3A_102, %add3A_103 : i32
      %mul3A_105 = arith.constant 64 : i32
      %mul3A_106 = arith.muli %add3A_104, %mul3A_105 : i32
      %run_scoped3A_107 = arith.constant 1 : i32
      "tpu.region"() ({
        %run_scoped3A_718 = tpu.sem_alloc : memref<!tpu.dma_semaphore, #tpu.memory_space<semaphore_mem>>
        %dma_start3A_719 = arith.constant 0 : i32
        %dma_start3A_720 = tpu.memref_slice %arg5[%run_scoped3A_107, %dma_start3A_719] : memref<5x64xi32, #tpu.memory_space<vmem>> -> memref<1x64xi32, #tpu.memory_space<vmem>>
        %dma_start3A_721 = tpu.memref_squeeze %dma_start3A_720 : memref<1x64xi32, #tpu.memory_space<vmem>> -> memref<64xi32, #tpu.memory_space<vmem>>
        %dma_start3A_722 = tpu.memref_slice %arg2[%mul3A_106] : memref<204800xi32, #tpu.memory_space<hbm>> -> memref<64xi32, #tpu.memory_space<hbm>>
        %dma_start3A_723 = arith.constant 0 : i32
        %dma_start3A_724 = tpu.memref_slice %arg5[%run_scoped3A_107, %dma_start3A_723] : memref<5x64xi32, #tpu.memory_space<vmem>> -> memref<1x64xi32, #tpu.memory_space<vmem>>
        %dma_start3A_725 = tpu.memref_squeeze %dma_start3A_724 : memref<1x64xi32, #tpu.memory_space<vmem>> -> memref<64xi32, #tpu.memory_space<vmem>>
        %dma_start3A_726 = tpu.memref_slice %arg2[%mul3A_106] : memref<204800xi32, #tpu.memory_space<hbm>> -> memref<64xi32, #tpu.memory_space<hbm>>
        tpu.enqueue_dma source(%dma_start3A_726 : memref<64xi32, #tpu.memory_space<hbm>>) target(%dma_start3A_725 : memref<64xi32, #tpu.memory_space<vmem>>) target_semaphore(%run_scoped3A_718 : memref<!tpu.dma_semaphore, #tpu.memory_space<semaphore_mem>>)
        %dma_wait3A_727 = arith.constant 0 : i32
        %dma_wait3A_728 = tpu.memref_slice %arg5[%run_scoped3A_107, %dma_wait3A_727] : memref<5x64xi32, #tpu.memory_space<vmem>> -> memref<1x64xi32, #tpu.memory_space<vmem>>
        %dma_wait3A_729 = tpu.memref_squeeze %dma_wait3A_728 : memref<1x64xi32, #tpu.memory_space<vmem>> -> memref<64xi32, #tpu.memory_space<vmem>>
        %dma_wait3A_730 = tpu.memref_slice %arg2[%mul3A_106] : memref<204800xi32, #tpu.memory_space<hbm>> -> memref<64xi32, #tpu.memory_space<hbm>>
        %dma_wait3A_731 = arith.constant 0 : i32
        %dma_wait3A_732 = tpu.memref_slice %arg5[%run_scoped3A_107, %dma_wait3A_731] : memref<5x64xi32, #tpu.memory_space<vmem>> -> memref<1x64xi32, #tpu.memory_space<vmem>>
        %dma_wait3A_733 = tpu.memref_squeeze %dma_wait3A_732 : memref<1x64xi32, #tpu.memory_space<vmem>> -> memref<64xi32, #tpu.memory_space<vmem>>
        %dma_wait3A_734 = tpu.memref_slice %arg2[%mul3A_106] : memref<204800xi32, #tpu.memory_space<hbm>> -> memref<64xi32, #tpu.memory_space<hbm>>
        tpu.wait_dma2 semaphore(%run_scoped3A_718 : memref<!tpu.dma_semaphore, #tpu.memory_space<semaphore_mem>>) src(%dma_wait3A_734 : memref<64xi32, #tpu.memory_space<hbm>>) dst(%dma_wait3A_733 : memref<64xi32, #tpu.memory_space<vmem>>)
        tpu.yield
      }) : () -> ()
      %get3A_108 = arith.constant 1 : i32
      %get3A_109 = arith.index_cast %get3A_108 : i32 to index
      %get3A_110 = arith.constant 0 : index
      %get3A_111 = tpu.vector_load %arg5[%get3A_109, %get3A_110] {strides = array<i32>} : memref<5x64xi32, #tpu.memory_space<vmem>>, vector<1x16xi32>,
      %get3A_112 = vector.shape_cast %get3A_111 : vector<1x16xi32> to vector<16xi32>
      %add3A_113 = vector.broadcast %mul3A_18 : i32 to vector<16xi32>
      %add3A_114 = arith.addi %get3A_112, %add3A_113 : vector<16xi32>
      %swap3A_115 = arith.constant 1 : i32
      %swap3A_116 = arith.index_cast %swap3A_115 : i32 to index
      %swap3A_117 = arith.constant 0 : index
      %swap3A_118 = tpu.vector_load %arg5[%swap3A_116, %swap3A_117] {strides = array<i32>} : memref<5x64xi32, #tpu.memory_space<vmem>>, vector<1x16xi32>,
      %swap3A_119 = vector.shape_cast %swap3A_118 : vector<1x16xi32> to vector<16xi32>
      %swap3A_120 = vector.shape_cast %add3A_114 : vector<16xi32> to vector<1x16xi32>
      tpu.vector_store %arg5[%swap3A_116, %swap3A_117], %swap3A_120 {strides = array<i32>} : memref<5x64xi32, #tpu.memory_space<vmem>>, vector<1x16xi32>,
      %get3A_121 = arith.constant 1 : i32
      %get3A_122 = arith.index_cast %get3A_121 : i32 to index
      %get3A_123 = arith.constant 16 : index
      %get3A_124 = tpu.vector_load %arg5[%get3A_122, %get3A_123] {strides = array<i32>} : memref<5x64xi32, #tpu.memory_space<vmem>>, vector<1x16xi32>,
      %get3A_125 = vector.shape_cast %get3A_124 : vector<1x16xi32> to vector<16xi32>
      %add3A_126 = vector.broadcast %mul3A_18 : i32 to vector<16xi32>
      %add3A_127 = arith.addi %get3A_125, %add3A_126 : vector<16xi32>
      %swap3A_128 = arith.constant 1 : i32
      %swap3A_129 = arith.index_cast %swap3A_128 : i32 to index
      %swap3A_130 = arith.constant 16 : index
      %swap3A_131 = tpu.vector_load %arg5[%swap3A_129, %swap3A_130] {strides = array<i32>} : memref<5x64xi32, #tpu.memory_space<vmem>>, vector<1x16xi32>,
      %swap3A_132 = vector.shape_cast %swap3A_131 : vector<1x16xi32> to vector<16xi32>
      %swap3A_133 = vector.shape_cast %add3A_127 : vector<16xi32> to vector<1x16xi32>
      tpu.vector_store %arg5[%swap3A_129, %swap3A_130], %swap3A_133 {strides = array<i32>} : memref<5x64xi32, #tpu.memory_space<vmem>>, vector<1x16xi32>,
      %get3A_134 = arith.constant 1 : i32
      %get3A_135 = arith.index_cast %get3A_134 : i32 to index
      %get3A_136 = arith.constant 32 : index
      %get3A_137 = tpu.vector_load %arg5[%get3A_135, %get3A_136] {strides = array<i32>} : memref<5x64xi32, #tpu.memory_space<vmem>>, vector<1x16xi32>,
      %get3A_138 = vector.shape_cast %get3A_137 : vector<1x16xi32> to vector<16xi32>
      %add3A_139 = vector.broadcast %mul3A_18 : i32 to vector<16xi32>
      %add3A_140 = arith.addi %get3A_138, %add3A_139 : vector<16xi32>
      %swap3A_141 = arith.constant 1 : i32
      %swap3A_142 = arith.index_cast %swap3A_141 : i32 to index
      %swap3A_143 = arith.constant 32 : index
      %swap3A_144 = tpu.vector_load %arg5[%swap3A_142, %swap3A_143] {strides = array<i32>} : memref<5x64xi32, #tpu.memory_space<vmem>>, vector<1x16xi32>,
      %swap3A_145 = vector.shape_cast %swap3A_144 : vector<1x16xi32> to vector<16xi32>
      %swap3A_146 = vector.shape_cast %add3A_140 : vector<16xi32> to vector<1x16xi32>
      tpu.vector_store %arg5[%swap3A_142, %swap3A_143], %swap3A_146 {strides = array<i32>} : memref<5x64xi32, #tpu.memory_space<vmem>>, vector<1x16xi32>,
      %get3A_147 = arith.constant 1 : i32
      %get3A_148 = arith.index_cast %get3A_147 : i32 to index
      %get3A_149 = arith.constant 48 : index
      %get3A_150 = tpu.vector_load %arg5[%get3A_148, %get3A_149] {strides = array<i32>} : memref<5x64xi32, #tpu.memory_space<vmem>>, vector<1x16xi32>,
      %get3A_151 = vector.shape_cast %get3A_150 : vector<1x16xi32> to vector<16xi32>
      %add3A_152 = vector.broadcast %mul3A_18 : i32 to vector<16xi32>
      %add3A_153 = arith.addi %get3A_151, %add3A_152 : vector<16xi32>
      %swap3A_154 = arith.constant 1 : i32
      %swap3A_155 = arith.index_cast %swap3A_154 : i32 to index
      %swap3A_156 = arith.constant 48 : index
      %swap3A_157 = tpu.vector_load %arg5[%swap3A_155, %swap3A_156] {strides = array<i32>} : memref<5x64xi32, #tpu.memory_space<vmem>>, vector<1x16xi32>,
      %swap3A_158 = vector.shape_cast %swap3A_157 : vector<1x16xi32> to vector<16xi32>
      %swap3A_159 = vector.shape_cast %add3A_153 : vector<16xi32> to vector<1x16xi32>
      tpu.vector_store %arg5[%swap3A_155, %swap3A_156], %swap3A_159 {strides = array<i32>} : memref<5x64xi32, #tpu.memory_space<vmem>>, vector<1x16xi32>,
      %mul3A_160 = arith.constant 100 : i32
      %mul3A_161 = arith.muli %add3A, %mul3A_160 : i32
      %add3A_162 = arith.addi %mul3A_161, %mul3A_42 : i32
      %add3A_163 = arith.constant 2 : i32
      %add3A_164 = arith.addi %add3A_162, %add3A_163 : i32
      %mul3A_165 = arith.constant 64 : i32
      %mul3A_166 = arith.muli %add3A_164, %mul3A_165 : i32
      %run_scoped3A_167 = arith.constant 2 : i32
      "tpu.region"() ({
        %run_scoped3A_718 = tpu.sem_alloc : memref<!tpu.dma_semaphore, #tpu.memory_space<semaphore_mem>>
        %dma_start3A_719 = arith.constant 0 : i32
        %dma_start3A_720 = tpu.memref_slice %arg5[%run_scoped3A_167, %dma_start3A_719] : memref<5x64xi32, #tpu.memory_space<vmem>> -> memref<1x64xi32, #tpu.memory_space<vmem>>
        %dma_start3A_721 = tpu.memref_squeeze %dma_start3A_720 : memref<1x64xi32, #tpu.memory_space<vmem>> -> memref<64xi32, #tpu.memory_space<vmem>>
        %dma_start3A_722 = tpu.memref_slice %arg2[%mul3A_166] : memref<204800xi32, #tpu.memory_space<hbm>> -> memref<64xi32, #tpu.memory_space<hbm>>
        %dma_start3A_723 = arith.constant 0 : i32
        %dma_start3A_724 = tpu.memref_slice %arg5[%run_scoped3A_167, %dma_start3A_723] : memref<5x64xi32, #tpu.memory_space<vmem>> -> memref<1x64xi32, #tpu.memory_space<vmem>>
        %dma_start3A_725 = tpu.memref_squeeze %dma_start3A_724 : memref<1x64xi32, #tpu.memory_space<vmem>> -> memref<64xi32, #tpu.memory_space<vmem>>
        %dma_start3A_726 = tpu.memref_slice %arg2[%mul3A_166] : memref<204800xi32, #tpu.memory_space<hbm>> -> memref<64xi32, #tpu.memory_space<hbm>>
        tpu.enqueue_dma source(%dma_start3A_726 : memref<64xi32, #tpu.memory_space<hbm>>) target(%dma_start3A_725 : memref<64xi32, #tpu.memory_space<vmem>>) target_semaphore(%run_scoped3A_718 : memref<!tpu.dma_semaphore, #tpu.memory_space<semaphore_mem>>)
        %dma_wait3A_727 = arith.constant 0 : i32
        %dma_wait3A_728 = tpu.memref_slice %arg5[%run_scoped3A_167, %dma_wait3A_727] : memref<5x64xi32, #tpu.memory_space<vmem>> -> memref<1x64xi32, #tpu.memory_space<vmem>>
        %dma_wait3A_729 = tpu.memref_squeeze %dma_wait3A_728 : memref<1x64xi32, #tpu.memory_space<vmem>> -> memref<64xi32, #tpu.memory_space<vmem>>
        %dma_wait3A_730 = tpu.memref_slice %arg2[%mul3A_166] : memref<204800xi32, #tpu.memory_space<hbm>> -> memref<64xi32, #tpu.memory_space<hbm>>
        %dma_wait3A_731 = arith.constant 0 : i32
        %dma_wait3A_732 = tpu.memref_slice %arg5[%run_scoped3A_167, %dma_wait3A_731] : memref<5x64xi32, #tpu.memory_space<vmem>> -> memref<1x64xi32, #tpu.memory_space<vmem>>
        %dma_wait3A_733 = tpu.memref_squeeze %dma_wait3A_732 : memref<1x64xi32, #tpu.memory_space<vmem>> -> memref<64xi32, #tpu.memory_space<vmem>>
        %dma_wait3A_734 = tpu.memref_slice %arg2[%mul3A_166] : memref<204800xi32, #tpu.memory_space<hbm>> -> memref<64xi32, #tpu.memory_space<hbm>>
        tpu.wait_dma2 semaphore(%run_scoped3A_718 : memref<!tpu.dma_semaphore, #tpu.memory_space<semaphore_mem>>) src(%dma_wait3A_734 : memref<64xi32, #tpu.memory_space<hbm>>) dst(%dma_wait3A_733 : memref<64xi32, #tpu.memory_space<vmem>>)
        tpu.yield
      }) : () -> ()
      %get3A_168 = arith.constant 2 : i32
      %get3A_169 = arith.index_cast %get3A_168 : i32 to index
      %get3A_170 = arith.constant 0 : index
      %get3A_171 = tpu.vector_load %arg5[%get3A_169, %get3A_170] {strides = array<i32>} : memref<5x64xi32, #tpu.memory_space<vmem>>, vector<1x16xi32>,
      %get3A_172 = vector.shape_cast %get3A_171 : vector<1x16xi32> to vector<16xi32>
      %add3A_173 = vector.broadcast %mul3A_18 : i32 to vector<16xi32>
      %add3A_174 = arith.addi %get3A_172, %add3A_173 : vector<16xi32>
      %swap3A_175 = arith.constant 2 : i32
      %swap3A_176 = arith.index_cast %swap3A_175 : i32 to index
      %swap3A_177 = arith.constant 0 : index
      %swap3A_178 = tpu.vector_load %arg5[%swap3A_176, %swap3A_177] {strides = array<i32>} : memref<5x64xi32, #tpu.memory_space<vmem>>, vector<1x16xi32>,
      %swap3A_179 = vector.shape_cast %swap3A_178 : vector<1x16xi32> to vector<16xi32>
      %swap3A_180 = vector.shape_cast %add3A_174 : vector<16xi32> to vector<1x16xi32>
      tpu.vector_store %arg5[%swap3A_176, %swap3A_177], %swap3A_180 {strides = array<i32>} : memref<5x64xi32, #tpu.memory_space<vmem>>, vector<1x16xi32>,
      %get3A_181 = arith.constant 2 : i32
      %get3A_182 = arith.index_cast %get3A_181 : i32 to index
      %get3A_183 = arith.constant 16 : index
      %get3A_184 = tpu.vector_load %arg5[%get3A_182, %get3A_183] {strides = array<i32>} : memref<5x64xi32, #tpu.memory_space<vmem>>, vector<1x16xi32>,
      %get3A_185 = vector.shape_cast %get3A_184 : vector<1x16xi32> to vector<16xi32>
      %add3A_186 = vector.broadcast %mul3A_18 : i32 to vector<16xi32>
      %add3A_187 = arith.addi %get3A_185, %add3A_186 : vector<16xi32>
      %swap3A_188 = arith.constant 2 : i32
      %swap3A_189 = arith.index_cast %swap3A_188 : i32 to index
      %swap3A_190 = arith.constant 16 : index
      %swap3A_191 = tpu.vector_load %arg5[%swap3A_189, %swap3A_190] {strides = array<i32>} : memref<5x64xi32, #tpu.memory_space<vmem>>, vector<1x16xi32>,
      %swap3A_192 = vector.shape_cast %swap3A_191 : vector<1x16xi32> to vector<16xi32>
      %swap3A_193 = vector.shape_cast %add3A_187 : vector<16xi32> to vector<1x16xi32>
      tpu.vector_store %arg5[%swap3A_189, %swap3A_190], %swap3A_193 {strides = array<i32>} : memref<5x64xi32, #tpu.memory_space<vmem>>, vector<1x16xi32>,
      %get3A_194 = arith.constant 2 : i32
      %get3A_195 = arith.index_cast %get3A_194 : i32 to index
      %get3A_196 = arith.constant 32 : index
      %get3A_197 = tpu.vector_load %arg5[%get3A_195, %get3A_196] {strides = array<i32>} : memref<5x64xi32, #tpu.memory_space<vmem>>, vector<1x16xi32>,
      %get3A_198 = vector.shape_cast %get3A_197 : vector<1x16xi32> to vector<16xi32>
      %add3A_199 = vector.broadcast %mul3A_18 : i32 to vector<16xi32>
      %add3A_200 = arith.addi %get3A_198, %add3A_199 : vector<16xi32>
      %swap3A_201 = arith.constant 2 : i32
      %swap3A_202 = arith.index_cast %swap3A_201 : i32 to index
      %swap3A_203 = arith.constant 32 : index
      %swap3A_204 = tpu.vector_load %arg5[%swap3A_202, %swap3A_203] {strides = array<i32>} : memref<5x64xi32, #tpu.memory_space<vmem>>, vector<1x16xi32>,
      %swap3A_205 = vector.shape_cast %swap3A_204 : vector<1x16xi32> to vector<16xi32>
      %swap3A_206 = vector.shape_cast %add3A_200 : vector<16xi32> to vector<1x16xi32>
      tpu.vector_store %arg5[%swap3A_202, %swap3A_203], %swap3A_206 {strides = array<i32>} : memref<5x64xi32, #tpu.memory_space<vmem>>, vector<1x16xi32>,
      %get3A_207 = arith.constant 2 : i32
      %get3A_208 = arith.index_cast %get3A_207 : i32 to index
      %get3A_209 = arith.constant 48 : index
      %get3A_210 = tpu.vector_load %arg5[%get3A_208, %get3A_209] {strides = array<i32>} : memref<5x64xi32, #tpu.memory_space<vmem>>, vector<1x16xi32>,
      %get3A_211 = vector.shape_cast %get3A_210 : vector<1x16xi32> to vector<16xi32>
      %add3A_212 = vector.broadcast %mul3A_18 : i32 to vector<16xi32>
      %add3A_213 = arith.addi %get3A_211, %add3A_212 : vector<16xi32>
      %swap3A_214 = arith.constant 2 : i32
      %swap3A_215 = arith.index_cast %swap3A_214 : i32 to index
      %swap3A_216 = arith.constant 48 : index
      %swap3A_217 = tpu.vector_load %arg5[%swap3A_215, %swap3A_216] {strides = array<i32>} : memref<5x64xi32, #tpu.memory_space<vmem>>, vector<1x16xi32>,
      %swap3A_218 = vector.shape_cast %swap3A_217 : vector<1x16xi32> to vector<16xi32>
      %swap3A_219 = vector.shape_cast %add3A_213 : vector<16xi32> to vector<1x16xi32>
      tpu.vector_store %arg5[%swap3A_215, %swap3A_216], %swap3A_219 {strides = array<i32>} : memref<5x64xi32, #tpu.memory_space<vmem>>, vector<1x16xi32>,
      %mul3A_220 = arith.constant 100 : i32
      %mul3A_221 = arith.muli %add3A, %mul3A_220 : i32
      %add3A_222 = arith.addi %mul3A_221, %mul3A_42 : i32
      %add3A_223 = arith.constant 3 : i32
      %add3A_224 = arith.addi %add3A_222, %add3A_223 : i32
      %mul3A_225 = arith.constant 64 : i32
      %mul3A_226 = arith.muli %add3A_224, %mul3A_225 : i32
      %run_scoped3A_227 = arith.constant 3 : i32
      "tpu.region"() ({
        %run_scoped3A_718 = tpu.sem_alloc : memref<!tpu.dma_semaphore, #tpu.memory_space<semaphore_mem>>
        %dma_start3A_719 = arith.constant 0 : i32
        %dma_start3A_720 = tpu.memref_slice %arg5[%run_scoped3A_227, %dma_start3A_719] : memref<5x64xi32, #tpu.memory_space<vmem>> -> memref<1x64xi32, #tpu.memory_space<vmem>>
        %dma_start3A_721 = tpu.memref_squeeze %dma_start3A_720 : memref<1x64xi32, #tpu.memory_space<vmem>> -> memref<64xi32, #tpu.memory_space<vmem>>
        %dma_start3A_722 = tpu.memref_slice %arg2[%mul3A_226] : memref<204800xi32, #tpu.memory_space<hbm>> -> memref<64xi32, #tpu.memory_space<hbm>>
        %dma_start3A_723 = arith.constant 0 : i32
        %dma_start3A_724 = tpu.memref_slice %arg5[%run_scoped3A_227, %dma_start3A_723] : memref<5x64xi32, #tpu.memory_space<vmem>> -> memref<1x64xi32, #tpu.memory_space<vmem>>
        %dma_start3A_725 = tpu.memref_squeeze %dma_start3A_724 : memref<1x64xi32, #tpu.memory_space<vmem>> -> memref<64xi32, #tpu.memory_space<vmem>>
        %dma_start3A_726 = tpu.memref_slice %arg2[%mul3A_226] : memref<204800xi32, #tpu.memory_space<hbm>> -> memref<64xi32, #tpu.memory_space<hbm>>
        tpu.enqueue_dma source(%dma_start3A_726 : memref<64xi32, #tpu.memory_space<hbm>>) target(%dma_start3A_725 : memref<64xi32, #tpu.memory_space<vmem>>) target_semaphore(%run_scoped3A_718 : memref<!tpu.dma_semaphore, #tpu.memory_space<semaphore_mem>>)
        %dma_wait3A_727 = arith.constant 0 : i32
        %dma_wait3A_728 = tpu.memref_slice %arg5[%run_scoped3A_227, %dma_wait3A_727] : memref<5x64xi32, #tpu.memory_space<vmem>> -> memref<1x64xi32, #tpu.memory_space<vmem>>
        %dma_wait3A_729 = tpu.memref_squeeze %dma_wait3A_728 : memref<1x64xi32, #tpu.memory_space<vmem>> -> memref<64xi32, #tpu.memory_space<vmem>>
        %dma_wait3A_730 = tpu.memref_slice %arg2[%mul3A_226] : memref<204800xi32, #tpu.memory_space<hbm>> -> memref<64xi32, #tpu.memory_space<hbm>>
        %dma_wait3A_731 = arith.constant 0 : i32
        %dma_wait3A_732 = tpu.memref_slice %arg5[%run_scoped3A_227, %dma_wait3A_731] : memref<5x64xi32, #tpu.memory_space<vmem>> -> memref<1x64xi32, #tpu.memory_space<vmem>>
        %dma_wait3A_733 = tpu.memref_squeeze %dma_wait3A_732 : memref<1x64xi32, #tpu.memory_space<vmem>> -> memref<64xi32, #tpu.memory_space<vmem>>
        %dma_wait3A_734 = tpu.memref_slice %arg2[%mul3A_226] : memref<204800xi32, #tpu.memory_space<hbm>> -> memref<64xi32, #tpu.memory_space<hbm>>
        tpu.wait_dma2 semaphore(%run_scoped3A_718 : memref<!tpu.dma_semaphore, #tpu.memory_space<semaphore_mem>>) src(%dma_wait3A_734 : memref<64xi32, #tpu.memory_space<hbm>>) dst(%dma_wait3A_733 : memref<64xi32, #tpu.memory_space<vmem>>)
        tpu.yield
      }) : () -> ()
      %get3A_228 = arith.constant 3 : i32
      %get3A_229 = arith.index_cast %get3A_228 : i32 to index
      %get3A_230 = arith.constant 0 : index
      %get3A_231 = tpu.vector_load %arg5[%get3A_229, %get3A_230] {strides = array<i32>} : memref<5x64xi32, #tpu.memory_space<vmem>>, vector<1x16xi32>,
      %get3A_232 = vector.shape_cast %get3A_231 : vector<1x16xi32> to vector<16xi32>
      %add3A_233 = vector.broadcast %mul3A_18 : i32 to vector<16xi32>
      %add3A_234 = arith.addi %get3A_232, %add3A_233 : vector<16xi32>
      %swap3A_235 = arith.constant 3 : i32
      %swap3A_236 = arith.index_cast %swap3A_235 : i32 to index
      %swap3A_237 = arith.constant 0 : index
      %swap3A_238 = tpu.vector_load %arg5[%swap3A_236, %swap3A_237] {strides = array<i32>} : memref<5x64xi32, #tpu.memory_space<vmem>>, vector<1x16xi32>,
      %swap3A_239 = vector.shape_cast %swap3A_238 : vector<1x16xi32> to vector<16xi32>
      %swap3A_240 = vector.shape_cast %add3A_234 : vector<16xi32> to vector<1x16xi32>
      tpu.vector_store %arg5[%swap3A_236, %swap3A_237], %swap3A_240 {strides = array<i32>} : memref<5x64xi32, #tpu.memory_space<vmem>>, vector<1x16xi32>,
      %get3A_241 = arith.constant 3 : i32
      %get3A_242 = arith.index_cast %get3A_241 : i32 to index
      %get3A_243 = arith.constant 16 : index
      %get3A_244 = tpu.vector_load %arg5[%get3A_242, %get3A_243] {strides = array<i32>} : memref<5x64xi32, #tpu.memory_space<vmem>>, vector<1x16xi32>,
      %get3A_245 = vector.shape_cast %get3A_244 : vector<1x16xi32> to vector<16xi32>
      %add3A_246 = vector.broadcast %mul3A_18 : i32 to vector<16xi32>
      %add3A_247 = arith.addi %get3A_245, %add3A_246 : vector<16xi32>
      %swap3A_248 = arith.constant 3 : i32
      %swap3A_249 = arith.index_cast %swap3A_248 : i32 to index
      %swap3A_250 = arith.constant 16 : index
      %swap3A_251 = tpu.vector_load %arg5[%swap3A_249, %swap3A_250] {strides = array<i32>} : memref<5x64xi32, #tpu.memory_space<vmem>>, vector<1x16xi32>,
      %swap3A_252 = vector.shape_cast %swap3A_251 : vector<1x16xi32> to vector<16xi32>
      %swap3A_253 = vector.shape_cast %add3A_247 : vector<16xi32> to vector<1x16xi32>
      tpu.vector_store %arg5[%swap3A_249, %swap3A_250], %swap3A_253 {strides = array<i32>} : memref<5x64xi32, #tpu.memory_space<vmem>>, vector<1x16xi32>,
      %get3A_254 = arith.constant 3 : i32
      %get3A_255 = arith.index_cast %get3A_254 : i32 to index
      %get3A_256 = arith.constant 32 : index
      %get3A_257 = tpu.vector_load %arg5[%get3A_255, %get3A_256] {strides = array<i32>} : memref<5x64xi32, #tpu.memory_space<vmem>>, vector<1x16xi32>,
      %get3A_258 = vector.shape_cast %get3A_257 : vector<1x16xi32> to vector<16xi32>
      %add3A_259 = vector.broadcast %mul3A_18 : i32 to vector<16xi32>
      %add3A_260 = arith.addi %get3A_258, %add3A_259 : vector<16xi32>
      %swap3A_261 = arith.constant 3 : i32
      %swap3A_262 = arith.index_cast %swap3A_261 : i32 to index
      %swap3A_263 = arith.constant 32 : index
      %swap3A_264 = tpu.vector_load %arg5[%swap3A_262, %swap3A_263] {strides = array<i32>} : memref<5x64xi32, #tpu.memory_space<vmem>>, vector<1x16xi32>,
      %swap3A_265 = vector.shape_cast %swap3A_264 : vector<1x16xi32> to vector<16xi32>
      %swap3A_266 = vector.shape_cast %add3A_260 : vector<16xi32> to vector<1x16xi32>
      tpu.vector_store %arg5[%swap3A_262, %swap3A_263], %swap3A_266 {strides = array<i32>} : memref<5x64xi32, #tpu.memory_space<vmem>>, vector<1x16xi32>,
      %get3A_267 = arith.constant 3 : i32
      %get3A_268 = arith.index_cast %get3A_267 : i32 to index
      %get3A_269 = arith.constant 48 : index
      %get3A_270 = tpu.vector_load %arg5[%get3A_268, %get3A_269] {strides = array<i32>} : memref<5x64xi32, #tpu.memory_space<vmem>>, vector<1x16xi32>,
      %get3A_271 = vector.shape_cast %get3A_270 : vector<1x16xi32> to vector<16xi32>
      %add3A_272 = vector.broadcast %mul3A_18 : i32 to vector<16xi32>
      %add3A_273 = arith.addi %get3A_271, %add3A_272 : vector<16xi32>
      %swap3A_274 = arith.constant 3 : i32
      %swap3A_275 = arith.index_cast %swap3A_274 : i32 to index
      %swap3A_276 = arith.constant 48 : index
      %swap3A_277 = tpu.vector_load %arg5[%swap3A_275, %swap3A_276] {strides = array<i32>} : memref<5x64xi32, #tpu.memory_space<vmem>>, vector<1x16xi32>,
      %swap3A_278 = vector.shape_cast %swap3A_277 : vector<1x16xi32> to vector<16xi32>
      %swap3A_279 = vector.shape_cast %add3A_273 : vector<16xi32> to vector<1x16xi32>
      tpu.vector_store %arg5[%swap3A_275, %swap3A_276], %swap3A_279 {strides = array<i32>} : memref<5x64xi32, #tpu.memory_space<vmem>>, vector<1x16xi32>,
      %mul3A_280 = arith.constant 100 : i32
      %mul3A_281 = arith.muli %add3A, %mul3A_280 : i32
      %add3A_282 = arith.addi %mul3A_281, %mul3A_42 : i32
      %add3A_283 = arith.constant 4 : i32
      %add3A_284 = arith.addi %add3A_282, %add3A_283 : i32
      %mul3A_285 = arith.constant 64 : i32
      %mul3A_286 = arith.muli %add3A_284, %mul3A_285 : i32
      %run_scoped3A_287 = arith.constant 4 : i32
      "tpu.region"() ({
        %run_scoped3A_718 = tpu.sem_alloc : memref<!tpu.dma_semaphore, #tpu.memory_space<semaphore_mem>>
        %dma_start3A_719 = arith.constant 0 : i32
        %dma_start3A_720 = tpu.memref_slice %arg5[%run_scoped3A_287, %dma_start3A_719] : memref<5x64xi32, #tpu.memory_space<vmem>> -> memref<1x64xi32, #tpu.memory_space<vmem>>
        %dma_start3A_721 = tpu.memref_squeeze %dma_start3A_720 : memref<1x64xi32, #tpu.memory_space<vmem>> -> memref<64xi32, #tpu.memory_space<vmem>>
        %dma_start3A_722 = tpu.memref_slice %arg2[%mul3A_286] : memref<204800xi32, #tpu.memory_space<hbm>> -> memref<64xi32, #tpu.memory_space<hbm>>
        %dma_start3A_723 = arith.constant 0 : i32
        %dma_start3A_724 = tpu.memref_slice %arg5[%run_scoped3A_287, %dma_start3A_723] : memref<5x64xi32, #tpu.memory_space<vmem>> -> memref<1x64xi32, #tpu.memory_space<vmem>>
        %dma_start3A_725 = tpu.memref_squeeze %dma_start3A_724 : memref<1x64xi32, #tpu.memory_space<vmem>> -> memref<64xi32, #tpu.memory_space<vmem>>
        %dma_start3A_726 = tpu.memref_slice %arg2[%mul3A_286] : memref<204800xi32, #tpu.memory_space<hbm>> -> memref<64xi32, #tpu.memory_space<hbm>>
        tpu.enqueue_dma source(%dma_start3A_726 : memref<64xi32, #tpu.memory_space<hbm>>) target(%dma_start3A_725 : memref<64xi32, #tpu.memory_space<vmem>>) target_semaphore(%run_scoped3A_718 : memref<!tpu.dma_semaphore, #tpu.memory_space<semaphore_mem>>)
        %dma_wait3A_727 = arith.constant 0 : i32
        %dma_wait3A_728 = tpu.memref_slice %arg5[%run_scoped3A_287, %dma_wait3A_727] : memref<5x64xi32, #tpu.memory_space<vmem>> -> memref<1x64xi32, #tpu.memory_space<vmem>>
        %dma_wait3A_729 = tpu.memref_squeeze %dma_wait3A_728 : memref<1x64xi32, #tpu.memory_space<vmem>> -> memref<64xi32, #tpu.memory_space<vmem>>
        %dma_wait3A_730 = tpu.memref_slice %arg2[%mul3A_286] : memref<204800xi32, #tpu.memory_space<hbm>> -> memref<64xi32, #tpu.memory_space<hbm>>
        %dma_wait3A_731 = arith.constant 0 : i32
        %dma_wait3A_732 = tpu.memref_slice %arg5[%run_scoped3A_287, %dma_wait3A_731] : memref<5x64xi32, #tpu.memory_space<vmem>> -> memref<1x64xi32, #tpu.memory_space<vmem>>
        %dma_wait3A_733 = tpu.memref_squeeze %dma_wait3A_732 : memref<1x64xi32, #tpu.memory_space<vmem>> -> memref<64xi32, #tpu.memory_space<vmem>>
        %dma_wait3A_734 = tpu.memref_slice %arg2[%mul3A_286] : memref<204800xi32, #tpu.memory_space<hbm>> -> memref<64xi32, #tpu.memory_space<hbm>>
        tpu.wait_dma2 semaphore(%run_scoped3A_718 : memref<!tpu.dma_semaphore, #tpu.memory_space<semaphore_mem>>) src(%dma_wait3A_734 : memref<64xi32, #tpu.memory_space<hbm>>) dst(%dma_wait3A_733 : memref<64xi32, #tpu.memory_space<vmem>>)
        tpu.yield
      }) : () -> ()
      %get3A_288 = arith.constant 4 : i32
      %get3A_289 = arith.index_cast %get3A_288 : i32 to index
      %get3A_290 = arith.constant 0 : index
      %get3A_291 = tpu.vector_load %arg5[%get3A_289, %get3A_290] {strides = array<i32>} : memref<5x64xi32, #tpu.memory_space<vmem>>, vector<1x16xi32>,
      %get3A_292 = vector.shape_cast %get3A_291 : vector<1x16xi32> to vector<16xi32>
      %add3A_293 = vector.broadcast %mul3A_18 : i32 to vector<16xi32>
      %add3A_294 = arith.addi %get3A_292, %add3A_293 : vector<16xi32>
      %swap3A_295 = arith.constant 4 : i32
      %swap3A_296 = arith.index_cast %swap3A_295 : i32 to index
      %swap3A_297 = arith.constant 0 : index
      %swap3A_298 = tpu.vector_load %arg5[%swap3A_296, %swap3A_297] {strides = array<i32>} : memref<5x64xi32, #tpu.memory_space<vmem>>, vector<1x16xi32>,
      %swap3A_299 = vector.shape_cast %swap3A_298 : vector<1x16xi32> to vector<16xi32>
      %swap3A_300 = vector.shape_cast %add3A_294 : vector<16xi32> to vector<1x16xi32>
      tpu.vector_store %arg5[%swap3A_296, %swap3A_297], %swap3A_300 {strides = array<i32>} : memref<5x64xi32, #tpu.memory_space<vmem>>, vector<1x16xi32>,
      %get3A_301 = arith.constant 4 : i32
      %get3A_302 = arith.index_cast %get3A_301 : i32 to index
      %get3A_303 = arith.constant 16 : index
      %get3A_304 = tpu.vector_load %arg5[%get3A_302, %get3A_303] {strides = array<i32>} : memref<5x64xi32, #tpu.memory_space<vmem>>, vector<1x16xi32>,
      %get3A_305 = vector.shape_cast %get3A_304 : vector<1x16xi32> to vector<16xi32>
      %add3A_306 = vector.broadcast %mul3A_18 : i32 to vector<16xi32>
      %add3A_307 = arith.addi %get3A_305, %add3A_306 : vector<16xi32>
      %swap3A_308 = arith.constant 4 : i32
      %swap3A_309 = arith.index_cast %swap3A_308 : i32 to index
      %swap3A_310 = arith.constant 16 : index
      %swap3A_311 = tpu.vector_load %arg5[%swap3A_309, %swap3A_310] {strides = array<i32>} : memref<5x64xi32, #tpu.memory_space<vmem>>, vector<1x16xi32>,
      %swap3A_312 = vector.shape_cast %swap3A_311 : vector<1x16xi32> to vector<16xi32>
      %swap3A_313 = vector.shape_cast %add3A_307 : vector<16xi32> to vector<1x16xi32>
      tpu.vector_store %arg5[%swap3A_309, %swap3A_310], %swap3A_313 {strides = array<i32>} : memref<5x64xi32, #tpu.memory_space<vmem>>, vector<1x16xi32>,
      %get3A_314 = arith.constant 4 : i32
      %get3A_315 = arith.index_cast %get3A_314 : i32 to index
      %get3A_316 = arith.constant 32 : index
      %get3A_317 = tpu.vector_load %arg5[%get3A_315, %get3A_316] {strides = array<i32>} : memref<5x64xi32, #tpu.memory_space<vmem>>, vector<1x16xi32>,
      %get3A_318 = vector.shape_cast %get3A_317 : vector<1x16xi32> to vector<16xi32>
      %add3A_319 = vector.broadcast %mul3A_18 : i32 to vector<16xi32>
      %add3A_320 = arith.addi %get3A_318, %add3A_319 : vector<16xi32>
      %swap3A_321 = arith.constant 4 : i32
      %swap3A_322 = arith.index_cast %swap3A_321 : i32 to index
      %swap3A_323 = arith.constant 32 : index
      %swap3A_324 = tpu.vector_load %arg5[%swap3A_322, %swap3A_323] {strides = array<i32>} : memref<5x64xi32, #tpu.memory_space<vmem>>, vector<1x16xi32>,
      %swap3A_325 = vector.shape_cast %swap3A_324 : vector<1x16xi32> to vector<16xi32>
      %swap3A_326 = vector.shape_cast %add3A_320 : vector<16xi32> to vector<1x16xi32>
      tpu.vector_store %arg5[%swap3A_322, %swap3A_323], %swap3A_326 {strides = array<i32>} : memref<5x64xi32, #tpu.memory_space<vmem>>, vector<1x16xi32>,
      %get3A_327 = arith.constant 4 : i32
      %get3A_328 = arith.index_cast %get3A_327 : i32 to index
      %get3A_329 = arith.constant 48 : index
      %get3A_330 = tpu.vector_load %arg5[%get3A_328, %get3A_329] {strides = array<i32>} : memref<5x64xi32, #tpu.memory_space<vmem>>, vector<1x16xi32>,
      %get3A_331 = vector.shape_cast %get3A_330 : vector<1x16xi32> to vector<16xi32>
      %add3A_332 = vector.broadcast %mul3A_18 : i32 to vector<16xi32>
      %add3A_333 = arith.addi %get3A_331, %add3A_332 : vector<16xi32>
      %swap3A_334 = arith.constant 4 : i32
      %swap3A_335 = arith.index_cast %swap3A_334 : i32 to index
      %swap3A_336 = arith.constant 48 : index
      %swap3A_337 = tpu.vector_load %arg5[%swap3A_335, %swap3A_336] {strides = array<i32>} : memref<5x64xi32, #tpu.memory_space<vmem>>, vector<1x16xi32>,
      %swap3A_338 = vector.shape_cast %swap3A_337 : vector<1x16xi32> to vector<16xi32>
      %swap3A_339 = vector.shape_cast %add3A_333 : vector<16xi32> to vector<1x16xi32>
      tpu.vector_store %arg5[%swap3A_335, %swap3A_336], %swap3A_339 {strides = array<i32>} : memref<5x64xi32, #tpu.memory_space<vmem>>, vector<1x16xi32>,
      %dma_start3A = arith.constant 0 : i32
      %dma_start3A_340 = arith.constant 0 : i32
      %dma_start3A_341 = arith.constant 0 : i32
      %dma_start3A_342 = arith.constant 0 : i32
      %dma_start3A_343 = tpu.memref_slice %arg6[%dma_start3A_340, %dma_start3A_341, %dma_start3A_342] : memref<5x64x128xf32, #tpu.memory_space<vmem>> -> memref<1x64x128xf32, #tpu.memory_space<vmem>>
      %dma_start3A_344 = tpu.memref_squeeze %dma_start3A_343 : memref<1x64x128xf32, #tpu.memory_space<vmem>> -> memref<64x128xf32, #tpu.memory_space<vmem>>
      %dma_start3A_345 = arith.constant 0 : i32
      %dma_start3A_346 = tpu.memref_slice %arg5[%dma_start3A, %dma_start3A_345] : memref<5x64xi32, #tpu.memory_space<vmem>> -> memref<1x64xi32, #tpu.memory_space<vmem>>
      %dma_start3A_347 = tpu.memref_squeeze %dma_start3A_346 : memref<1x64xi32, #tpu.memory_space<vmem>> -> memref<64xi32, #tpu.memory_space<vmem>>
      %dma_start3A_348 = arith.constant 0 : i32
      %dma_start3A_349 = arith.constant 0 : i32
      %dma_start3A_350 = tpu.memref_slice %arg3[%dma_start3A_348, %dma_start3A_349] : memref<4000x128xf32, #tpu.memory_space<hbm>> -> memref<4000x128xf32, #tpu.memory_space<hbm>>
      tpu.enqueue_indirect_dma source(%dma_start3A_350 : memref<4000x128xf32, #tpu.memory_space<hbm>>) target(%dma_start3A_344 : memref<64x128xf32, #tpu.memory_space<vmem>>) offsets(%dma_start3A_347 : memref<64xi32, #tpu.memory_space<vmem>>) semaphore(%arg7 : memref<!tpu.dma_semaphore, #tpu.memory_space<semaphore_mem>>)
      %dma_start3A_351 = arith.constant 1 : i32
      %dma_start3A_352 = arith.constant 1 : i32
      %dma_start3A_353 = arith.constant 0 : i32
      %dma_start3A_354 = arith.constant 0 : i32
      %dma_start3A_355 = tpu.memref_slice %arg6[%dma_start3A_352, %dma_start3A_353, %dma_start3A_354] : memref<5x64x128xf32, #tpu.memory_space<vmem>> -> memref<1x64x128xf32, #tpu.memory_space<vmem>>
      %dma_start3A_356 = tpu.memref_squeeze %dma_start3A_355 : memref<1x64x128xf32, #tpu.memory_space<vmem>> -> memref<64x128xf32, #tpu.memory_space<vmem>>
      %dma_start3A_357 = arith.constant 0 : i32
      %dma_start3A_358 = tpu.memref_slice %arg5[%dma_start3A_351, %dma_start3A_357] : memref<5x64xi32, #tpu.memory_space<vmem>> -> memref<1x64xi32, #tpu.memory_space<vmem>>
      %dma_start3A_359 = tpu.memref_squeeze %dma_start3A_358 : memref<1x64xi32, #tpu.memory_space<vmem>> -> memref<64xi32, #tpu.memory_space<vmem>>
      %dma_start3A_360 = arith.constant 0 : i32
      %dma_start3A_361 = arith.constant 0 : i32
      %dma_start3A_362 = tpu.memref_slice %arg3[%dma_start3A_360, %dma_start3A_361] : memref<4000x128xf32, #tpu.memory_space<hbm>> -> memref<4000x128xf32, #tpu.memory_space<hbm>>
      tpu.enqueue_indirect_dma source(%dma_start3A_362 : memref<4000x128xf32, #tpu.memory_space<hbm>>) target(%dma_start3A_356 : memref<64x128xf32, #tpu.memory_space<vmem>>) offsets(%dma_start3A_359 : memref<64xi32, #tpu.memory_space<vmem>>) semaphore(%arg7 : memref<!tpu.dma_semaphore, #tpu.memory_space<semaphore_mem>>)
      %dma_start3A_363 = arith.constant 2 : i32
      %dma_start3A_364 = arith.constant 2 : i32
      %dma_start3A_365 = arith.constant 0 : i32
      %dma_start3A_366 = arith.constant 0 : i32
      %dma_start3A_367 = tpu.memref_slice %arg6[%dma_start3A_364, %dma_start3A_365, %dma_start3A_366] : memref<5x64x128xf32, #tpu.memory_space<vmem>> -> memref<1x64x128xf32, #tpu.memory_space<vmem>>
      %dma_start3A_368 = tpu.memref_squeeze %dma_start3A_367 : memref<1x64x128xf32, #tpu.memory_space<vmem>> -> memref<64x128xf32, #tpu.memory_space<vmem>>
      %dma_start3A_369 = arith.constant 0 : i32
      %dma_start3A_370 = tpu.memref_slice %arg5[%dma_start3A_363, %dma_start3A_369] : memref<5x64xi32, #tpu.memory_space<vmem>> -> memref<1x64xi32, #tpu.memory_space<vmem>>
      %dma_start3A_371 = tpu.memref_squeeze %dma_start3A_370 : memref<1x64xi32, #tpu.memory_space<vmem>> -> memref<64xi32, #tpu.memory_space<vmem>>
      %dma_start3A_372 = arith.constant 0 : i32
      %dma_start3A_373 = arith.constant 0 : i32
      %dma_start3A_374 = tpu.memref_slice %arg3[%dma_start3A_372, %dma_start3A_373] : memref<4000x128xf32, #tpu.memory_space<hbm>> -> memref<4000x128xf32, #tpu.memory_space<hbm>>
      tpu.enqueue_indirect_dma source(%dma_start3A_374 : memref<4000x128xf32, #tpu.memory_space<hbm>>) target(%dma_start3A_368 : memref<64x128xf32, #tpu.memory_space<vmem>>) offsets(%dma_start3A_371 : memref<64xi32, #tpu.memory_space<vmem>>) semaphore(%arg7 : memref<!tpu.dma_semaphore, #tpu.memory_space<semaphore_mem>>)
      %dma_start3A_375 = arith.constant 3 : i32
      %dma_start3A_376 = arith.constant 3 : i32
      %dma_start3A_377 = arith.constant 0 : i32
      %dma_start3A_378 = arith.constant 0 : i32
      %dma_start3A_379 = tpu.memref_slice %arg6[%dma_start3A_376, %dma_start3A_377, %dma_start3A_378] : memref<5x64x128xf32, #tpu.memory_space<vmem>> -> memref<1x64x128xf32, #tpu.memory_space<vmem>>
      %dma_start3A_380 = tpu.memref_squeeze %dma_start3A_379 : memref<1x64x128xf32, #tpu.memory_space<vmem>> -> memref<64x128xf32, #tpu.memory_space<vmem>>
      %dma_start3A_381 = arith.constant 0 : i32
      %dma_start3A_382 = tpu.memref_slice %arg5[%dma_start3A_375, %dma_start3A_381] : memref<5x64xi32, #tpu.memory_space<vmem>> -> memref<1x64xi32, #tpu.memory_space<vmem>>
      %dma_start3A_383 = tpu.memref_squeeze %dma_start3A_382 : memref<1x64xi32, #tpu.memory_space<vmem>> -> memref<64xi32, #tpu.memory_space<vmem>>
      %dma_start3A_384 = arith.constant 0 : i32
      %dma_start3A_385 = arith.constant 0 : i32
      %dma_start3A_386 = tpu.memref_slice %arg3[%dma_start3A_384, %dma_start3A_385] : memref<4000x128xf32, #tpu.memory_space<hbm>> -> memref<4000x128xf32, #tpu.memory_space<hbm>>
      tpu.enqueue_indirect_dma source(%dma_start3A_386 : memref<4000x128xf32, #tpu.memory_space<hbm>>) target(%dma_start3A_380 : memref<64x128xf32, #tpu.memory_space<vmem>>) offsets(%dma_start3A_383 : memref<64xi32, #tpu.memory_space<vmem>>) semaphore(%arg7 : memref<!tpu.dma_semaphore, #tpu.memory_space<semaphore_mem>>)
      %dma_start3A_387 = arith.constant 4 : i32
      %dma_start3A_388 = arith.constant 4 : i32
      %dma_start3A_389 = arith.constant 0 : i32
      %dma_start3A_390 = arith.constant 0 : i32
      %dma_start3A_391 = tpu.memref_slice %arg6[%dma_start3A_388, %dma_start3A_389, %dma_start3A_390] : memref<5x64x128xf32, #tpu.memory_space<vmem>> -> memref<1x64x128xf32, #tpu.memory_space<vmem>>
      %dma_start3A_392 = tpu.memref_squeeze %dma_start3A_391 : memref<1x64x128xf32, #tpu.memory_space<vmem>> -> memref<64x128xf32, #tpu.memory_space<vmem>>
      %dma_start3A_393 = arith.constant 0 : i32
      %dma_start3A_394 = tpu.memref_slice %arg5[%dma_start3A_387, %dma_start3A_393] : memref<5x64xi32, #tpu.memory_space<vmem>> -> memref<1x64xi32, #tpu.memory_space<vmem>>
      %dma_start3A_395 = tpu.memref_squeeze %dma_start3A_394 : memref<1x64xi32, #tpu.memory_space<vmem>> -> memref<64xi32, #tpu.memory_space<vmem>>
      %dma_start3A_396 = arith.constant 0 : i32
      %dma_start3A_397 = arith.constant 0 : i32
      %dma_start3A_398 = tpu.memref_slice %arg3[%dma_start3A_396, %dma_start3A_397] : memref<4000x128xf32, #tpu.memory_space<hbm>> -> memref<4000x128xf32, #tpu.memory_space<hbm>>
      tpu.enqueue_indirect_dma source(%dma_start3A_398 : memref<4000x128xf32, #tpu.memory_space<hbm>>) target(%dma_start3A_392 : memref<64x128xf32, #tpu.memory_space<vmem>>) offsets(%dma_start3A_395 : memref<64xi32, #tpu.memory_space<vmem>>) semaphore(%arg7 : memref<!tpu.dma_semaphore, #tpu.memory_space<semaphore_mem>>)
      %dma_wait3A = arith.constant 0 : i32
      %dma_wait3A_399 = arith.constant 0 : i32
      %dma_wait3A_400 = arith.constant 0 : i32
      %dma_wait3A_401 = arith.constant 0 : i32
      %dma_wait3A_402 = tpu.memref_slice %arg6[%dma_wait3A_399, %dma_wait3A_400, %dma_wait3A_401] : memref<5x64x128xf32, #tpu.memory_space<vmem>> -> memref<1x64x128xf32, #tpu.memory_space<vmem>>
      %dma_wait3A_403 = tpu.memref_squeeze %dma_wait3A_402 : memref<1x64x128xf32, #tpu.memory_space<vmem>> -> memref<64x128xf32, #tpu.memory_space<vmem>>
      %dma_wait3A_404 = arith.constant 0 : i32
      %dma_wait3A_405 = tpu.memref_slice %arg5[%dma_wait3A, %dma_wait3A_404] : memref<5x64xi32, #tpu.memory_space<vmem>> -> memref<1x64xi32, #tpu.memory_space<vmem>>
      %dma_wait3A_406 = tpu.memref_squeeze %dma_wait3A_405 : memref<1x64xi32, #tpu.memory_space<vmem>> -> memref<64xi32, #tpu.memory_space<vmem>>
      %dma_wait3A_407 = arith.constant 0 : i32
      %dma_wait3A_408 = arith.constant 0 : i32
      %dma_wait3A_409 = tpu.memref_slice %arg3[%dma_wait3A_407, %dma_wait3A_408] : memref<4000x128xf32, #tpu.memory_space<hbm>> -> memref<4000x128xf32, #tpu.memory_space<hbm>>
      tpu.wait_indirect_dma semaphore(%arg7 : memref<!tpu.dma_semaphore, #tpu.memory_space<semaphore_mem>>) src(%dma_wait3A_409 : memref<4000x128xf32, #tpu.memory_space<hbm>>) dst(%dma_wait3A_403 : memref<64x128xf32, #tpu.memory_space<vmem>>)
      %dma_wait3A_410 = arith.constant 1 : i32
      %dma_wait3A_411 = arith.constant 1 : i32
      %dma_wait3A_412 = arith.constant 0 : i32
      %dma_wait3A_413 = arith.constant 0 : i32
      %dma_wait3A_414 = tpu.memref_slice %arg6[%dma_wait3A_411, %dma_wait3A_412, %dma_wait3A_413] : memref<5x64x128xf32, #tpu.memory_space<vmem>> -> memref<1x64x128xf32, #tpu.memory_space<vmem>>
      %dma_wait3A_415 = tpu.memref_squeeze %dma_wait3A_414 : memref<1x64x128xf32, #tpu.memory_space<vmem>> -> memref<64x128xf32, #tpu.memory_space<vmem>>
      %dma_wait3A_416 = arith.constant 0 : i32
      %dma_wait3A_417 = tpu.memref_slice %arg5[%dma_wait3A_410, %dma_wait3A_416] : memref<5x64xi32, #tpu.memory_space<vmem>> -> memref<1x64xi32, #tpu.memory_space<vmem>>
      %dma_wait3A_418 = tpu.memref_squeeze %dma_wait3A_417 : memref<1x64xi32, #tpu.memory_space<vmem>> -> memref<64xi32, #tpu.memory_space<vmem>>
      %dma_wait3A_419 = arith.constant 0 : i32
      %dma_wait3A_420 = arith.constant 0 : i32
      %dma_wait3A_421 = tpu.memref_slice %arg3[%dma_wait3A_419, %dma_wait3A_420] : memref<4000x128xf32, #tpu.memory_space<hbm>> -> memref<4000x128xf32, #tpu.memory_space<hbm>>
      tpu.wait_indirect_dma semaphore(%arg7 : memref<!tpu.dma_semaphore, #tpu.memory_space<semaphore_mem>>) src(%dma_wait3A_421 : memref<4000x128xf32, #tpu.memory_space<hbm>>) dst(%dma_wait3A_415 : memref<64x128xf32, #tpu.memory_space<vmem>>)
      %dma_wait3A_422 = arith.constant 2 : i32
      %dma_wait3A_423 = arith.constant 2 : i32
      %dma_wait3A_424 = arith.constant 0 : i32
      %dma_wait3A_425 = arith.constant 0 : i32
      %dma_wait3A_426 = tpu.memref_slice %arg6[%dma_wait3A_423, %dma_wait3A_424, %dma_wait3A_425] : memref<5x64x128xf32, #tpu.memory_space<vmem>> -> memref<1x64x128xf32, #tpu.memory_space<vmem>>
      %dma_wait3A_427 = tpu.memref_squeeze %dma_wait3A_426 : memref<1x64x128xf32, #tpu.memory_space<vmem>> -> memref<64x128xf32, #tpu.memory_space<vmem>>
      %dma_wait3A_428 = arith.constant 0 : i32
      %dma_wait3A_429 = tpu.memref_slice %arg5[%dma_wait3A_422, %dma_wait3A_428] : memref<5x64xi32, #tpu.memory_space<vmem>> -> memref<1x64xi32, #tpu.memory_space<vmem>>
      %dma_wait3A_430 = tpu.memref_squeeze %dma_wait3A_429 : memref<1x64xi32, #tpu.memory_space<vmem>> -> memref<64xi32, #tpu.memory_space<vmem>>
      %dma_wait3A_431 = arith.constant 0 : i32
      %dma_wait3A_432 = arith.constant 0 : i32
      %dma_wait3A_433 = tpu.memref_slice %arg3[%dma_wait3A_431, %dma_wait3A_432] : memref<4000x128xf32, #tpu.memory_space<hbm>> -> memref<4000x128xf32, #tpu.memory_space<hbm>>
      tpu.wait_indirect_dma semaphore(%arg7 : memref<!tpu.dma_semaphore, #tpu.memory_space<semaphore_mem>>) src(%dma_wait3A_433 : memref<4000x128xf32, #tpu.memory_space<hbm>>) dst(%dma_wait3A_427 : memref<64x128xf32, #tpu.memory_space<vmem>>)
      %dma_wait3A_434 = arith.constant 3 : i32
      %dma_wait3A_435 = arith.constant 3 : i32
      %dma_wait3A_436 = arith.constant 0 : i32
      %dma_wait3A_437 = arith.constant 0 : i32
      %dma_wait3A_438 = tpu.memref_slice %arg6[%dma_wait3A_435, %dma_wait3A_436, %dma_wait3A_437] : memref<5x64x128xf32, #tpu.memory_space<vmem>> -> memref<1x64x128xf32, #tpu.memory_space<vmem>>
      %dma_wait3A_439 = tpu.memref_squeeze %dma_wait3A_438 : memref<1x64x128xf32, #tpu.memory_space<vmem>> -> memref<64x128xf32, #tpu.memory_space<vmem>>
      %dma_wait3A_440 = arith.constant 0 : i32
      %dma_wait3A_441 = tpu.memref_slice %arg5[%dma_wait3A_434, %dma_wait3A_440] : memref<5x64xi32, #tpu.memory_space<vmem>> -> memref<1x64xi32, #tpu.memory_space<vmem>>
      %dma_wait3A_442 = tpu.memref_squeeze %dma_wait3A_441 : memref<1x64xi32, #tpu.memory_space<vmem>> -> memref<64xi32, #tpu.memory_space<vmem>>
      %dma_wait3A_443 = arith.constant 0 : i32
      %dma_wait3A_444 = arith.constant 0 : i32
      %dma_wait3A_445 = tpu.memref_slice %arg3[%dma_wait3A_443, %dma_wait3A_444] : memref<4000x128xf32, #tpu.memory_space<hbm>> -> memref<4000x128xf32, #tpu.memory_space<hbm>>
      tpu.wait_indirect_dma semaphore(%arg7 : memref<!tpu.dma_semaphore, #tpu.memory_space<semaphore_mem>>) src(%dma_wait3A_445 : memref<4000x128xf32, #tpu.memory_space<hbm>>) dst(%dma_wait3A_439 : memref<64x128xf32, #tpu.memory_space<vmem>>)
      %dma_wait3A_446 = arith.constant 4 : i32
      %dma_wait3A_447 = arith.constant 4 : i32
      %dma_wait3A_448 = arith.constant 0 : i32
      %dma_wait3A_449 = arith.constant 0 : i32
      %dma_wait3A_450 = tpu.memref_slice %arg6[%dma_wait3A_447, %dma_wait3A_448, %dma_wait3A_449] : memref<5x64x128xf32, #tpu.memory_space<vmem>> -> memref<1x64x128xf32, #tpu.memory_space<vmem>>
      %dma_wait3A_451 = tpu.memref_squeeze %dma_wait3A_450 : memref<1x64x128xf32, #tpu.memory_space<vmem>> -> memref<64x128xf32, #tpu.memory_space<vmem>>
      %dma_wait3A_452 = arith.constant 0 : i32
      %dma_wait3A_453 = tpu.memref_slice %arg5[%dma_wait3A_446, %dma_wait3A_452] : memref<5x64xi32, #tpu.memory_space<vmem>> -> memref<1x64xi32, #tpu.memory_space<vmem>>
      %dma_wait3A_454 = tpu.memref_squeeze %dma_wait3A_453 : memref<1x64xi32, #tpu.memory_space<vmem>> -> memref<64xi32, #tpu.memory_space<vmem>>
      %dma_wait3A_455 = arith.constant 0 : i32
      %dma_wait3A_456 = arith.constant 0 : i32
      %dma_wait3A_457 = tpu.memref_slice %arg3[%dma_wait3A_455, %dma_wait3A_456] : memref<4000x128xf32, #tpu.memory_space<hbm>> -> memref<4000x128xf32, #tpu.memory_space<hbm>>
      tpu.wait_indirect_dma semaphore(%arg7 : memref<!tpu.dma_semaphore, #tpu.memory_space<semaphore_mem>>) src(%dma_wait3A_457 : memref<4000x128xf32, #tpu.memory_space<hbm>>) dst(%dma_wait3A_451 : memref<64x128xf32, #tpu.memory_space<vmem>>)
      %add3A_458 = arith.addi %mul3A_34, %mul3A_42 : i32
      %add3A_459 = arith.constant 0 : i32
      %add3A_460 = arith.addi %add3A_458, %add3A_459 : i32
      %jit3A_461 = arith.constant 16 : i32
      %div3A_462 = arith.divsi %add3A_460, %jit3A_461 : i32
      %sign3A_463 = arith.constant 0 : i32
      %sign3A_464 = arith.cmpi sgt, %add3A_460, %sign3A_463 : i32
      %sign3A_465 = arith.extui %sign3A_464 : i1 to i32
      %sign3A_466 = arith.constant 0 : i32
      %sign3A_467 = arith.cmpi slt, %add3A_460, %sign3A_466 : i32
      %sign3A_468 = arith.extui %sign3A_467 : i1 to i32
      %sign3A_469 = arith.subi %sign3A_465, %sign3A_468 : i32
      %sign3A_470 = arith.constant 0 : i32
      %sign3A_471 = arith.cmpi sgt, %jit3A_461, %sign3A_470 : i32
      %sign3A_472 = arith.extui %sign3A_471 : i1 to i32
      %sign3A_473 = arith.constant 0 : i32
      %sign3A_474 = arith.cmpi slt, %jit3A_461, %sign3A_473 : i32
      %sign3A_475 = arith.extui %sign3A_474 : i1 to i32
      %sign3A_476 = arith.subi %sign3A_472, %sign3A_475 : i32
      %ne3A_477 = arith.cmpi ne, %sign3A_469, %sign3A_476 : i32
      %rem3A_478 = arith.remsi %add3A_460, %jit3A_461 : i32
      %ne3A_479 = arith.constant 0 : i32
      %ne3A_480 = arith.cmpi ne, %rem3A_478, %ne3A_479 : i32
      %and3A_481 = arith.andi %ne3A_477, %ne3A_480 : i1
      %sub3A_482 = arith.constant 1 : i32
      %sub3A_483 = arith.subi %div3A_462, %sub3A_482 : i32
      %select_n3A_484 = arith.select %and3A_481, %sub3A_483, %div3A_462 : i32
      %jit3A_485 = arith.constant 16 : i32
      %eq3A_486 = arith.constant 0 : i32
      %eq3A_487 = arith.cmpi eq, %jit3A_485, %eq3A_486 : i32
      %jit3A_488 = arith.constant 1 : i32
      %select_n3A_489 = arith.select %eq3A_487, %jit3A_488, %jit3A_485 : i32
      %rem3A_490 = arith.remsi %add3A_460, %select_n3A_489 : i32
      %ne3A_491 = arith.constant 0 : i32
      %ne3A_492 = arith.cmpi ne, %rem3A_490, %ne3A_491 : i32
      %lt3A_493 = arith.constant 0 : i32
      %lt3A_494 = arith.cmpi slt, %rem3A_490, %lt3A_493 : i32
      %lt3A_495 = arith.constant 0 : i32
      %lt3A_496 = arith.cmpi slt, %select_n3A_489, %lt3A_495 : i32
      %ne3A_497 = arith.xori %lt3A_494, %lt3A_496 : i1
      %and3A_498 = arith.andi %ne3A_497, %ne3A_492 : i1
      %add3A_499 = arith.addi %rem3A_490, %select_n3A_489 : i32
      %select_n3A_500 = arith.select %and3A_498, %add3A_499, %rem3A_490 : i32
      %mul3A_501 = arith.constant 12 : i32
      %mul3A_502 = arith.muli %select_n3A_484, %mul3A_501 : i32
      %add3A_503 = arith.addi %mul3A_502, %select_n3A : i32
      %mul3A_504 = arith.constant 1024 : i32
      %mul3A_505 = arith.muli %add3A_503, %mul3A_504 : i32
      %mul3A_506 = arith.constant 64 : i32
      %mul3A_507 = arith.muli %select_n3A_500, %mul3A_506 : i32
      %add3A_508 = arith.addi %mul3A_505, %mul3A_507 : i32
      %run_scoped3A_509 = arith.constant 0 : i32
      "tpu.region"() ({
        %run_scoped3A_718 = tpu.sem_alloc : memref<!tpu.dma_semaphore, #tpu.memory_space<semaphore_mem>>
        %dma_start3A_719 = arith.constant 0 : i32
        %dma_start3A_720 = arith.constant 0 : i32
        %dma_start3A_721 = tpu.memref_slice %arg6[%run_scoped3A_509, %dma_start3A_719, %dma_start3A_720] : memref<5x64x128xf32, #tpu.memory_space<vmem>> -> memref<1x64x128xf32, #tpu.memory_space<vmem>>
        %dma_start3A_722 = tpu.memref_squeeze %dma_start3A_721 : memref<1x64x128xf32, #tpu.memory_space<vmem>> -> memref<64x128xf32, #tpu.memory_space<vmem>>
        %dma_start3A_723 = arith.constant 0 : i32
        %dma_start3A_724 = tpu.memref_slice %arg4[%add3A_508, %dma_start3A_723] : memref<614400x128xf32, #tpu.memory_space<hbm>> -> memref<64x128xf32, #tpu.memory_space<hbm>>
        %dma_start3A_725 = arith.constant 0 : i32
        %dma_start3A_726 = tpu.memref_slice %arg4[%add3A_508, %dma_start3A_725] : memref<614400x128xf32, #tpu.memory_space<hbm>> -> memref<64x128xf32, #tpu.memory_space<hbm>>
        %dma_start3A_727 = arith.constant 0 : i32
        %dma_start3A_728 = arith.constant 0 : i32
        %dma_start3A_729 = tpu.memref_slice %arg6[%run_scoped3A_509, %dma_start3A_727, %dma_start3A_728] : memref<5x64x128xf32, #tpu.memory_space<vmem>> -> memref<1x64x128xf32, #tpu.memory_space<vmem>>
        %dma_start3A_730 = tpu.memref_squeeze %dma_start3A_729 : memref<1x64x128xf32, #tpu.memory_space<vmem>> -> memref<64x128xf32, #tpu.memory_space<vmem>>
        tpu.enqueue_dma source(%dma_start3A_730 : memref<64x128xf32, #tpu.memory_space<vmem>>) target(%dma_start3A_726 : memref<64x128xf32, #tpu.memory_space<hbm>>) target_semaphore(%run_scoped3A_718 : memref<!tpu.dma_semaphore, #tpu.memory_space<semaphore_mem>>)
        %dma_wait3A_731 = arith.constant 0 : i32
        %dma_wait3A_732 = arith.constant 0 : i32
        %dma_wait3A_733 = tpu.memref_slice %arg6[%run_scoped3A_509, %dma_wait3A_731, %dma_wait3A_732] : memref<5x64x128xf32, #tpu.memory_space<vmem>> -> memref<1x64x128xf32, #tpu.memory_space<vmem>>
        %dma_wait3A_734 = tpu.memref_squeeze %dma_wait3A_733 : memref<1x64x128xf32, #tpu.memory_space<vmem>> -> memref<64x128xf32, #tpu.memory_space<vmem>>
        %dma_wait3A_735 = arith.constant 0 : i32
        %dma_wait3A_736 = tpu.memref_slice %arg4[%add3A_508, %dma_wait3A_735] : memref<614400x128xf32, #tpu.memory_space<hbm>> -> memref<64x128xf32, #tpu.memory_space<hbm>>
        %dma_wait3A_737 = arith.constant 0 : i32
        %dma_wait3A_738 = tpu.memref_slice %arg4[%add3A_508, %dma_wait3A_737] : memref<614400x128xf32, #tpu.memory_space<hbm>> -> memref<64x128xf32, #tpu.memory_space<hbm>>
        %dma_wait3A_739 = arith.constant 0 : i32
        %dma_wait3A_740 = arith.constant 0 : i32
        %dma_wait3A_741 = tpu.memref_slice %arg6[%run_scoped3A_509, %dma_wait3A_739, %dma_wait3A_740] : memref<5x64x128xf32, #tpu.memory_space<vmem>> -> memref<1x64x128xf32, #tpu.memory_space<vmem>>
        %dma_wait3A_742 = tpu.memref_squeeze %dma_wait3A_741 : memref<1x64x128xf32, #tpu.memory_space<vmem>> -> memref<64x128xf32, #tpu.memory_space<vmem>>
        tpu.wait_dma2 semaphore(%run_scoped3A_718 : memref<!tpu.dma_semaphore, #tpu.memory_space<semaphore_mem>>) src(%dma_wait3A_742 : memref<64x128xf32, #tpu.memory_space<vmem>>) dst(%dma_wait3A_738 : memref<64x128xf32, #tpu.memory_space<hbm>>)
        tpu.yield
      }) : () -> ()
      %add3A_510 = arith.addi %mul3A_34, %mul3A_42 : i32
      %add3A_511 = arith.constant 1 : i32
      %add3A_512 = arith.addi %add3A_510, %add3A_511 : i32
      %jit3A_513 = arith.constant 16 : i32
      %div3A_514 = arith.divsi %add3A_512, %jit3A_513 : i32
      %sign3A_515 = arith.constant 0 : i32
      %sign3A_516 = arith.cmpi sgt, %add3A_512, %sign3A_515 : i32
      %sign3A_517 = arith.extui %sign3A_516 : i1 to i32
      %sign3A_518 = arith.constant 0 : i32
      %sign3A_519 = arith.cmpi slt, %add3A_512, %sign3A_518 : i32
      %sign3A_520 = arith.extui %sign3A_519 : i1 to i32
      %sign3A_521 = arith.subi %sign3A_517, %sign3A_520 : i32
      %sign3A_522 = arith.constant 0 : i32
      %sign3A_523 = arith.cmpi sgt, %jit3A_513, %sign3A_522 : i32
      %sign3A_524 = arith.extui %sign3A_523 : i1 to i32
      %sign3A_525 = arith.constant 0 : i32
      %sign3A_526 = arith.cmpi slt, %jit3A_513, %sign3A_525 : i32
      %sign3A_527 = arith.extui %sign3A_526 : i1 to i32
      %sign3A_528 = arith.subi %sign3A_524, %sign3A_527 : i32
      %ne3A_529 = arith.cmpi ne, %sign3A_521, %sign3A_528 : i32
      %rem3A_530 = arith.remsi %add3A_512, %jit3A_513 : i32
      %ne3A_531 = arith.constant 0 : i32
      %ne3A_532 = arith.cmpi ne, %rem3A_530, %ne3A_531 : i32
      %and3A_533 = arith.andi %ne3A_529, %ne3A_532 : i1
      %sub3A_534 = arith.constant 1 : i32
      %sub3A_535 = arith.subi %div3A_514, %sub3A_534 : i32
      %select_n3A_536 = arith.select %and3A_533, %sub3A_535, %div3A_514 : i32
      %jit3A_537 = arith.constant 16 : i32
      %eq3A_538 = arith.constant 0 : i32
      %eq3A_539 = arith.cmpi eq, %jit3A_537, %eq3A_538 : i32
      %jit3A_540 = arith.constant 1 : i32
      %select_n3A_541 = arith.select %eq3A_539, %jit3A_540, %jit3A_537 : i32
      %rem3A_542 = arith.remsi %add3A_512, %select_n3A_541 : i32
      %ne3A_543 = arith.constant 0 : i32
      %ne3A_544 = arith.cmpi ne, %rem3A_542, %ne3A_543 : i32
      %lt3A_545 = arith.constant 0 : i32
      %lt3A_546 = arith.cmpi slt, %rem3A_542, %lt3A_545 : i32
      %lt3A_547 = arith.constant 0 : i32
      %lt3A_548 = arith.cmpi slt, %select_n3A_541, %lt3A_547 : i32
      %ne3A_549 = arith.xori %lt3A_546, %lt3A_548 : i1
      %and3A_550 = arith.andi %ne3A_549, %ne3A_544 : i1
      %add3A_551 = arith.addi %rem3A_542, %select_n3A_541 : i32
      %select_n3A_552 = arith.select %and3A_550, %add3A_551, %rem3A_542 : i32
      %mul3A_553 = arith.constant 12 : i32
      %mul3A_554 = arith.muli %select_n3A_536, %mul3A_553 : i32
      %add3A_555 = arith.addi %mul3A_554, %select_n3A : i32
      %mul3A_556 = arith.constant 1024 : i32
      %mul3A_557 = arith.muli %add3A_555, %mul3A_556 : i32
      %mul3A_558 = arith.constant 64 : i32
      %mul3A_559 = arith.muli %select_n3A_552, %mul3A_558 : i32
      %add3A_560 = arith.addi %mul3A_557, %mul3A_559 : i32
      %run_scoped3A_561 = arith.constant 1 : i32
      "tpu.region"() ({
        %run_scoped3A_718 = tpu.sem_alloc : memref<!tpu.dma_semaphore, #tpu.memory_space<semaphore_mem>>
        %dma_start3A_719 = arith.constant 0 : i32
        %dma_start3A_720 = arith.constant 0 : i32
        %dma_start3A_721 = tpu.memref_slice %arg6[%run_scoped3A_561, %dma_start3A_719, %dma_start3A_720] : memref<5x64x128xf32, #tpu.memory_space<vmem>> -> memref<1x64x128xf32, #tpu.memory_space<vmem>>
        %dma_start3A_722 = tpu.memref_squeeze %dma_start3A_721 : memref<1x64x128xf32, #tpu.memory_space<vmem>> -> memref<64x128xf32, #tpu.memory_space<vmem>>
        %dma_start3A_723 = arith.constant 0 : i32
        %dma_start3A_724 = tpu.memref_slice %arg4[%add3A_560, %dma_start3A_723] : memref<614400x128xf32, #tpu.memory_space<hbm>> -> memref<64x128xf32, #tpu.memory_space<hbm>>
        %dma_start3A_725 = arith.constant 0 : i32
        %dma_start3A_726 = tpu.memref_slice %arg4[%add3A_560, %dma_start3A_725] : memref<614400x128xf32, #tpu.memory_space<hbm>> -> memref<64x128xf32, #tpu.memory_space<hbm>>
        %dma_start3A_727 = arith.constant 0 : i32
        %dma_start3A_728 = arith.constant 0 : i32
        %dma_start3A_729 = tpu.memref_slice %arg6[%run_scoped3A_561, %dma_start3A_727, %dma_start3A_728] : memref<5x64x128xf32, #tpu.memory_space<vmem>> -> memref<1x64x128xf32, #tpu.memory_space<vmem>>
        %dma_start3A_730 = tpu.memref_squeeze %dma_start3A_729 : memref<1x64x128xf32, #tpu.memory_space<vmem>> -> memref<64x128xf32, #tpu.memory_space<vmem>>
        tpu.enqueue_dma source(%dma_start3A_730 : memref<64x128xf32, #tpu.memory_space<vmem>>) target(%dma_start3A_726 : memref<64x128xf32, #tpu.memory_space<hbm>>) target_semaphore(%run_scoped3A_718 : memref<!tpu.dma_semaphore, #tpu.memory_space<semaphore_mem>>)
        %dma_wait3A_731 = arith.constant 0 : i32
        %dma_wait3A_732 = arith.constant 0 : i32
        %dma_wait3A_733 = tpu.memref_slice %arg6[%run_scoped3A_561, %dma_wait3A_731, %dma_wait3A_732] : memref<5x64x128xf32, #tpu.memory_space<vmem>> -> memref<1x64x128xf32, #tpu.memory_space<vmem>>
        %dma_wait3A_734 = tpu.memref_squeeze %dma_wait3A_733 : memref<1x64x128xf32, #tpu.memory_space<vmem>> -> memref<64x128xf32, #tpu.memory_space<vmem>>
        %dma_wait3A_735 = arith.constant 0 : i32
        %dma_wait3A_736 = tpu.memref_slice %arg4[%add3A_560, %dma_wait3A_735] : memref<614400x128xf32, #tpu.memory_space<hbm>> -> memref<64x128xf32, #tpu.memory_space<hbm>>
        %dma_wait3A_737 = arith.constant 0 : i32
        %dma_wait3A_738 = tpu.memref_slice %arg4[%add3A_560, %dma_wait3A_737] : memref<614400x128xf32, #tpu.memory_space<hbm>> -> memref<64x128xf32, #tpu.memory_space<hbm>>
        %dma_wait3A_739 = arith.constant 0 : i32
        %dma_wait3A_740 = arith.constant 0 : i32
        %dma_wait3A_741 = tpu.memref_slice %arg6[%run_scoped3A_561, %dma_wait3A_739, %dma_wait3A_740] : memref<5x64x128xf32, #tpu.memory_space<vmem>> -> memref<1x64x128xf32, #tpu.memory_space<vmem>>
        %dma_wait3A_742 = tpu.memref_squeeze %dma_wait3A_741 : memref<1x64x128xf32, #tpu.memory_space<vmem>> -> memref<64x128xf32, #tpu.memory_space<vmem>>
        tpu.wait_dma2 semaphore(%run_scoped3A_718 : memref<!tpu.dma_semaphore, #tpu.memory_space<semaphore_mem>>) src(%dma_wait3A_742 : memref<64x128xf32, #tpu.memory_space<vmem>>) dst(%dma_wait3A_738 : memref<64x128xf32, #tpu.memory_space<hbm>>)
        tpu.yield
      }) : () -> ()
      %add3A_562 = arith.addi %mul3A_34, %mul3A_42 : i32
      %add3A_563 = arith.constant 2 : i32
      %add3A_564 = arith.addi %add3A_562, %add3A_563 : i32
      %jit3A_565 = arith.constant 16 : i32
      %div3A_566 = arith.divsi %add3A_564, %jit3A_565 : i32
      %sign3A_567 = arith.constant 0 : i32
      %sign3A_568 = arith.cmpi sgt, %add3A_564, %sign3A_567 : i32
      %sign3A_569 = arith.extui %sign3A_568 : i1 to i32
      %sign3A_570 = arith.constant 0 : i32
      %sign3A_571 = arith.cmpi slt, %add3A_564, %sign3A_570 : i32
      %sign3A_572 = arith.extui %sign3A_571 : i1 to i32
      %sign3A_573 = arith.subi %sign3A_569, %sign3A_572 : i32
      %sign3A_574 = arith.constant 0 : i32
      %sign3A_575 = arith.cmpi sgt, %jit3A_565, %sign3A_574 : i32
      %sign3A_576 = arith.extui %sign3A_575 : i1 to i32
      %sign3A_577 = arith.constant 0 : i32
      %sign3A_578 = arith.cmpi slt, %jit3A_565, %sign3A_577 : i32
      %sign3A_579 = arith.extui %sign3A_578 : i1 to i32
      %sign3A_580 = arith.subi %sign3A_576, %sign3A_579 : i32
      %ne3A_581 = arith.cmpi ne, %sign3A_573, %sign3A_580 : i32
      %rem3A_582 = arith.remsi %add3A_564, %jit3A_565 : i32
      %ne3A_583 = arith.constant 0 : i32
      %ne3A_584 = arith.cmpi ne, %rem3A_582, %ne3A_583 : i32
      %and3A_585 = arith.andi %ne3A_581, %ne3A_584 : i1
      %sub3A_586 = arith.constant 1 : i32
      %sub3A_587 = arith.subi %div3A_566, %sub3A_586 : i32
      %select_n3A_588 = arith.select %and3A_585, %sub3A_587, %div3A_566 : i32
      %jit3A_589 = arith.constant 16 : i32
      %eq3A_590 = arith.constant 0 : i32
      %eq3A_591 = arith.cmpi eq, %jit3A_589, %eq3A_590 : i32
      %jit3A_592 = arith.constant 1 : i32
      %select_n3A_593 = arith.select %eq3A_591, %jit3A_592, %jit3A_589 : i32
      %rem3A_594 = arith.remsi %add3A_564, %select_n3A_593 : i32
      %ne3A_595 = arith.constant 0 : i32
      %ne3A_596 = arith.cmpi ne, %rem3A_594, %ne3A_595 : i32
      %lt3A_597 = arith.constant 0 : i32
      %lt3A_598 = arith.cmpi slt, %rem3A_594, %lt3A_597 : i32
      %lt3A_599 = arith.constant 0 : i32
      %lt3A_600 = arith.cmpi slt, %select_n3A_593, %lt3A_599 : i32
      %ne3A_601 = arith.xori %lt3A_598, %lt3A_600 : i1
      %and3A_602 = arith.andi %ne3A_601, %ne3A_596 : i1
      %add3A_603 = arith.addi %rem3A_594, %select_n3A_593 : i32
      %select_n3A_604 = arith.select %and3A_602, %add3A_603, %rem3A_594 : i32
      %mul3A_605 = arith.constant 12 : i32
      %mul3A_606 = arith.muli %select_n3A_588, %mul3A_605 : i32
      %add3A_607 = arith.addi %mul3A_606, %select_n3A : i32
      %mul3A_608 = arith.constant 1024 : i32
      %mul3A_609 = arith.muli %add3A_607, %mul3A_608 : i32
      %mul3A_610 = arith.constant 64 : i32
      %mul3A_611 = arith.muli %select_n3A_604, %mul3A_610 : i32
      %add3A_612 = arith.addi %mul3A_609, %mul3A_611 : i32
      %run_scoped3A_613 = arith.constant 2 : i32
      "tpu.region"() ({
        %run_scoped3A_718 = tpu.sem_alloc : memref<!tpu.dma_semaphore, #tpu.memory_space<semaphore_mem>>
        %dma_start3A_719 = arith.constant 0 : i32
        %dma_start3A_720 = arith.constant 0 : i32
        %dma_start3A_721 = tpu.memref_slice %arg6[%run_scoped3A_613, %dma_start3A_719, %dma_start3A_720] : memref<5x64x128xf32, #tpu.memory_space<vmem>> -> memref<1x64x128xf32, #tpu.memory_space<vmem>>
        %dma_start3A_722 = tpu.memref_squeeze %dma_start3A_721 : memref<1x64x128xf32, #tpu.memory_space<vmem>> -> memref<64x128xf32, #tpu.memory_space<vmem>>
        %dma_start3A_723 = arith.constant 0 : i32
        %dma_start3A_724 = tpu.memref_slice %arg4[%add3A_612, %dma_start3A_723] : memref<614400x128xf32, #tpu.memory_space<hbm>> -> memref<64x128xf32, #tpu.memory_space<hbm>>
        %dma_start3A_725 = arith.constant 0 : i32
        %dma_start3A_726 = tpu.memref_slice %arg4[%add3A_612, %dma_start3A_725] : memref<614400x128xf32, #tpu.memory_space<hbm>> -> memref<64x128xf32, #tpu.memory_space<hbm>>
        %dma_start3A_727 = arith.constant 0 : i32
        %dma_start3A_728 = arith.constant 0 : i32
        %dma_start3A_729 = tpu.memref_slice %arg6[%run_scoped3A_613, %dma_start3A_727, %dma_start3A_728] : memref<5x64x128xf32, #tpu.memory_space<vmem>> -> memref<1x64x128xf32, #tpu.memory_space<vmem>>
        %dma_start3A_730 = tpu.memref_squeeze %dma_start3A_729 : memref<1x64x128xf32, #tpu.memory_space<vmem>> -> memref<64x128xf32, #tpu.memory_space<vmem>>
        tpu.enqueue_dma source(%dma_start3A_730 : memref<64x128xf32, #tpu.memory_space<vmem>>) target(%dma_start3A_726 : memref<64x128xf32, #tpu.memory_space<hbm>>) target_semaphore(%run_scoped3A_718 : memref<!tpu.dma_semaphore, #tpu.memory_space<semaphore_mem>>)
        %dma_wait3A_731 = arith.constant 0 : i32
        %dma_wait3A_732 = arith.constant 0 : i32
        %dma_wait3A_733 = tpu.memref_slice %arg6[%run_scoped3A_613, %dma_wait3A_731, %dma_wait3A_732] : memref<5x64x128xf32, #tpu.memory_space<vmem>> -> memref<1x64x128xf32, #tpu.memory_space<vmem>>
        %dma_wait3A_734 = tpu.memref_squeeze %dma_wait3A_733 : memref<1x64x128xf32, #tpu.memory_space<vmem>> -> memref<64x128xf32, #tpu.memory_space<vmem>>
        %dma_wait3A_735 = arith.constant 0 : i32
        %dma_wait3A_736 = tpu.memref_slice %arg4[%add3A_612, %dma_wait3A_735] : memref<614400x128xf32, #tpu.memory_space<hbm>> -> memref<64x128xf32, #tpu.memory_space<hbm>>
        %dma_wait3A_737 = arith.constant 0 : i32
        %dma_wait3A_738 = tpu.memref_slice %arg4[%add3A_612, %dma_wait3A_737] : memref<614400x128xf32, #tpu.memory_space<hbm>> -> memref<64x128xf32, #tpu.memory_space<hbm>>
        %dma_wait3A_739 = arith.constant 0 : i32
        %dma_wait3A_740 = arith.constant 0 : i32
        %dma_wait3A_741 = tpu.memref_slice %arg6[%run_scoped3A_613, %dma_wait3A_739, %dma_wait3A_740] : memref<5x64x128xf32, #tpu.memory_space<vmem>> -> memref<1x64x128xf32, #tpu.memory_space<vmem>>
        %dma_wait3A_742 = tpu.memref_squeeze %dma_wait3A_741 : memref<1x64x128xf32, #tpu.memory_space<vmem>> -> memref<64x128xf32, #tpu.memory_space<vmem>>
        tpu.wait_dma2 semaphore(%run_scoped3A_718 : memref<!tpu.dma_semaphore, #tpu.memory_space<semaphore_mem>>) src(%dma_wait3A_742 : memref<64x128xf32, #tpu.memory_space<vmem>>) dst(%dma_wait3A_738 : memref<64x128xf32, #tpu.memory_space<hbm>>)
        tpu.yield
      }) : () -> ()
      %add3A_614 = arith.addi %mul3A_34, %mul3A_42 : i32
      %add3A_615 = arith.constant 3 : i32
      %add3A_616 = arith.addi %add3A_614, %add3A_615 : i32
      %jit3A_617 = arith.constant 16 : i32
      %div3A_618 = arith.divsi %add3A_616, %jit3A_617 : i32
      %sign3A_619 = arith.constant 0 : i32
      %sign3A_620 = arith.cmpi sgt, %add3A_616, %sign3A_619 : i32
      %sign3A_621 = arith.extui %sign3A_620 : i1 to i32
      %sign3A_622 = arith.constant 0 : i32
      %sign3A_623 = arith.cmpi slt, %add3A_616, %sign3A_622 : i32
      %sign3A_624 = arith.extui %sign3A_623 : i1 to i32
      %sign3A_625 = arith.subi %sign3A_621, %sign3A_624 : i32
      %sign3A_626 = arith.constant 0 : i32
      %sign3A_627 = arith.cmpi sgt, %jit3A_617, %sign3A_626 : i32
      %sign3A_628 = arith.extui %sign3A_627 : i1 to i32
      %sign3A_629 = arith.constant 0 : i32
      %sign3A_630 = arith.cmpi slt, %jit3A_617, %sign3A_629 : i32
      %sign3A_631 = arith.extui %sign3A_630 : i1 to i32
      %sign3A_632 = arith.subi %sign3A_628, %sign3A_631 : i32
      %ne3A_633 = arith.cmpi ne, %sign3A_625, %sign3A_632 : i32
      %rem3A_634 = arith.remsi %add3A_616, %jit3A_617 : i32
      %ne3A_635 = arith.constant 0 : i32
      %ne3A_636 = arith.cmpi ne, %rem3A_634, %ne3A_635 : i32
      %and3A_637 = arith.andi %ne3A_633, %ne3A_636 : i1
      %sub3A_638 = arith.constant 1 : i32
      %sub3A_639 = arith.subi %div3A_618, %sub3A_638 : i32
      %select_n3A_640 = arith.select %and3A_637, %sub3A_639, %div3A_618 : i32
      %jit3A_641 = arith.constant 16 : i32
      %eq3A_642 = arith.constant 0 : i32
      %eq3A_643 = arith.cmpi eq, %jit3A_641, %eq3A_642 : i32
      %jit3A_644 = arith.constant 1 : i32
      %select_n3A_645 = arith.select %eq3A_643, %jit3A_644, %jit3A_641 : i32
      %rem3A_646 = arith.remsi %add3A_616, %select_n3A_645 : i32
      %ne3A_647 = arith.constant 0 : i32
      %ne3A_648 = arith.cmpi ne, %rem3A_646, %ne3A_647 : i32
      %lt3A_649 = arith.constant 0 : i32
      %lt3A_650 = arith.cmpi slt, %rem3A_646, %lt3A_649 : i32
      %lt3A_651 = arith.constant 0 : i32
      %lt3A_652 = arith.cmpi slt, %select_n3A_645, %lt3A_651 : i32
      %ne3A_653 = arith.xori %lt3A_650, %lt3A_652 : i1
      %and3A_654 = arith.andi %ne3A_653, %ne3A_648 : i1
      %add3A_655 = arith.addi %rem3A_646, %select_n3A_645 : i32
      %select_n3A_656 = arith.select %and3A_654, %add3A_655, %rem3A_646 : i32
      %mul3A_657 = arith.constant 12 : i32
      %mul3A_658 = arith.muli %select_n3A_640, %mul3A_657 : i32
      %add3A_659 = arith.addi %mul3A_658, %select_n3A : i32
      %mul3A_660 = arith.constant 1024 : i32
      %mul3A_661 = arith.muli %add3A_659, %mul3A_660 : i32
      %mul3A_662 = arith.constant 64 : i32
      %mul3A_663 = arith.muli %select_n3A_656, %mul3A_662 : i32
      %add3A_664 = arith.addi %mul3A_661, %mul3A_663 : i32
      %run_scoped3A_665 = arith.constant 3 : i32
      "tpu.region"() ({
        %run_scoped3A_718 = tpu.sem_alloc : memref<!tpu.dma_semaphore, #tpu.memory_space<semaphore_mem>>
        %dma_start3A_719 = arith.constant 0 : i32
        %dma_start3A_720 = arith.constant 0 : i32
        %dma_start3A_721 = tpu.memref_slice %arg6[%run_scoped3A_665, %dma_start3A_719, %dma_start3A_720] : memref<5x64x128xf32, #tpu.memory_space<vmem>> -> memref<1x64x128xf32, #tpu.memory_space<vmem>>
        %dma_start3A_722 = tpu.memref_squeeze %dma_start3A_721 : memref<1x64x128xf32, #tpu.memory_space<vmem>> -> memref<64x128xf32, #tpu.memory_space<vmem>>
        %dma_start3A_723 = arith.constant 0 : i32
        %dma_start3A_724 = tpu.memref_slice %arg4[%add3A_664, %dma_start3A_723] : memref<614400x128xf32, #tpu.memory_space<hbm>> -> memref<64x128xf32, #tpu.memory_space<hbm>>
        %dma_start3A_725 = arith.constant 0 : i32
        %dma_start3A_726 = tpu.memref_slice %arg4[%add3A_664, %dma_start3A_725] : memref<614400x128xf32, #tpu.memory_space<hbm>> -> memref<64x128xf32, #tpu.memory_space<hbm>>
        %dma_start3A_727 = arith.constant 0 : i32
        %dma_start3A_728 = arith.constant 0 : i32
        %dma_start3A_729 = tpu.memref_slice %arg6[%run_scoped3A_665, %dma_start3A_727, %dma_start3A_728] : memref<5x64x128xf32, #tpu.memory_space<vmem>> -> memref<1x64x128xf32, #tpu.memory_space<vmem>>
        %dma_start3A_730 = tpu.memref_squeeze %dma_start3A_729 : memref<1x64x128xf32, #tpu.memory_space<vmem>> -> memref<64x128xf32, #tpu.memory_space<vmem>>
        tpu.enqueue_dma source(%dma_start3A_730 : memref<64x128xf32, #tpu.memory_space<vmem>>) target(%dma_start3A_726 : memref<64x128xf32, #tpu.memory_space<hbm>>) target_semaphore(%run_scoped3A_718 : memref<!tpu.dma_semaphore, #tpu.memory_space<semaphore_mem>>)
        %dma_wait3A_731 = arith.constant 0 : i32
        %dma_wait3A_732 = arith.constant 0 : i32
        %dma_wait3A_733 = tpu.memref_slice %arg6[%run_scoped3A_665, %dma_wait3A_731, %dma_wait3A_732] : memref<5x64x128xf32, #tpu.memory_space<vmem>> -> memref<1x64x128xf32, #tpu.memory_space<vmem>>
        %dma_wait3A_734 = tpu.memref_squeeze %dma_wait3A_733 : memref<1x64x128xf32, #tpu.memory_space<vmem>> -> memref<64x128xf32, #tpu.memory_space<vmem>>
        %dma_wait3A_735 = arith.constant 0 : i32
        %dma_wait3A_736 = tpu.memref_slice %arg4[%add3A_664, %dma_wait3A_735] : memref<614400x128xf32, #tpu.memory_space<hbm>> -> memref<64x128xf32, #tpu.memory_space<hbm>>
        %dma_wait3A_737 = arith.constant 0 : i32
        %dma_wait3A_738 = tpu.memref_slice %arg4[%add3A_664, %dma_wait3A_737] : memref<614400x128xf32, #tpu.memory_space<hbm>> -> memref<64x128xf32, #tpu.memory_space<hbm>>
        %dma_wait3A_739 = arith.constant 0 : i32
        %dma_wait3A_740 = arith.constant 0 : i32
        %dma_wait3A_741 = tpu.memref_slice %arg6[%run_scoped3A_665, %dma_wait3A_739, %dma_wait3A_740] : memref<5x64x128xf32, #tpu.memory_space<vmem>> -> memref<1x64x128xf32, #tpu.memory_space<vmem>>
        %dma_wait3A_742 = tpu.memref_squeeze %dma_wait3A_741 : memref<1x64x128xf32, #tpu.memory_space<vmem>> -> memref<64x128xf32, #tpu.memory_space<vmem>>
        tpu.wait_dma2 semaphore(%run_scoped3A_718 : memref<!tpu.dma_semaphore, #tpu.memory_space<semaphore_mem>>) src(%dma_wait3A_742 : memref<64x128xf32, #tpu.memory_space<vmem>>) dst(%dma_wait3A_738 : memref<64x128xf32, #tpu.memory_space<hbm>>)
        tpu.yield
      }) : () -> ()
      %add3A_666 = arith.addi %mul3A_34, %mul3A_42 : i32
      %add3A_667 = arith.constant 4 : i32
      %add3A_668 = arith.addi %add3A_666, %add3A_667 : i32
      %jit3A_669 = arith.constant 16 : i32
      %div3A_670 = arith.divsi %add3A_668, %jit3A_669 : i32
      %sign3A_671 = arith.constant 0 : i32
      %sign3A_672 = arith.cmpi sgt, %add3A_668, %sign3A_671 : i32
      %sign3A_673 = arith.extui %sign3A_672 : i1 to i32
      %sign3A_674 = arith.constant 0 : i32
      %sign3A_675 = arith.cmpi slt, %add3A_668, %sign3A_674 : i32
      %sign3A_676 = arith.extui %sign3A_675 : i1 to i32
      %sign3A_677 = arith.subi %sign3A_673, %sign3A_676 : i32
      %sign3A_678 = arith.constant 0 : i32
      %sign3A_679 = arith.cmpi sgt, %jit3A_669, %sign3A_678 : i32
      %sign3A_680 = arith.extui %sign3A_679 : i1 to i32
      %sign3A_681 = arith.constant 0 : i32
      %sign3A_682 = arith.cmpi slt, %jit3A_669, %sign3A_681 : i32
      %sign3A_683 = arith.extui %sign3A_682 : i1 to i32
      %sign3A_684 = arith.subi %sign3A_680, %sign3A_683 : i32
      %ne3A_685 = arith.cmpi ne, %sign3A_677, %sign3A_684 : i32
      %rem3A_686 = arith.remsi %add3A_668, %jit3A_669 : i32
      %ne3A_687 = arith.constant 0 : i32
      %ne3A_688 = arith.cmpi ne, %rem3A_686, %ne3A_687 : i32
      %and3A_689 = arith.andi %ne3A_685, %ne3A_688 : i1
      %sub3A_690 = arith.constant 1 : i32
      %sub3A_691 = arith.subi %div3A_670, %sub3A_690 : i32
      %select_n3A_692 = arith.select %and3A_689, %sub3A_691, %div3A_670 : i32
      %jit3A_693 = arith.constant 16 : i32
      %eq3A_694 = arith.constant 0 : i32
      %eq3A_695 = arith.cmpi eq, %jit3A_693, %eq3A_694 : i32
      %jit3A_696 = arith.constant 1 : i32
      %select_n3A_697 = arith.select %eq3A_695, %jit3A_696, %jit3A_693 : i32
      %rem3A_698 = arith.remsi %add3A_668, %select_n3A_697 : i32
      %ne3A_699 = arith.constant 0 : i32
      %ne3A_700 = arith.cmpi ne, %rem3A_698, %ne3A_699 : i32
      %lt3A_701 = arith.constant 0 : i32
      %lt3A_702 = arith.cmpi slt, %rem3A_698, %lt3A_701 : i32
      %lt3A_703 = arith.constant 0 : i32
      %lt3A_704 = arith.cmpi slt, %select_n3A_697, %lt3A_703 : i32
      %ne3A_705 = arith.xori %lt3A_702, %lt3A_704 : i1
      %and3A_706 = arith.andi %ne3A_705, %ne3A_700 : i1
      %add3A_707 = arith.addi %rem3A_698, %select_n3A_697 : i32
      %select_n3A_708 = arith.select %and3A_706, %add3A_707, %rem3A_698 : i32
      %mul3A_709 = arith.constant 12 : i32
      %mul3A_710 = arith.muli %select_n3A_692, %mul3A_709 : i32
      %add3A_711 = arith.addi %mul3A_710, %select_n3A : i32
      %mul3A_712 = arith.constant 1024 : i32
      %mul3A_713 = arith.muli %add3A_711, %mul3A_712 : i32
      %mul3A_714 = arith.constant 64 : i32
      %mul3A_715 = arith.muli %select_n3A_708, %mul3A_714 : i32
      %add3A_716 = arith.addi %mul3A_713, %mul3A_715 : i32
      %run_scoped3A_717 = arith.constant 4 : i32
      "tpu.region"() ({
        %run_scoped3A_718 = tpu.sem_alloc : memref<!tpu.dma_semaphore, #tpu.memory_space<semaphore_mem>>
        %dma_start3A_719 = arith.constant 0 : i32
        %dma_start3A_720 = arith.constant 0 : i32
        %dma_start3A_721 = tpu.memref_slice %arg6[%run_scoped3A_717, %dma_start3A_719, %dma_start3A_720] : memref<5x64x128xf32, #tpu.memory_space<vmem>> -> memref<1x64x128xf32, #tpu.memory_space<vmem>>
        %dma_start3A_722 = tpu.memref_squeeze %dma_start3A_721 : memref<1x64x128xf32, #tpu.memory_space<vmem>> -> memref<64x128xf32, #tpu.memory_space<vmem>>
        %dma_start3A_723 = arith.constant 0 : i32
        %dma_start3A_724 = tpu.memref_slice %arg4[%add3A_716, %dma_start3A_723] : memref<614400x128xf32, #tpu.memory_space<hbm>> -> memref<64x128xf32, #tpu.memory_space<hbm>>
        %dma_start3A_725 = arith.constant 0 : i32
        %dma_start3A_726 = tpu.memref_slice %arg4[%add3A_716, %dma_start3A_725] : memref<614400x128xf32, #tpu.memory_space<hbm>> -> memref<64x128xf32, #tpu.memory_space<hbm>>
        %dma_start3A_727 = arith.constant 0 : i32
        %dma_start3A_728 = arith.constant 0 : i32
        %dma_start3A_729 = tpu.memref_slice %arg6[%run_scoped3A_717, %dma_start3A_727, %dma_start3A_728] : memref<5x64x128xf32, #tpu.memory_space<vmem>> -> memref<1x64x128xf32, #tpu.memory_space<vmem>>
        %dma_start3A_730 = tpu.memref_squeeze %dma_start3A_729 : memref<1x64x128xf32, #tpu.memory_space<vmem>> -> memref<64x128xf32, #tpu.memory_space<vmem>>
        tpu.enqueue_dma source(%dma_start3A_730 : memref<64x128xf32, #tpu.memory_space<vmem>>) target(%dma_start3A_726 : memref<64x128xf32, #tpu.memory_space<hbm>>) target_semaphore(%run_scoped3A_718 : memref<!tpu.dma_semaphore, #tpu.memory_space<semaphore_mem>>)
        %dma_wait3A_731 = arith.constant 0 : i32
        %dma_wait3A_732 = arith.constant 0 : i32
        %dma_wait3A_733 = tpu.memref_slice %arg6[%run_scoped3A_717, %dma_wait3A_731, %dma_wait3A_732] : memref<5x64x128xf32, #tpu.memory_space<vmem>> -> memref<1x64x128xf32, #tpu.memory_space<vmem>>
        %dma_wait3A_734 = tpu.memref_squeeze %dma_wait3A_733 : memref<1x64x128xf32, #tpu.memory_space<vmem>> -> memref<64x128xf32, #tpu.memory_space<vmem>>
        %dma_wait3A_735 = arith.constant 0 : i32
        %dma_wait3A_736 = tpu.memref_slice %arg4[%add3A_716, %dma_wait3A_735] : memref<614400x128xf32, #tpu.memory_space<hbm>> -> memref<64x128xf32, #tpu.memory_space<hbm>>
        %dma_wait3A_737 = arith.constant 0 : i32
        %dma_wait3A_738 = tpu.memref_slice %arg4[%add3A_716, %dma_wait3A_737] : memref<614400x128xf32, #tpu.memory_space<hbm>> -> memref<64x128xf32, #tpu.memory_space<hbm>>
        %dma_wait3A_739 = arith.constant 0 : i32
        %dma_wait3A_740 = arith.constant 0 : i32
        %dma_wait3A_741 = tpu.memref_slice %arg6[%run_scoped3A_717, %dma_wait3A_739, %dma_wait3A_740] : memref<5x64x128xf32, #tpu.memory_space<vmem>> -> memref<1x64x128xf32, #tpu.memory_space<vmem>>
        %dma_wait3A_742 = tpu.memref_squeeze %dma_wait3A_741 : memref<1x64x128xf32, #tpu.memory_space<vmem>> -> memref<64x128xf32, #tpu.memory_space<vmem>>
        tpu.wait_dma2 semaphore(%run_scoped3A_718 : memref<!tpu.dma_semaphore, #tpu.memory_space<semaphore_mem>>) src(%dma_wait3A_742 : memref<64x128xf32, #tpu.memory_space<vmem>>) dst(%dma_wait3A_738 : memref<64x128xf32, #tpu.memory_space<hbm>>)
        tpu.yield
      }) : () -> ()
    }
    %scan3A_39 = arith.constant 20 : i32
    return
  }
}

#map = affine_map<(d0, d1) -> (0)>
#map1 = affine_map<(d0, d1) -> (0, 0)>
module attributes {stable_mosaic.version = 14 : i64} {
  func.func @body(%arg0: i32, %arg1: i32, %arg2: memref<102400xi32, #tpu.memory_space<hbm>>, %arg3: memref<2048xi32, #tpu.memory_space<hbm>>, %arg4: memref<2000x128xf32, #tpu.memory_space<hbm>>, %arg5: memref<200000x128xf32, #tpu.memory_space<hbm>>, %arg6: memref<51200x256xf32, #tpu.memory_space<hbm>>, %arg7: memref<6144x128xf32, #tpu.memory_space<hbm>>, %arg8: memref<2x64xi32, #tpu.memory_space<vmem>>, %arg9: memref<2x64x128xf32, #tpu.memory_space<vmem>>, %arg10: memref<32xi32, #tpu.memory_space<vmem>>, %arg11: memref<32x128xf32, #tpu.memory_space<vmem>>, %arg12: memref<!tpu.dma_semaphore, #tpu.memory_space<semaphore_mem>>) attributes {dimension_semantics = [#tpu.dimension_semantics<core_parallel>, #tpu.dimension_semantics<subcore_parallel>], iteration_bounds = array<i64: 2, 16>, scalar_prefetch = 0 : i64, scratch_operands = 5 : i64, tpu.core_type = #tpu.core_type<sc_vector_subcore>, window_params = [{transform_indices = #map}, {transform_indices = #map}, {transform_indices = #map1}, {transform_indices = #map1}, {transform_indices = #map1}, {transform_indices = #map1}]} {
    %mul3A = arith.constant 2 : i32
    %mul3A_0 = arith.muli %arg1, %mul3A : i32
    %add3A = arith.addi %mul3A_0, %arg0 : i32
    %mul3A_1 = arith.constant 32 : i32
    %mul3A_2 = arith.muli %add3A, %mul3A_1 : i32
    %add3A_3 = arith.constant 0 : i32
    %add3A_4 = arith.addi %add3A_3, %mul3A_2 : i32
    "tpu.region"() ({
      %run_scoped3A = tpu.sem_alloc : memref<!tpu.dma_semaphore, #tpu.memory_space<semaphore_mem>>
      %dma_start3A_44 = tpu.memref_slice %arg3[%add3A_4] : memref<2048xi32, #tpu.memory_space<hbm>> -> memref<32xi32, #tpu.memory_space<hbm>>
      %dma_start3A_45 = tpu.memref_slice %arg3[%add3A_4] : memref<2048xi32, #tpu.memory_space<hbm>> -> memref<32xi32, #tpu.memory_space<hbm>>
      tpu.enqueue_dma source(%dma_start3A_45 : memref<32xi32, #tpu.memory_space<hbm>>) target(%arg10 : memref<32xi32, #tpu.memory_space<vmem>>) target_semaphore(%run_scoped3A : memref<!tpu.dma_semaphore, #tpu.memory_space<semaphore_mem>>)
      %dma_wait3A_46 = tpu.memref_slice %arg3[%add3A_4] : memref<2048xi32, #tpu.memory_space<hbm>> -> memref<32xi32, #tpu.memory_space<hbm>>
      %dma_wait3A_47 = tpu.memref_slice %arg3[%add3A_4] : memref<2048xi32, #tpu.memory_space<hbm>> -> memref<32xi32, #tpu.memory_space<hbm>>
      tpu.wait_dma2 semaphore(%run_scoped3A : memref<!tpu.dma_semaphore, #tpu.memory_space<semaphore_mem>>) src(%dma_wait3A_47 : memref<32xi32, #tpu.memory_space<hbm>>) dst(%arg10 : memref<32xi32, #tpu.memory_space<vmem>>)
      tpu.yield
    }) : () -> ()
    %dma_start3A = arith.constant 0 : i32
    %dma_start3A_5 = arith.constant 0 : i32
    %dma_start3A_6 = tpu.memref_slice %arg5[%dma_start3A, %dma_start3A_5] : memref<200000x128xf32, #tpu.memory_space<hbm>> -> memref<200000x128xf32, #tpu.memory_space<hbm>>
    tpu.enqueue_indirect_dma source(%dma_start3A_6 : memref<200000x128xf32, #tpu.memory_space<hbm>>) target(%arg11 : memref<32x128xf32, #tpu.memory_space<vmem>>) offsets(%arg10 : memref<32xi32, #tpu.memory_space<vmem>>) semaphore(%arg12 : memref<!tpu.dma_semaphore, #tpu.memory_space<semaphore_mem>>)
    %dma_wait3A = arith.constant 0 : i32
    %dma_wait3A_7 = arith.constant 0 : i32
    %dma_wait3A_8 = tpu.memref_slice %arg5[%dma_wait3A, %dma_wait3A_7] : memref<200000x128xf32, #tpu.memory_space<hbm>> -> memref<200000x128xf32, #tpu.memory_space<hbm>>
    tpu.wait_indirect_dma semaphore(%arg12 : memref<!tpu.dma_semaphore, #tpu.memory_space<semaphore_mem>>) src(%dma_wait3A_8 : memref<200000x128xf32, #tpu.memory_space<hbm>>) dst(%arg11 : memref<32x128xf32, #tpu.memory_space<vmem>>)
    %add3A_9 = arith.constant 0 : i32
    %add3A_10 = arith.addi %add3A_9, %mul3A_2 : i32
    "tpu.region"() ({
      %run_scoped3A = tpu.sem_alloc : memref<!tpu.dma_semaphore, #tpu.memory_space<semaphore_mem>>
      %dma_start3A_44 = arith.constant 0 : i32
      %dma_start3A_45 = tpu.memref_slice %arg7[%add3A_10, %dma_start3A_44] : memref<6144x128xf32, #tpu.memory_space<hbm>> -> memref<32x128xf32, #tpu.memory_space<hbm>>
      %dma_start3A_46 = arith.constant 0 : i32
      %dma_start3A_47 = tpu.memref_slice %arg7[%add3A_10, %dma_start3A_46] : memref<6144x128xf32, #tpu.memory_space<hbm>> -> memref<32x128xf32, #tpu.memory_space<hbm>>
      tpu.enqueue_dma source(%arg11 : memref<32x128xf32, #tpu.memory_space<vmem>>) target(%dma_start3A_47 : memref<32x128xf32, #tpu.memory_space<hbm>>) target_semaphore(%run_scoped3A : memref<!tpu.dma_semaphore, #tpu.memory_space<semaphore_mem>>)
      %dma_wait3A_48 = arith.constant 0 : i32
      %dma_wait3A_49 = tpu.memref_slice %arg7[%add3A_10, %dma_wait3A_48] : memref<6144x128xf32, #tpu.memory_space<hbm>> -> memref<32x128xf32, #tpu.memory_space<hbm>>
      %dma_wait3A_50 = arith.constant 0 : i32
      %dma_wait3A_51 = tpu.memref_slice %arg7[%add3A_10, %dma_wait3A_50] : memref<6144x128xf32, #tpu.memory_space<hbm>> -> memref<32x128xf32, #tpu.memory_space<hbm>>
      tpu.wait_dma2 semaphore(%run_scoped3A : memref<!tpu.dma_semaphore, #tpu.memory_space<semaphore_mem>>) src(%arg11 : memref<32x128xf32, #tpu.memory_space<vmem>>) dst(%dma_wait3A_51 : memref<32x128xf32, #tpu.memory_space<hbm>>)
      tpu.yield
    }) : () -> ()
    %add3A_11 = arith.constant 1024 : i32
    %add3A_12 = arith.addi %add3A_11, %mul3A_2 : i32
    "tpu.region"() ({
      %run_scoped3A = tpu.sem_alloc : memref<!tpu.dma_semaphore, #tpu.memory_space<semaphore_mem>>
      %dma_start3A_44 = tpu.memref_slice %arg3[%add3A_12] : memref<2048xi32, #tpu.memory_space<hbm>> -> memref<32xi32, #tpu.memory_space<hbm>>
      %dma_start3A_45 = tpu.memref_slice %arg3[%add3A_12] : memref<2048xi32, #tpu.memory_space<hbm>> -> memref<32xi32, #tpu.memory_space<hbm>>
      tpu.enqueue_dma source(%dma_start3A_45 : memref<32xi32, #tpu.memory_space<hbm>>) target(%arg10 : memref<32xi32, #tpu.memory_space<vmem>>) target_semaphore(%run_scoped3A : memref<!tpu.dma_semaphore, #tpu.memory_space<semaphore_mem>>)
      %dma_wait3A_46 = tpu.memref_slice %arg3[%add3A_12] : memref<2048xi32, #tpu.memory_space<hbm>> -> memref<32xi32, #tpu.memory_space<hbm>>
      %dma_wait3A_47 = tpu.memref_slice %arg3[%add3A_12] : memref<2048xi32, #tpu.memory_space<hbm>> -> memref<32xi32, #tpu.memory_space<hbm>>
      tpu.wait_dma2 semaphore(%run_scoped3A : memref<!tpu.dma_semaphore, #tpu.memory_space<semaphore_mem>>) src(%dma_wait3A_47 : memref<32xi32, #tpu.memory_space<hbm>>) dst(%arg10 : memref<32xi32, #tpu.memory_space<vmem>>)
      tpu.yield
    }) : () -> ()
    %get3A = arith.constant 0 : index
    %get3A_13 = tpu.vector_load %arg10[%get3A] {strides = array<i32>} : memref<32xi32, #tpu.memory_space<vmem>>, vector<16xi32>,
    %get3A_14 = vector.shape_cast %get3A_13 : vector<16xi32> to vector<16xi32>
    %add3A_15 = arith.constant 100000 : i32
    %add3A_16 = vector.broadcast %add3A_15 : i32 to vector<16xi32>
    %add3A_17 = arith.addi %get3A_14, %add3A_16 : vector<16xi32>
    %swap3A = arith.constant 0 : index
    %swap3A_18 = tpu.vector_load %arg10[%swap3A] {strides = array<i32>} : memref<32xi32, #tpu.memory_space<vmem>>, vector<16xi32>,
    %swap3A_19 = vector.shape_cast %swap3A_18 : vector<16xi32> to vector<16xi32>
    %swap3A_20 = vector.shape_cast %add3A_17 : vector<16xi32> to vector<16xi32>
    tpu.vector_store %arg10[%swap3A], %swap3A_20 {strides = array<i32>} : memref<32xi32, #tpu.memory_space<vmem>>, vector<16xi32>,
    %get3A_21 = arith.constant 16 : index
    %get3A_22 = tpu.vector_load %arg10[%get3A_21] {strides = array<i32>} : memref<32xi32, #tpu.memory_space<vmem>>, vector<16xi32>,
    %get3A_23 = vector.shape_cast %get3A_22 : vector<16xi32> to vector<16xi32>
    %add3A_24 = arith.constant 100000 : i32
    %add3A_25 = vector.broadcast %add3A_24 : i32 to vector<16xi32>
    %add3A_26 = arith.addi %get3A_23, %add3A_25 : vector<16xi32>
    %swap3A_27 = arith.constant 16 : index
    %swap3A_28 = tpu.vector_load %arg10[%swap3A_27] {strides = array<i32>} : memref<32xi32, #tpu.memory_space<vmem>>, vector<16xi32>,
    %swap3A_29 = vector.shape_cast %swap3A_28 : vector<16xi32> to vector<16xi32>
    %swap3A_30 = vector.shape_cast %add3A_26 : vector<16xi32> to vector<16xi32>
    tpu.vector_store %arg10[%swap3A_27], %swap3A_30 {strides = array<i32>} : memref<32xi32, #tpu.memory_space<vmem>>, vector<16xi32>,
    %dma_start3A_31 = arith.constant 0 : i32
    %dma_start3A_32 = arith.constant 0 : i32
    %dma_start3A_33 = tpu.memref_slice %arg5[%dma_start3A_31, %dma_start3A_32] : memref<200000x128xf32, #tpu.memory_space<hbm>> -> memref<200000x128xf32, #tpu.memory_space<hbm>>
    tpu.enqueue_indirect_dma source(%dma_start3A_33 : memref<200000x128xf32, #tpu.memory_space<hbm>>) target(%arg11 : memref<32x128xf32, #tpu.memory_space<vmem>>) offsets(%arg10 : memref<32xi32, #tpu.memory_space<vmem>>) semaphore(%arg12 : memref<!tpu.dma_semaphore, #tpu.memory_space<semaphore_mem>>)
    %dma_wait3A_34 = arith.constant 0 : i32
    %dma_wait3A_35 = arith.constant 0 : i32
    %dma_wait3A_36 = tpu.memref_slice %arg5[%dma_wait3A_34, %dma_wait3A_35] : memref<200000x128xf32, #tpu.memory_space<hbm>> -> memref<200000x128xf32, #tpu.memory_space<hbm>>
    tpu.wait_indirect_dma semaphore(%arg12 : memref<!tpu.dma_semaphore, #tpu.memory_space<semaphore_mem>>) src(%dma_wait3A_36 : memref<200000x128xf32, #tpu.memory_space<hbm>>) dst(%arg11 : memref<32x128xf32, #tpu.memory_space<vmem>>)
    %add3A_37 = arith.constant 1024 : i32
    %add3A_38 = arith.addi %add3A_37, %mul3A_2 : i32
    "tpu.region"() ({
      %run_scoped3A = tpu.sem_alloc : memref<!tpu.dma_semaphore, #tpu.memory_space<semaphore_mem>>
      %dma_start3A_44 = arith.constant 0 : i32
      %dma_start3A_45 = tpu.memref_slice %arg7[%add3A_38, %dma_start3A_44] : memref<6144x128xf32, #tpu.memory_space<hbm>> -> memref<32x128xf32, #tpu.memory_space<hbm>>
      %dma_start3A_46 = arith.constant 0 : i32
      %dma_start3A_47 = tpu.memref_slice %arg7[%add3A_38, %dma_start3A_46] : memref<6144x128xf32, #tpu.memory_space<hbm>> -> memref<32x128xf32, #tpu.memory_space<hbm>>
      tpu.enqueue_dma source(%arg11 : memref<32x128xf32, #tpu.memory_space<vmem>>) target(%dma_start3A_47 : memref<32x128xf32, #tpu.memory_space<hbm>>) target_semaphore(%run_scoped3A : memref<!tpu.dma_semaphore, #tpu.memory_space<semaphore_mem>>)
      %dma_wait3A_48 = arith.constant 0 : i32
      %dma_wait3A_49 = tpu.memref_slice %arg7[%add3A_38, %dma_wait3A_48] : memref<6144x128xf32, #tpu.memory_space<hbm>> -> memref<32x128xf32, #tpu.memory_space<hbm>>
      %dma_wait3A_50 = arith.constant 0 : i32
      %dma_wait3A_51 = tpu.memref_slice %arg7[%add3A_38, %dma_wait3A_50] : memref<6144x128xf32, #tpu.memory_space<hbm>> -> memref<32x128xf32, #tpu.memory_space<hbm>>
      tpu.wait_dma2 semaphore(%run_scoped3A : memref<!tpu.dma_semaphore, #tpu.memory_space<semaphore_mem>>) src(%arg11 : memref<32x128xf32, #tpu.memory_space<vmem>>) dst(%dma_wait3A_51 : memref<32x128xf32, #tpu.memory_space<hbm>>)
      tpu.yield
    }) : () -> ()
    %scan3A = arith.constant 0 : i32
    %scan3A_39 = arith.constant 0 : i32
    %scan3A_40 = arith.constant 25 : i32
    %scan3A_41 = arith.addi %scan3A_39, %scan3A_40 : i32
    %scan3A_42 = arith.constant 1 : i32
    scf.for %scan3A_44 = %scan3A_39 to %scan3A_41 step %scan3A_42  : i32 {
      %mul3A_45 = arith.constant 1600 : i32
      %mul3A_46 = arith.muli %add3A, %mul3A_45 : i32
      %mul3A_47 = arith.constant 64 : i32
      %mul3A_48 = arith.muli %scan3A_44, %mul3A_47 : i32
      %add3A_49 = arith.addi %mul3A_46, %mul3A_48 : i32
      %add3A_50 = arith.constant 0 : i32
      %add3A_51 = arith.addi %add3A_50, %add3A_49 : i32
      %run_scoped3A = arith.constant 0 : i32
      "tpu.region"() ({
        %run_scoped3A_211 = tpu.sem_alloc : memref<!tpu.dma_semaphore, #tpu.memory_space<semaphore_mem>>
        %dma_start3A_212 = arith.constant 0 : i32
        %dma_start3A_213 = tpu.memref_slice %arg8[%run_scoped3A, %dma_start3A_212] : memref<2x64xi32, #tpu.memory_space<vmem>> -> memref<1x64xi32, #tpu.memory_space<vmem>>
        %dma_start3A_214 = tpu.memref_squeeze %dma_start3A_213 : memref<1x64xi32, #tpu.memory_space<vmem>> -> memref<64xi32, #tpu.memory_space<vmem>>
        %dma_start3A_215 = tpu.memref_slice %arg2[%add3A_51] : memref<102400xi32, #tpu.memory_space<hbm>> -> memref<64xi32, #tpu.memory_space<hbm>>
        %dma_start3A_216 = arith.constant 0 : i32
        %dma_start3A_217 = tpu.memref_slice %arg8[%run_scoped3A, %dma_start3A_216] : memref<2x64xi32, #tpu.memory_space<vmem>> -> memref<1x64xi32, #tpu.memory_space<vmem>>
        %dma_start3A_218 = tpu.memref_squeeze %dma_start3A_217 : memref<1x64xi32, #tpu.memory_space<vmem>> -> memref<64xi32, #tpu.memory_space<vmem>>
        %dma_start3A_219 = tpu.memref_slice %arg2[%add3A_51] : memref<102400xi32, #tpu.memory_space<hbm>> -> memref<64xi32, #tpu.memory_space<hbm>>
        tpu.enqueue_dma source(%dma_start3A_219 : memref<64xi32, #tpu.memory_space<hbm>>) target(%dma_start3A_218 : memref<64xi32, #tpu.memory_space<vmem>>) target_semaphore(%run_scoped3A_211 : memref<!tpu.dma_semaphore, #tpu.memory_space<semaphore_mem>>)
        %dma_wait3A_220 = arith.constant 0 : i32
        %dma_wait3A_221 = tpu.memref_slice %arg8[%run_scoped3A, %dma_wait3A_220] : memref<2x64xi32, #tpu.memory_space<vmem>> -> memref<1x64xi32, #tpu.memory_space<vmem>>
        %dma_wait3A_222 = tpu.memref_squeeze %dma_wait3A_221 : memref<1x64xi32, #tpu.memory_space<vmem>> -> memref<64xi32, #tpu.memory_space<vmem>>
        %dma_wait3A_223 = tpu.memref_slice %arg2[%add3A_51] : memref<102400xi32, #tpu.memory_space<hbm>> -> memref<64xi32, #tpu.memory_space<hbm>>
        %dma_wait3A_224 = arith.constant 0 : i32
        %dma_wait3A_225 = tpu.memref_slice %arg8[%run_scoped3A, %dma_wait3A_224] : memref<2x64xi32, #tpu.memory_space<vmem>> -> memref<1x64xi32, #tpu.memory_space<vmem>>
        %dma_wait3A_226 = tpu.memref_squeeze %dma_wait3A_225 : memref<1x64xi32, #tpu.memory_space<vmem>> -> memref<64xi32, #tpu.memory_space<vmem>>
        %dma_wait3A_227 = tpu.memref_slice %arg2[%add3A_51] : memref<102400xi32, #tpu.memory_space<hbm>> -> memref<64xi32, #tpu.memory_space<hbm>>
        tpu.wait_dma2 semaphore(%run_scoped3A_211 : memref<!tpu.dma_semaphore, #tpu.memory_space<semaphore_mem>>) src(%dma_wait3A_227 : memref<64xi32, #tpu.memory_space<hbm>>) dst(%dma_wait3A_226 : memref<64xi32, #tpu.memory_space<vmem>>)
        tpu.yield
      }) : () -> ()
      %add3A_52 = arith.constant 51200 : i32
      %add3A_53 = arith.addi %add3A_52, %add3A_49 : i32
      %run_scoped3A_54 = arith.constant 1 : i32
      "tpu.region"() ({
        %run_scoped3A_211 = tpu.sem_alloc : memref<!tpu.dma_semaphore, #tpu.memory_space<semaphore_mem>>
        %dma_start3A_212 = arith.constant 0 : i32
        %dma_start3A_213 = tpu.memref_slice %arg8[%run_scoped3A_54, %dma_start3A_212] : memref<2x64xi32, #tpu.memory_space<vmem>> -> memref<1x64xi32, #tpu.memory_space<vmem>>
        %dma_start3A_214 = tpu.memref_squeeze %dma_start3A_213 : memref<1x64xi32, #tpu.memory_space<vmem>> -> memref<64xi32, #tpu.memory_space<vmem>>
        %dma_start3A_215 = tpu.memref_slice %arg2[%add3A_53] : memref<102400xi32, #tpu.memory_space<hbm>> -> memref<64xi32, #tpu.memory_space<hbm>>
        %dma_start3A_216 = arith.constant 0 : i32
        %dma_start3A_217 = tpu.memref_slice %arg8[%run_scoped3A_54, %dma_start3A_216] : memref<2x64xi32, #tpu.memory_space<vmem>> -> memref<1x64xi32, #tpu.memory_space<vmem>>
        %dma_start3A_218 = tpu.memref_squeeze %dma_start3A_217 : memref<1x64xi32, #tpu.memory_space<vmem>> -> memref<64xi32, #tpu.memory_space<vmem>>
        %dma_start3A_219 = tpu.memref_slice %arg2[%add3A_53] : memref<102400xi32, #tpu.memory_space<hbm>> -> memref<64xi32, #tpu.memory_space<hbm>>
        tpu.enqueue_dma source(%dma_start3A_219 : memref<64xi32, #tpu.memory_space<hbm>>) target(%dma_start3A_218 : memref<64xi32, #tpu.memory_space<vmem>>) target_semaphore(%run_scoped3A_211 : memref<!tpu.dma_semaphore, #tpu.memory_space<semaphore_mem>>)
        %dma_wait3A_220 = arith.constant 0 : i32
        %dma_wait3A_221 = tpu.memref_slice %arg8[%run_scoped3A_54, %dma_wait3A_220] : memref<2x64xi32, #tpu.memory_space<vmem>> -> memref<1x64xi32, #tpu.memory_space<vmem>>
        %dma_wait3A_222 = tpu.memref_squeeze %dma_wait3A_221 : memref<1x64xi32, #tpu.memory_space<vmem>> -> memref<64xi32, #tpu.memory_space<vmem>>
        %dma_wait3A_223 = tpu.memref_slice %arg2[%add3A_53] : memref<102400xi32, #tpu.memory_space<hbm>> -> memref<64xi32, #tpu.memory_space<hbm>>
        %dma_wait3A_224 = arith.constant 0 : i32
        %dma_wait3A_225 = tpu.memref_slice %arg8[%run_scoped3A_54, %dma_wait3A_224] : memref<2x64xi32, #tpu.memory_space<vmem>> -> memref<1x64xi32, #tpu.memory_space<vmem>>
        %dma_wait3A_226 = tpu.memref_squeeze %dma_wait3A_225 : memref<1x64xi32, #tpu.memory_space<vmem>> -> memref<64xi32, #tpu.memory_space<vmem>>
        %dma_wait3A_227 = tpu.memref_slice %arg2[%add3A_53] : memref<102400xi32, #tpu.memory_space<hbm>> -> memref<64xi32, #tpu.memory_space<hbm>>
        tpu.wait_dma2 semaphore(%run_scoped3A_211 : memref<!tpu.dma_semaphore, #tpu.memory_space<semaphore_mem>>) src(%dma_wait3A_227 : memref<64xi32, #tpu.memory_space<hbm>>) dst(%dma_wait3A_226 : memref<64xi32, #tpu.memory_space<vmem>>)
        tpu.yield
      }) : () -> ()
      %get3A_55 = arith.constant 1 : i32
      %get3A_56 = arith.index_cast %get3A_55 : i32 to index
      %get3A_57 = arith.constant 0 : index
      %get3A_58 = tpu.vector_load %arg8[%get3A_56, %get3A_57] {strides = array<i32>} : memref<2x64xi32, #tpu.memory_space<vmem>>, vector<1x16xi32>,
      %get3A_59 = vector.shape_cast %get3A_58 : vector<1x16xi32> to vector<16xi32>
      %add3A_60 = arith.constant 1000 : i32
      %add3A_61 = vector.broadcast %add3A_60 : i32 to vector<16xi32>
      %add3A_62 = arith.addi %get3A_59, %add3A_61 : vector<16xi32>
      %swap3A_63 = arith.constant 1 : i32
      %swap3A_64 = arith.index_cast %swap3A_63 : i32 to index
      %swap3A_65 = arith.constant 0 : index
      %swap3A_66 = tpu.vector_load %arg8[%swap3A_64, %swap3A_65] {strides = array<i32>} : memref<2x64xi32, #tpu.memory_space<vmem>>, vector<1x16xi32>,
      %swap3A_67 = vector.shape_cast %swap3A_66 : vector<1x16xi32> to vector<16xi32>
      %swap3A_68 = vector.shape_cast %add3A_62 : vector<16xi32> to vector<1x16xi32>
      tpu.vector_store %arg8[%swap3A_64, %swap3A_65], %swap3A_68 {strides = array<i32>} : memref<2x64xi32, #tpu.memory_space<vmem>>, vector<1x16xi32>,
      %get3A_69 = arith.constant 1 : i32
      %get3A_70 = arith.index_cast %get3A_69 : i32 to index
      %get3A_71 = arith.constant 16 : index
      %get3A_72 = tpu.vector_load %arg8[%get3A_70, %get3A_71] {strides = array<i32>} : memref<2x64xi32, #tpu.memory_space<vmem>>, vector<1x16xi32>,
      %get3A_73 = vector.shape_cast %get3A_72 : vector<1x16xi32> to vector<16xi32>
      %add3A_74 = arith.constant 1000 : i32
      %add3A_75 = vector.broadcast %add3A_74 : i32 to vector<16xi32>
      %add3A_76 = arith.addi %get3A_73, %add3A_75 : vector<16xi32>
      %swap3A_77 = arith.constant 1 : i32
      %swap3A_78 = arith.index_cast %swap3A_77 : i32 to index
      %swap3A_79 = arith.constant 16 : index
      %swap3A_80 = tpu.vector_load %arg8[%swap3A_78, %swap3A_79] {strides = array<i32>} : memref<2x64xi32, #tpu.memory_space<vmem>>, vector<1x16xi32>,
      %swap3A_81 = vector.shape_cast %swap3A_80 : vector<1x16xi32> to vector<16xi32>
      %swap3A_82 = vector.shape_cast %add3A_76 : vector<16xi32> to vector<1x16xi32>
      tpu.vector_store %arg8[%swap3A_78, %swap3A_79], %swap3A_82 {strides = array<i32>} : memref<2x64xi32, #tpu.memory_space<vmem>>, vector<1x16xi32>,
      %get3A_83 = arith.constant 1 : i32
      %get3A_84 = arith.index_cast %get3A_83 : i32 to index
      %get3A_85 = arith.constant 32 : index
      %get3A_86 = tpu.vector_load %arg8[%get3A_84, %get3A_85] {strides = array<i32>} : memref<2x64xi32, #tpu.memory_space<vmem>>, vector<1x16xi32>,
      %get3A_87 = vector.shape_cast %get3A_86 : vector<1x16xi32> to vector<16xi32>
      %add3A_88 = arith.constant 1000 : i32
      %add3A_89 = vector.broadcast %add3A_88 : i32 to vector<16xi32>
      %add3A_90 = arith.addi %get3A_87, %add3A_89 : vector<16xi32>
      %swap3A_91 = arith.constant 1 : i32
      %swap3A_92 = arith.index_cast %swap3A_91 : i32 to index
      %swap3A_93 = arith.constant 32 : index
      %swap3A_94 = tpu.vector_load %arg8[%swap3A_92, %swap3A_93] {strides = array<i32>} : memref<2x64xi32, #tpu.memory_space<vmem>>, vector<1x16xi32>,
      %swap3A_95 = vector.shape_cast %swap3A_94 : vector<1x16xi32> to vector<16xi32>
      %swap3A_96 = vector.shape_cast %add3A_90 : vector<16xi32> to vector<1x16xi32>
      tpu.vector_store %arg8[%swap3A_92, %swap3A_93], %swap3A_96 {strides = array<i32>} : memref<2x64xi32, #tpu.memory_space<vmem>>, vector<1x16xi32>,
      %get3A_97 = arith.constant 1 : i32
      %get3A_98 = arith.index_cast %get3A_97 : i32 to index
      %get3A_99 = arith.constant 48 : index
      %get3A_100 = tpu.vector_load %arg8[%get3A_98, %get3A_99] {strides = array<i32>} : memref<2x64xi32, #tpu.memory_space<vmem>>, vector<1x16xi32>,
      %get3A_101 = vector.shape_cast %get3A_100 : vector<1x16xi32> to vector<16xi32>
      %add3A_102 = arith.constant 1000 : i32
      %add3A_103 = vector.broadcast %add3A_102 : i32 to vector<16xi32>
      %add3A_104 = arith.addi %get3A_101, %add3A_103 : vector<16xi32>
      %swap3A_105 = arith.constant 1 : i32
      %swap3A_106 = arith.index_cast %swap3A_105 : i32 to index
      %swap3A_107 = arith.constant 48 : index
      %swap3A_108 = tpu.vector_load %arg8[%swap3A_106, %swap3A_107] {strides = array<i32>} : memref<2x64xi32, #tpu.memory_space<vmem>>, vector<1x16xi32>,
      %swap3A_109 = vector.shape_cast %swap3A_108 : vector<1x16xi32> to vector<16xi32>
      %swap3A_110 = vector.shape_cast %add3A_104 : vector<16xi32> to vector<1x16xi32>
      tpu.vector_store %arg8[%swap3A_106, %swap3A_107], %swap3A_110 {strides = array<i32>} : memref<2x64xi32, #tpu.memory_space<vmem>>, vector<1x16xi32>,
      %dma_start3A_111 = arith.constant 0 : i32
      %dma_start3A_112 = arith.constant 0 : i32
      %dma_start3A_113 = arith.constant 0 : i32
      %dma_start3A_114 = arith.constant 0 : i32
      %dma_start3A_115 = tpu.memref_slice %arg9[%dma_start3A_112, %dma_start3A_113, %dma_start3A_114] : memref<2x64x128xf32, #tpu.memory_space<vmem>> -> memref<1x64x128xf32, #tpu.memory_space<vmem>>
      %dma_start3A_116 = tpu.memref_squeeze %dma_start3A_115 : memref<1x64x128xf32, #tpu.memory_space<vmem>> -> memref<64x128xf32, #tpu.memory_space<vmem>>
      %dma_start3A_117 = arith.constant 0 : i32
      %dma_start3A_118 = tpu.memref_slice %arg8[%dma_start3A_111, %dma_start3A_117] : memref<2x64xi32, #tpu.memory_space<vmem>> -> memref<1x64xi32, #tpu.memory_space<vmem>>
      %dma_start3A_119 = tpu.memref_squeeze %dma_start3A_118 : memref<1x64xi32, #tpu.memory_space<vmem>> -> memref<64xi32, #tpu.memory_space<vmem>>
      %dma_start3A_120 = arith.constant 0 : i32
      %dma_start3A_121 = arith.constant 0 : i32
      %dma_start3A_122 = tpu.memref_slice %arg4[%dma_start3A_120, %dma_start3A_121] : memref<2000x128xf32, #tpu.memory_space<hbm>> -> memref<2000x128xf32, #tpu.memory_space<hbm>>
      tpu.enqueue_indirect_dma source(%dma_start3A_122 : memref<2000x128xf32, #tpu.memory_space<hbm>>) target(%dma_start3A_116 : memref<64x128xf32, #tpu.memory_space<vmem>>) offsets(%dma_start3A_119 : memref<64xi32, #tpu.memory_space<vmem>>) semaphore(%arg12 : memref<!tpu.dma_semaphore, #tpu.memory_space<semaphore_mem>>)
      %dma_start3A_123 = arith.constant 1 : i32
      %dma_start3A_124 = arith.constant 1 : i32
      %dma_start3A_125 = arith.constant 0 : i32
      %dma_start3A_126 = arith.constant 0 : i32
      %dma_start3A_127 = tpu.memref_slice %arg9[%dma_start3A_124, %dma_start3A_125, %dma_start3A_126] : memref<2x64x128xf32, #tpu.memory_space<vmem>> -> memref<1x64x128xf32, #tpu.memory_space<vmem>>
      %dma_start3A_128 = tpu.memref_squeeze %dma_start3A_127 : memref<1x64x128xf32, #tpu.memory_space<vmem>> -> memref<64x128xf32, #tpu.memory_space<vmem>>
      %dma_start3A_129 = arith.constant 0 : i32
      %dma_start3A_130 = tpu.memref_slice %arg8[%dma_start3A_123, %dma_start3A_129] : memref<2x64xi32, #tpu.memory_space<vmem>> -> memref<1x64xi32, #tpu.memory_space<vmem>>
      %dma_start3A_131 = tpu.memref_squeeze %dma_start3A_130 : memref<1x64xi32, #tpu.memory_space<vmem>> -> memref<64xi32, #tpu.memory_space<vmem>>
      %dma_start3A_132 = arith.constant 0 : i32
      %dma_start3A_133 = arith.constant 0 : i32
      %dma_start3A_134 = tpu.memref_slice %arg4[%dma_start3A_132, %dma_start3A_133] : memref<2000x128xf32, #tpu.memory_space<hbm>> -> memref<2000x128xf32, #tpu.memory_space<hbm>>
      tpu.enqueue_indirect_dma source(%dma_start3A_134 : memref<2000x128xf32, #tpu.memory_space<hbm>>) target(%dma_start3A_128 : memref<64x128xf32, #tpu.memory_space<vmem>>) offsets(%dma_start3A_131 : memref<64xi32, #tpu.memory_space<vmem>>) semaphore(%arg12 : memref<!tpu.dma_semaphore, #tpu.memory_space<semaphore_mem>>)
      %dma_wait3A_135 = arith.constant 0 : i32
      %dma_wait3A_136 = arith.constant 0 : i32
      %dma_wait3A_137 = arith.constant 0 : i32
      %dma_wait3A_138 = arith.constant 0 : i32
      %dma_wait3A_139 = tpu.memref_slice %arg9[%dma_wait3A_136, %dma_wait3A_137, %dma_wait3A_138] : memref<2x64x128xf32, #tpu.memory_space<vmem>> -> memref<1x64x128xf32, #tpu.memory_space<vmem>>
      %dma_wait3A_140 = tpu.memref_squeeze %dma_wait3A_139 : memref<1x64x128xf32, #tpu.memory_space<vmem>> -> memref<64x128xf32, #tpu.memory_space<vmem>>
      %dma_wait3A_141 = arith.constant 0 : i32
      %dma_wait3A_142 = tpu.memref_slice %arg8[%dma_wait3A_135, %dma_wait3A_141] : memref<2x64xi32, #tpu.memory_space<vmem>> -> memref<1x64xi32, #tpu.memory_space<vmem>>
      %dma_wait3A_143 = tpu.memref_squeeze %dma_wait3A_142 : memref<1x64xi32, #tpu.memory_space<vmem>> -> memref<64xi32, #tpu.memory_space<vmem>>
      %dma_wait3A_144 = arith.constant 0 : i32
      %dma_wait3A_145 = arith.constant 0 : i32
      %dma_wait3A_146 = tpu.memref_slice %arg4[%dma_wait3A_144, %dma_wait3A_145] : memref<2000x128xf32, #tpu.memory_space<hbm>> -> memref<2000x128xf32, #tpu.memory_space<hbm>>
      tpu.wait_indirect_dma semaphore(%arg12 : memref<!tpu.dma_semaphore, #tpu.memory_space<semaphore_mem>>) src(%dma_wait3A_146 : memref<2000x128xf32, #tpu.memory_space<hbm>>) dst(%dma_wait3A_140 : memref<64x128xf32, #tpu.memory_space<vmem>>)
      %dma_wait3A_147 = arith.constant 1 : i32
      %dma_wait3A_148 = arith.constant 1 : i32
      %dma_wait3A_149 = arith.constant 0 : i32
      %dma_wait3A_150 = arith.constant 0 : i32
      %dma_wait3A_151 = tpu.memref_slice %arg9[%dma_wait3A_148, %dma_wait3A_149, %dma_wait3A_150] : memref<2x64x128xf32, #tpu.memory_space<vmem>> -> memref<1x64x128xf32, #tpu.memory_space<vmem>>
      %dma_wait3A_152 = tpu.memref_squeeze %dma_wait3A_151 : memref<1x64x128xf32, #tpu.memory_space<vmem>> -> memref<64x128xf32, #tpu.memory_space<vmem>>
      %dma_wait3A_153 = arith.constant 0 : i32
      %dma_wait3A_154 = tpu.memref_slice %arg8[%dma_wait3A_147, %dma_wait3A_153] : memref<2x64xi32, #tpu.memory_space<vmem>> -> memref<1x64xi32, #tpu.memory_space<vmem>>
      %dma_wait3A_155 = tpu.memref_squeeze %dma_wait3A_154 : memref<1x64xi32, #tpu.memory_space<vmem>> -> memref<64xi32, #tpu.memory_space<vmem>>
      %dma_wait3A_156 = arith.constant 0 : i32
      %dma_wait3A_157 = arith.constant 0 : i32
      %dma_wait3A_158 = tpu.memref_slice %arg4[%dma_wait3A_156, %dma_wait3A_157] : memref<2000x128xf32, #tpu.memory_space<hbm>> -> memref<2000x128xf32, #tpu.memory_space<hbm>>
      tpu.wait_indirect_dma semaphore(%arg12 : memref<!tpu.dma_semaphore, #tpu.memory_space<semaphore_mem>>) src(%dma_wait3A_158 : memref<2000x128xf32, #tpu.memory_space<hbm>>) dst(%dma_wait3A_152 : memref<64x128xf32, #tpu.memory_space<vmem>>)
      %dma_start3A_159 = arith.constant 0 : i32
      %dma_start3A_160 = arith.constant 0 : i32
      %dma_start3A_161 = arith.constant 0 : i32
      %dma_start3A_162 = tpu.memref_slice %arg9[%dma_start3A_159, %dma_start3A_160, %dma_start3A_161] : memref<2x64x128xf32, #tpu.memory_space<vmem>> -> memref<1x64x128xf32, #tpu.memory_space<vmem>>
      %dma_start3A_163 = tpu.memref_squeeze %dma_start3A_162 : memref<1x64x128xf32, #tpu.memory_space<vmem>> -> memref<64x128xf32, #tpu.memory_space<vmem>>
      %dma_start3A_164 = arith.constant 0 : i32
      %dma_start3A_165 = tpu.memref_slice %arg6[%add3A_49, %dma_start3A_164] : memref<51200x256xf32, #tpu.memory_space<hbm>> -> memref<64x128xf32, #tpu.memory_space<hbm>>
      %dma_start3A_166 = arith.constant 0 : i32
      %dma_start3A_167 = tpu.memref_slice %arg6[%add3A_49, %dma_start3A_166] : memref<51200x256xf32, #tpu.memory_space<hbm>> -> memref<64x128xf32, #tpu.memory_space<hbm>>
      %dma_start3A_168 = arith.constant 0 : i32
      %dma_start3A_169 = arith.constant 0 : i32
      %dma_start3A_170 = tpu.memref_slice %arg9[%dma_start3A_159, %dma_start3A_168, %dma_start3A_169] : memref<2x64x128xf32, #tpu.memory_space<vmem>> -> memref<1x64x128xf32, #tpu.memory_space<vmem>>
      %dma_start3A_171 = tpu.memref_squeeze %dma_start3A_170 : memref<1x64x128xf32, #tpu.memory_space<vmem>> -> memref<64x128xf32, #tpu.memory_space<vmem>>
      tpu.enqueue_dma source(%dma_start3A_171 : memref<64x128xf32, #tpu.memory_space<vmem>>) target(%dma_start3A_167 : memref<64x128xf32, #tpu.memory_space<hbm>>) target_semaphore(%arg12 : memref<!tpu.dma_semaphore, #tpu.memory_space<semaphore_mem>>)
      %dma_start3A_172 = arith.constant 1 : i32
      %dma_start3A_173 = arith.constant 0 : i32
      %dma_start3A_174 = arith.constant 0 : i32
      %dma_start3A_175 = tpu.memref_slice %arg9[%dma_start3A_172, %dma_start3A_173, %dma_start3A_174] : memref<2x64x128xf32, #tpu.memory_space<vmem>> -> memref<1x64x128xf32, #tpu.memory_space<vmem>>
      %dma_start3A_176 = tpu.memref_squeeze %dma_start3A_175 : memref<1x64x128xf32, #tpu.memory_space<vmem>> -> memref<64x128xf32, #tpu.memory_space<vmem>>
      %dma_start3A_177 = arith.constant 128 : i32
      %dma_start3A_178 = tpu.memref_slice %arg6[%add3A_49, %dma_start3A_177] : memref<51200x256xf32, #tpu.memory_space<hbm>> -> memref<64x128xf32, #tpu.memory_space<hbm>>
      %dma_start3A_179 = arith.constant 128 : i32
      %dma_start3A_180 = tpu.memref_slice %arg6[%add3A_49, %dma_start3A_179] : memref<51200x256xf32, #tpu.memory_space<hbm>> -> memref<64x128xf32, #tpu.memory_space<hbm>>
      %dma_start3A_181 = arith.constant 0 : i32
      %dma_start3A_182 = arith.constant 0 : i32
      %dma_start3A_183 = tpu.memref_slice %arg9[%dma_start3A_172, %dma_start3A_181, %dma_start3A_182] : memref<2x64x128xf32, #tpu.memory_space<vmem>> -> memref<1x64x128xf32, #tpu.memory_space<vmem>>
      %dma_start3A_184 = tpu.memref_squeeze %dma_start3A_183 : memref<1x64x128xf32, #tpu.memory_space<vmem>> -> memref<64x128xf32, #tpu.memory_space<vmem>>
      tpu.enqueue_dma source(%dma_start3A_184 : memref<64x128xf32, #tpu.memory_space<vmem>>) target(%dma_start3A_180 : memref<64x128xf32, #tpu.memory_space<hbm>>) target_semaphore(%arg12 : memref<!tpu.dma_semaphore, #tpu.memory_space<semaphore_mem>>)
      %dma_wait3A_185 = arith.constant 0 : i32
      %dma_wait3A_186 = arith.constant 0 : i32
      %dma_wait3A_187 = arith.constant 0 : i32
      %dma_wait3A_188 = tpu.memref_slice %arg9[%dma_wait3A_185, %dma_wait3A_186, %dma_wait3A_187] : memref<2x64x128xf32, #tpu.memory_space<vmem>> -> memref<1x64x128xf32, #tpu.memory_space<vmem>>
      %dma_wait3A_189 = tpu.memref_squeeze %dma_wait3A_188 : memref<1x64x128xf32, #tpu.memory_space<vmem>> -> memref<64x128xf32, #tpu.memory_space<vmem>>
      %dma_wait3A_190 = arith.constant 0 : i32
      %dma_wait3A_191 = tpu.memref_slice %arg6[%add3A_49, %dma_wait3A_190] : memref<51200x256xf32, #tpu.memory_space<hbm>> -> memref<64x128xf32, #tpu.memory_space<hbm>>
      %dma_wait3A_192 = arith.constant 0 : i32
      %dma_wait3A_193 = tpu.memref_slice %arg6[%add3A_49, %dma_wait3A_192] : memref<51200x256xf32, #tpu.memory_space<hbm>> -> memref<64x128xf32, #tpu.memory_space<hbm>>
      %dma_wait3A_194 = arith.constant 0 : i32
      %dma_wait3A_195 = arith.constant 0 : i32
      %dma_wait3A_196 = tpu.memref_slice %arg9[%dma_wait3A_185, %dma_wait3A_194, %dma_wait3A_195] : memref<2x64x128xf32, #tpu.memory_space<vmem>> -> memref<1x64x128xf32, #tpu.memory_space<vmem>>
      %dma_wait3A_197 = tpu.memref_squeeze %dma_wait3A_196 : memref<1x64x128xf32, #tpu.memory_space<vmem>> -> memref<64x128xf32, #tpu.memory_space<vmem>>
      tpu.wait_dma2 semaphore(%arg12 : memref<!tpu.dma_semaphore, #tpu.memory_space<semaphore_mem>>) src(%dma_wait3A_197 : memref<64x128xf32, #tpu.memory_space<vmem>>) dst(%dma_wait3A_193 : memref<64x128xf32, #tpu.memory_space<hbm>>)
      %dma_wait3A_198 = arith.constant 1 : i32
      %dma_wait3A_199 = arith.constant 0 : i32
      %dma_wait3A_200 = arith.constant 0 : i32
      %dma_wait3A_201 = tpu.memref_slice %arg9[%dma_wait3A_198, %dma_wait3A_199, %dma_wait3A_200] : memref<2x64x128xf32, #tpu.memory_space<vmem>> -> memref<1x64x128xf32, #tpu.memory_space<vmem>>
      %dma_wait3A_202 = tpu.memref_squeeze %dma_wait3A_201 : memref<1x64x128xf32, #tpu.memory_space<vmem>> -> memref<64x128xf32, #tpu.memory_space<vmem>>
      %dma_wait3A_203 = arith.constant 128 : i32
      %dma_wait3A_204 = tpu.memref_slice %arg6[%add3A_49, %dma_wait3A_203] : memref<51200x256xf32, #tpu.memory_space<hbm>> -> memref<64x128xf32, #tpu.memory_space<hbm>>
      %dma_wait3A_205 = arith.constant 128 : i32
      %dma_wait3A_206 = tpu.memref_slice %arg6[%add3A_49, %dma_wait3A_205] : memref<51200x256xf32, #tpu.memory_space<hbm>> -> memref<64x128xf32, #tpu.memory_space<hbm>>
      %dma_wait3A_207 = arith.constant 0 : i32
      %dma_wait3A_208 = arith.constant 0 : i32
      %dma_wait3A_209 = tpu.memref_slice %arg9[%dma_wait3A_198, %dma_wait3A_207, %dma_wait3A_208] : memref<2x64x128xf32, #tpu.memory_space<vmem>> -> memref<1x64x128xf32, #tpu.memory_space<vmem>>
      %dma_wait3A_210 = tpu.memref_squeeze %dma_wait3A_209 : memref<1x64x128xf32, #tpu.memory_space<vmem>> -> memref<64x128xf32, #tpu.memory_space<vmem>>
      tpu.wait_dma2 semaphore(%arg12 : memref<!tpu.dma_semaphore, #tpu.memory_space<semaphore_mem>>) src(%dma_wait3A_210 : memref<64x128xf32, #tpu.memory_space<vmem>>) dst(%dma_wait3A_206 : memref<64x128xf32, #tpu.memory_space<hbm>>)
    }
    %scan3A_43 = arith.constant 25 : i32
    return
  }
}

module attributes {stable_mosaic.version = 14 : i64} {
  func.func @_tgt_body(%arg0: i32, %arg1: memref<1600x1xf32, #tpu.memory_space<vmem>>, %arg2: memref<1x128xf32, #tpu.memory_space<vmem>>, %arg3: memref<1x128xf32, #tpu.memory_space<vmem>>, %arg4: memref<32x50x1x128xf32, #tpu.memory_space<vmem>>) attributes {dimension_semantics = [#tpu.dimension_semantics<arbitrary>], iteration_bounds = array<i64: 32>, scalar_prefetch = 0 : i64, scratch_operands = 0 : i64, tpu.core_type = #tpu.core_type<tc>, window_params = [{transform_indices = @transform_0, window_bounds = array<i64: 1600, 1>}, {pipeline_mode = #tpu.pipeline_mode<synchronous>, transform_indices = @transform_1, window_bounds = array<i64: 1, 128>}, {pipeline_mode = #tpu.pipeline_mode<synchronous>, transform_indices = @transform_2, window_bounds = array<i64: 1, 128>}, {transform_indices = @transform_3, window_bounds = array<i64: 32, 50, 1, 128>}]} {
    %get3A = arith.constant 0 : index
    %get3A_0 = arith.constant 0 : index
    %get3A_1 = vector.load %arg1[%get3A, %get3A_0] : memref<1600x1xf32, #tpu.memory_space<vmem>>, vector<1600x1xf32>
    %get3A_2 = arith.constant 0 : index
    %get3A_3 = arith.constant 0 : index
    %get3A_4 = vector.load %arg2[%get3A_2, %get3A_3] : memref<1x128xf32, #tpu.memory_space<vmem>>, vector<1x128xf32>
    %squeeze3A = vector.shape_cast %get3A_4 : vector<1x128xf32> to vector<128xf32>
    %broadcast_in_dim3A = vector.shape_cast %squeeze3A : vector<128xf32> to vector<1x128xf32>
    %mul3A = vector.broadcast %get3A_1 : vector<1600x1xf32> to vector<1600x128xf32>
    %mul3A_5 = vector.broadcast %broadcast_in_dim3A : vector<1x128xf32> to vector<1600x128xf32>
    %mul3A_6 = arith.mulf %mul3A, %mul3A_5 : vector<1600x128xf32>
    %get3A_7 = arith.constant 0 : index
    %get3A_8 = arith.constant 0 : index
    %get3A_9 = vector.load %arg3[%get3A_7, %get3A_8] : memref<1x128xf32, #tpu.memory_space<vmem>>, vector<1x128xf32>
    %squeeze3A_10 = vector.shape_cast %get3A_9 : vector<1x128xf32> to vector<128xf32>
    %broadcast_in_dim3A_11 = vector.shape_cast %squeeze3A_10 : vector<128xf32> to vector<1x128xf32>
    %add3A = vector.broadcast %broadcast_in_dim3A_11 : vector<1x128xf32> to vector<1600x128xf32>
    %add3A_12 = arith.addf %mul3A_6, %add3A : vector<1600x128xf32>
    %reshape3A = vector.shape_cast %add3A_12 : vector<1600x128xf32> to vector<32x50x128xf32>
    %swap3A = arith.constant 0 : index
    %swap3A_13 = arith.constant 0 : index
    %swap3A_14 = arith.constant 0 : index
    %swap3A_15 = arith.constant 0 : index
    %swap3A_16 = vector.load %arg4[%swap3A, %swap3A_13, %swap3A_14, %swap3A_15] : memref<32x50x1x128xf32, #tpu.memory_space<vmem>>, vector<32x50x1x128xf32>
    %swap3A_17 = vector.shape_cast %swap3A_16 : vector<32x50x1x128xf32> to vector<32x50x128xf32>
    %swap3A_18 = vector.shape_cast %reshape3A : vector<32x50x128xf32> to vector<32x50x1x128xf32>
    tpu.vector_store %arg4[%swap3A, %swap3A_13, %swap3A_14, %swap3A_15], %swap3A_18 {strides = array<i32>} : memref<32x50x1x128xf32, #tpu.memory_space<vmem>>, vector<32x50x1x128xf32>,
    return
  }
  func.func @transform_0(%arg0: i32) -> (i32, i32) {
    %c0_i32 = arith.constant 0 : i32
    %c0_i32_0 = arith.constant 0 : i32
    return %arg0, %c0_i32 : i32, i32
  }
  func.func @transform_1(%arg0: i32) -> (i32, i32) {
    %c0_i32 = arith.constant 0 : i32
    %c0_i32_0 = arith.constant 0 : i32
    %c0_i32_1 = arith.constant 0 : i32
    return %c0_i32, %c0_i32_0 : i32, i32
  }
  func.func @transform_2(%arg0: i32) -> (i32, i32) {
    %c0_i32 = arith.constant 0 : i32
    %c0_i32_0 = arith.constant 0 : i32
    %c0_i32_1 = arith.constant 0 : i32
    return %c0_i32, %c0_i32_0 : i32, i32
  }
  func.func @transform_3(%arg0: i32) -> (i32, i32, i32, i32) {
    %c0_i32 = arith.constant 0 : i32
    %c0_i32_0 = arith.constant 0 : i32
    %c0_i32_1 = arith.constant 0 : i32
    %c0_i32_2 = arith.constant 0 : i32
    return %arg0, %c0_i32, %c0_i32_0, %c0_i32_1 : i32, i32, i32, i32
  }
}

module attributes {stable_mosaic.version = 14 : i64} {
  func.func @_static_cont_body(%arg0: i32, %arg1: memref<1024x4xf32, #tpu.memory_space<vmem>>, %arg2: memref<4x128xf32, #tpu.memory_space<vmem>>, %arg3: memref<4x128xf32, #tpu.memory_space<vmem>>, %arg4: memref<8x128xf32, #tpu.memory_space<vmem>>, %arg5: memref<1024x128xf32, #tpu.memory_space<vmem>>) attributes {dimension_semantics = [#tpu.dimension_semantics<arbitrary>], iteration_bounds = array<i64: 4>, scalar_prefetch = 0 : i64, scratch_operands = 0 : i64, tpu.core_type = #tpu.core_type<tc>, window_params = [{pipeline_mode = #tpu.pipeline_mode<synchronous>, transform_indices = @transform_0, window_bounds = array<i64: 1024, 4>}, {pipeline_mode = #tpu.pipeline_mode<synchronous>, transform_indices = @transform_1, window_bounds = array<i64: 4, 128>}, {pipeline_mode = #tpu.pipeline_mode<synchronous>, transform_indices = @transform_2, window_bounds = array<i64: 4, 128>}, {transform_indices = @transform_3, window_bounds = array<i64: 8, 128>}, {transform_indices = @transform_4, window_bounds = array<i64: 1024, 128>}]} {
    %get3A = arith.constant 0 : index
    %get3A_0 = arith.constant 0 : index
    %get3A_1 = vector.load %arg1[%get3A, %get3A_0] : memref<1024x4xf32, #tpu.memory_space<vmem>>, vector<1024x4xf32>
    %get3A_2 = arith.constant 0 : index
    %get3A_3 = arith.constant 0 : index
    %get3A_4 = vector.load %arg2[%get3A_2, %get3A_3] : memref<4x128xf32, #tpu.memory_space<vmem>>, vector<4x128xf32>
    %get3A_5 = arith.constant 0 : index
    %get3A_6 = arith.constant 0 : index
    %get3A_7 = vector.load %arg3[%get3A_5, %get3A_6] : memref<4x128xf32, #tpu.memory_space<vmem>>, vector<4x128xf32>
    %eq3A = arith.constant 0 : i32
    %eq3A_8 = arith.cmpi eq, %arg0, %eq3A : i32
    %convert_element_type3A = arith.extui %eq3A_8 : i1 to i32
    %cond3A = arith.constant 0 : i32
    %cond3A_9 = arith.cmpi ne, %convert_element_type3A, %cond3A : i32
    scf.if %cond3A_9 {
      %slice3A = vector.extract_strided_slice %get3A_1 {offsets = [0, 0], sizes = [1024, 1], strides = [1, 1]} : vector<1024x4xf32> to vector<1024x1xf32>
      %slice3A_25 = vector.extract_strided_slice %get3A_4 {offsets = [0, 0], sizes = [1, 128], strides = [1, 1]} : vector<4x128xf32> to vector<1x128xf32>
      %dot_general3A = arith.constant dense<0.000000e+00> : vector<1024x128xf32>
      %dot_general3A_26 = tpu.matmul %slice3A, %slice3A_25, %dot_general3A {dimension_numbers = #tpu.dot_dimension_numbers<[1], [0], [0], [1], [0, 0, 1, 1], [], []>, transpose_lhs_hint = false} : vector<1024x1xf32>, vector<1x128xf32>, vector<1024x128xf32> -> vector<1024x128xf32>
      %slice3A_27 = vector.extract_strided_slice %get3A_7 {offsets = [0, 0], sizes = [1, 128], strides = [1, 1]} : vector<4x128xf32> to vector<1x128xf32>
      %add3A = vector.broadcast %slice3A_27 : vector<1x128xf32> to vector<1024x128xf32>
      %add3A_28 = arith.addf %dot_general3A_26, %add3A : vector<1024x128xf32>
      %swap3A = arith.constant 0 : index
      %swap3A_29 = arith.constant 0 : index
      %swap3A_30 = vector.load %arg5[%swap3A, %swap3A_29] : memref<1024x128xf32, #tpu.memory_space<vmem>>, vector<1024x128xf32>
      tpu.vector_store %arg5[%swap3A, %swap3A_29], %add3A_28 {strides = array<i32>} : memref<1024x128xf32, #tpu.memory_space<vmem>>, vector<1024x128xf32>,
    } else {
    }
    %eq3A_10 = arith.constant 1 : i32
    %eq3A_11 = arith.cmpi eq, %arg0, %eq3A_10 : i32
    %convert_element_type3A_12 = arith.extui %eq3A_11 : i1 to i32
    %cond3A_13 = arith.constant 0 : i32
    %cond3A_14 = arith.cmpi ne, %convert_element_type3A_12, %cond3A_13 : i32
    scf.if %cond3A_14 {
      %slice3A = vector.extract_strided_slice %get3A_1 {offsets = [0, 1], sizes = [1024, 1], strides = [1, 1]} : vector<1024x4xf32> to vector<1024x1xf32>
      %slice3A_25 = vector.extract_strided_slice %get3A_4 {offsets = [1, 0], sizes = [1, 128], strides = [1, 1]} : vector<4x128xf32> to vector<1x128xf32>
      %dot_general3A = arith.constant dense<0.000000e+00> : vector<1024x128xf32>
      %dot_general3A_26 = tpu.matmul %slice3A, %slice3A_25, %dot_general3A {dimension_numbers = #tpu.dot_dimension_numbers<[1], [0], [0], [1], [0, 0, 1, 1], [], []>, transpose_lhs_hint = false} : vector<1024x1xf32>, vector<1x128xf32>, vector<1024x128xf32> -> vector<1024x128xf32>
      %slice3A_27 = vector.extract_strided_slice %get3A_7 {offsets = [1, 0], sizes = [1, 128], strides = [1, 1]} : vector<4x128xf32> to vector<1x128xf32>
      %add3A = vector.broadcast %slice3A_27 : vector<1x128xf32> to vector<1024x128xf32>
      %add3A_28 = arith.addf %dot_general3A_26, %add3A : vector<1024x128xf32>
      %swap3A = arith.constant 0 : index
      %swap3A_29 = arith.constant 0 : index
      %swap3A_30 = vector.load %arg5[%swap3A, %swap3A_29] : memref<1024x128xf32, #tpu.memory_space<vmem>>, vector<1024x128xf32>
      tpu.vector_store %arg5[%swap3A, %swap3A_29], %add3A_28 {strides = array<i32>} : memref<1024x128xf32, #tpu.memory_space<vmem>>, vector<1024x128xf32>,
    } else {
    }
    %eq3A_15 = arith.constant 2 : i32
    %eq3A_16 = arith.cmpi eq, %arg0, %eq3A_15 : i32
    %convert_element_type3A_17 = arith.extui %eq3A_16 : i1 to i32
    %cond3A_18 = arith.constant 0 : i32
    %cond3A_19 = arith.cmpi ne, %convert_element_type3A_17, %cond3A_18 : i32
    scf.if %cond3A_19 {
      %slice3A = vector.extract_strided_slice %get3A_1 {offsets = [0, 2], sizes = [1024, 1], strides = [1, 1]} : vector<1024x4xf32> to vector<1024x1xf32>
      %slice3A_25 = vector.extract_strided_slice %get3A_4 {offsets = [2, 0], sizes = [1, 128], strides = [1, 1]} : vector<4x128xf32> to vector<1x128xf32>
      %dot_general3A = arith.constant dense<0.000000e+00> : vector<1024x128xf32>
      %dot_general3A_26 = tpu.matmul %slice3A, %slice3A_25, %dot_general3A {dimension_numbers = #tpu.dot_dimension_numbers<[1], [0], [0], [1], [0, 0, 1, 1], [], []>, transpose_lhs_hint = false} : vector<1024x1xf32>, vector<1x128xf32>, vector<1024x128xf32> -> vector<1024x128xf32>
      %slice3A_27 = vector.extract_strided_slice %get3A_7 {offsets = [2, 0], sizes = [1, 128], strides = [1, 1]} : vector<4x128xf32> to vector<1x128xf32>
      %add3A = vector.broadcast %slice3A_27 : vector<1x128xf32> to vector<1024x128xf32>
      %add3A_28 = arith.addf %dot_general3A_26, %add3A : vector<1024x128xf32>
      %swap3A = arith.constant 0 : index
      %swap3A_29 = arith.constant 0 : index
      %swap3A_30 = vector.load %arg5[%swap3A, %swap3A_29] : memref<1024x128xf32, #tpu.memory_space<vmem>>, vector<1024x128xf32>
      tpu.vector_store %arg5[%swap3A, %swap3A_29], %add3A_28 {strides = array<i32>} : memref<1024x128xf32, #tpu.memory_space<vmem>>, vector<1024x128xf32>,
    } else {
    }
    %eq3A_20 = arith.constant 3 : i32
    %eq3A_21 = arith.cmpi eq, %arg0, %eq3A_20 : i32
    %convert_element_type3A_22 = arith.extui %eq3A_21 : i1 to i32
    %cond3A_23 = arith.constant 0 : i32
    %cond3A_24 = arith.cmpi ne, %convert_element_type3A_22, %cond3A_23 : i32
    scf.if %cond3A_24 {
      %slice3A = vector.extract_strided_slice %get3A_1 {offsets = [0, 3], sizes = [1024, 1], strides = [1, 1]} : vector<1024x4xf32> to vector<1024x1xf32>
      %slice3A_25 = vector.extract_strided_slice %get3A_4 {offsets = [3, 0], sizes = [1, 128], strides = [1, 1]} : vector<4x128xf32> to vector<1x128xf32>
      %dot_general3A = arith.constant dense<0.000000e+00> : vector<1024x128xf32>
      %dot_general3A_26 = tpu.matmul %slice3A, %slice3A_25, %dot_general3A {dimension_numbers = #tpu.dot_dimension_numbers<[1], [0], [0], [1], [0, 0, 1, 1], [], []>, transpose_lhs_hint = false} : vector<1024x1xf32>, vector<1x128xf32>, vector<1024x128xf32> -> vector<1024x128xf32>
      %slice3A_27 = vector.extract_strided_slice %get3A_7 {offsets = [3, 0], sizes = [1, 128], strides = [1, 1]} : vector<4x128xf32> to vector<1x128xf32>
      %add3A = vector.broadcast %slice3A_27 : vector<1x128xf32> to vector<1024x128xf32>
      %add3A_28 = arith.addf %dot_general3A_26, %add3A : vector<1024x128xf32>
      %swap3A = arith.constant 0 : index
      %swap3A_29 = arith.constant 0 : index
      %swap3A_30 = vector.load %arg5[%swap3A, %swap3A_29] : memref<1024x128xf32, #tpu.memory_space<vmem>>, vector<1024x128xf32>
      tpu.vector_store %arg5[%swap3A, %swap3A_29], %add3A_28 {strides = array<i32>} : memref<1024x128xf32, #tpu.memory_space<vmem>>, vector<1024x128xf32>,
    } else {
    }
    return
  }
  func.func @transform_0(%arg0: i32) -> (i32, i32) {
    %c0_i32 = arith.constant 0 : i32
    %c0_i32_0 = arith.constant 0 : i32
    %c0_i32_1 = arith.constant 0 : i32
    return %c0_i32, %c0_i32_0 : i32, i32
  }
  func.func @transform_1(%arg0: i32) -> (i32, i32) {
    %c0_i32 = arith.constant 0 : i32
    %c0_i32_0 = arith.constant 0 : i32
    %c0_i32_1 = arith.constant 0 : i32
    return %c0_i32, %c0_i32_0 : i32, i32
  }
  func.func @transform_2(%arg0: i32) -> (i32, i32) {
    %c0_i32 = arith.constant 0 : i32
    %c0_i32_0 = arith.constant 0 : i32
    %c0_i32_1 = arith.constant 0 : i32
    return %c0_i32, %c0_i32_0 : i32, i32
  }
  func.func @transform_3(%arg0: i32) -> (i32, i32) {
    %c0_i32 = arith.constant 0 : i32
    %c0_i32_0 = arith.constant 0 : i32
    %c0_i32_1 = arith.constant 0 : i32
    return %c0_i32, %c0_i32_0 : i32, i32
  }
  func.func @transform_4(%arg0: i32) -> (i32, i32) {
    %add3A = arith.constant 2 : i32
    %add3A_0 = arith.addi %arg0, %add3A : i32
    %c0_i32 = arith.constant 0 : i32
    %c0_i32_1 = arith.constant 0 : i32
    return %add3A_0, %c0_i32 : i32, i32
  }
}

module attributes {stable_mosaic.version = 14 : i64} {
  func.func @_obs_asm_body(%arg0: i32, %arg1: memref<800x256xf32, #tpu.memory_space<vmem>>, %arg2: memref<800x6xf32, #tpu.memory_space<vmem>>, %arg3: memref<6x128xf32, #tpu.memory_space<vmem>>, %arg4: memref<6x128xf32, #tpu.memory_space<vmem>>, %arg5: memref<16x50x8x128xf32, #tpu.memory_space<vmem>>) attributes {dimension_semantics = [#tpu.dimension_semantics<arbitrary>], iteration_bounds = array<i64: 64>, scalar_prefetch = 0 : i64, scratch_operands = 0 : i64, tpu.core_type = #tpu.core_type<tc>, window_params = [{transform_indices = @transform_0, window_bounds = array<i64: 800, 256>}, {transform_indices = @transform_1, window_bounds = array<i64: 800, 6>}, {pipeline_mode = #tpu.pipeline_mode<synchronous>, transform_indices = @transform_2, window_bounds = array<i64: 6, 128>}, {pipeline_mode = #tpu.pipeline_mode<synchronous>, transform_indices = @transform_3, window_bounds = array<i64: 6, 128>}, {transform_indices = @transform_4, window_bounds = array<i64: 16, 50, 8, 128>}]} {
    %get3A = arith.constant 0 : index
    %get3A_0 = arith.constant 0 : index
    %get3A_1 = vector.load %arg2[%get3A, %get3A_0] : memref<800x6xf32, #tpu.memory_space<vmem>>, vector<800x6xf32>
    %get3A_2 = arith.constant 0 : index
    %get3A_3 = arith.constant 0 : index
    %get3A_4 = vector.load %arg3[%get3A_2, %get3A_3] : memref<6x128xf32, #tpu.memory_space<vmem>>, vector<6x128xf32>
    %get3A_5 = arith.constant 0 : index
    %get3A_6 = arith.constant 0 : index
    %get3A_7 = vector.load %arg4[%get3A_5, %get3A_6] : memref<6x128xf32, #tpu.memory_space<vmem>>, vector<6x128xf32>
    %get3A_8 = arith.constant 0 : index
    %get3A_9 = arith.constant 0 : index
    %get3A_10 = vector.load %arg1[%get3A_8, %get3A_9] : memref<800x256xf32, #tpu.memory_space<vmem>>, vector<800x128xf32>
    %reshape3A = vector.shape_cast %get3A_10 : vector<800x128xf32> to vector<16x50x128xf32>
    %swap3A = arith.constant 0 : index
    %swap3A_11 = arith.constant 0 : index
    %swap3A_12 = arith.constant 0 : index
    %swap3A_13 = arith.constant 0 : index
    %swap3A_14 = vector.load %arg5[%swap3A, %swap3A_11, %swap3A_12, %swap3A_13] : memref<16x50x8x128xf32, #tpu.memory_space<vmem>>, vector<16x50x1x128xf32>
    %swap3A_15 = vector.shape_cast %swap3A_14 : vector<16x50x1x128xf32> to vector<16x50x128xf32>
    %swap3A_16 = vector.shape_cast %reshape3A : vector<16x50x128xf32> to vector<16x50x1x128xf32>
    tpu.vector_store %arg5[%swap3A, %swap3A_11, %swap3A_12, %swap3A_13], %swap3A_16 {strides = array<i32>} : memref<16x50x8x128xf32, #tpu.memory_space<vmem>>, vector<16x50x1x128xf32>,
    %get3A_17 = arith.constant 0 : index
    %get3A_18 = arith.constant 128 : index
    %get3A_19 = vector.load %arg1[%get3A_17, %get3A_18] : memref<800x256xf32, #tpu.memory_space<vmem>>, vector<800x128xf32>
    %reshape3A_20 = vector.shape_cast %get3A_19 : vector<800x128xf32> to vector<16x50x128xf32>
    %swap3A_21 = arith.constant 0 : index
    %swap3A_22 = arith.constant 0 : index
    %swap3A_23 = arith.constant 1 : index
    %swap3A_24 = arith.constant 0 : index
    %swap3A_25 = vector.load %arg5[%swap3A_21, %swap3A_22, %swap3A_23, %swap3A_24] : memref<16x50x8x128xf32, #tpu.memory_space<vmem>>, vector<16x50x1x128xf32>
    %swap3A_26 = vector.shape_cast %swap3A_25 : vector<16x50x1x128xf32> to vector<16x50x128xf32>
    %swap3A_27 = vector.shape_cast %reshape3A_20 : vector<16x50x128xf32> to vector<16x50x1x128xf32>
    tpu.vector_store %arg5[%swap3A_21, %swap3A_22, %swap3A_23, %swap3A_24], %swap3A_27 {strides = array<i32>} : memref<16x50x8x128xf32, #tpu.memory_space<vmem>>, vector<16x50x1x128xf32>,
    %slice3A = vector.extract_strided_slice %get3A_1 {offsets = [0, 0], sizes = [800, 1], strides = [1, 1]} : vector<800x6xf32> to vector<800x1xf32>
    %slice3A_28 = vector.extract_strided_slice %get3A_4 {offsets = [0, 0], sizes = [1, 128], strides = [1, 1]} : vector<6x128xf32> to vector<1x128xf32>
    %squeeze3A = vector.shape_cast %slice3A_28 : vector<1x128xf32> to vector<128xf32>
    %broadcast_in_dim3A = vector.shape_cast %squeeze3A : vector<128xf32> to vector<1x128xf32>
    %mul3A = vector.broadcast %slice3A : vector<800x1xf32> to vector<800x128xf32>
    %mul3A_29 = vector.broadcast %broadcast_in_dim3A : vector<1x128xf32> to vector<800x128xf32>
    %mul3A_30 = arith.mulf %mul3A, %mul3A_29 : vector<800x128xf32>
    %slice3A_31 = vector.extract_strided_slice %get3A_7 {offsets = [0, 0], sizes = [1, 128], strides = [1, 1]} : vector<6x128xf32> to vector<1x128xf32>
    %squeeze3A_32 = vector.shape_cast %slice3A_31 : vector<1x128xf32> to vector<128xf32>
    %broadcast_in_dim3A_33 = vector.shape_cast %squeeze3A_32 : vector<128xf32> to vector<1x128xf32>
    %add3A = vector.broadcast %broadcast_in_dim3A_33 : vector<1x128xf32> to vector<800x128xf32>
    %add3A_34 = arith.addf %mul3A_30, %add3A : vector<800x128xf32>
    %reshape3A_35 = vector.shape_cast %add3A_34 : vector<800x128xf32> to vector<16x50x128xf32>
    %swap3A_36 = arith.constant 0 : index
    %swap3A_37 = arith.constant 0 : index
    %swap3A_38 = arith.constant 2 : index
    %swap3A_39 = arith.constant 0 : index
    %swap3A_40 = vector.load %arg5[%swap3A_36, %swap3A_37, %swap3A_38, %swap3A_39] : memref<16x50x8x128xf32, #tpu.memory_space<vmem>>, vector<16x50x1x128xf32>
    %swap3A_41 = vector.shape_cast %swap3A_40 : vector<16x50x1x128xf32> to vector<16x50x128xf32>
    %swap3A_42 = vector.shape_cast %reshape3A_35 : vector<16x50x128xf32> to vector<16x50x1x128xf32>
    tpu.vector_store %arg5[%swap3A_36, %swap3A_37, %swap3A_38, %swap3A_39], %swap3A_42 {strides = array<i32>} : memref<16x50x8x128xf32, #tpu.memory_space<vmem>>, vector<16x50x1x128xf32>,
    %slice3A_43 = vector.extract_strided_slice %get3A_1 {offsets = [0, 1], sizes = [800, 1], strides = [1, 1]} : vector<800x6xf32> to vector<800x1xf32>
    %slice3A_44 = vector.extract_strided_slice %get3A_4 {offsets = [1, 0], sizes = [1, 128], strides = [1, 1]} : vector<6x128xf32> to vector<1x128xf32>
    %squeeze3A_45 = vector.shape_cast %slice3A_44 : vector<1x128xf32> to vector<128xf32>
    %broadcast_in_dim3A_46 = vector.shape_cast %squeeze3A_45 : vector<128xf32> to vector<1x128xf32>
    %mul3A_47 = vector.broadcast %slice3A_43 : vector<800x1xf32> to vector<800x128xf32>
    %mul3A_48 = vector.broadcast %broadcast_in_dim3A_46 : vector<1x128xf32> to vector<800x128xf32>
    %mul3A_49 = arith.mulf %mul3A_47, %mul3A_48 : vector<800x128xf32>
    %slice3A_50 = vector.extract_strided_slice %get3A_7 {offsets = [1, 0], sizes = [1, 128], strides = [1, 1]} : vector<6x128xf32> to vector<1x128xf32>
    %squeeze3A_51 = vector.shape_cast %slice3A_50 : vector<1x128xf32> to vector<128xf32>
    %broadcast_in_dim3A_52 = vector.shape_cast %squeeze3A_51 : vector<128xf32> to vector<1x128xf32>
    %add3A_53 = vector.broadcast %broadcast_in_dim3A_52 : vector<1x128xf32> to vector<800x128xf32>
    %add3A_54 = arith.addf %mul3A_49, %add3A_53 : vector<800x128xf32>
    %reshape3A_55 = vector.shape_cast %add3A_54 : vector<800x128xf32> to vector<16x50x128xf32>
    %swap3A_56 = arith.constant 0 : index
    %swap3A_57 = arith.constant 0 : index
    %swap3A_58 = arith.constant 3 : index
    %swap3A_59 = arith.constant 0 : index
    %swap3A_60 = vector.load %arg5[%swap3A_56, %swap3A_57, %swap3A_58, %swap3A_59] : memref<16x50x8x128xf32, #tpu.memory_space<vmem>>, vector<16x50x1x128xf32>
    %swap3A_61 = vector.shape_cast %swap3A_60 : vector<16x50x1x128xf32> to vector<16x50x128xf32>
    %swap3A_62 = vector.shape_cast %reshape3A_55 : vector<16x50x128xf32> to vector<16x50x1x128xf32>
    tpu.vector_store %arg5[%swap3A_56, %swap3A_57, %swap3A_58, %swap3A_59], %swap3A_62 {strides = array<i32>} : memref<16x50x8x128xf32, #tpu.memory_space<vmem>>, vector<16x50x1x128xf32>,
    %slice3A_63 = vector.extract_strided_slice %get3A_1 {offsets = [0, 2], sizes = [800, 1], strides = [1, 1]} : vector<800x6xf32> to vector<800x1xf32>
    %slice3A_64 = vector.extract_strided_slice %get3A_4 {offsets = [2, 0], sizes = [1, 128], strides = [1, 1]} : vector<6x128xf32> to vector<1x128xf32>
    %squeeze3A_65 = vector.shape_cast %slice3A_64 : vector<1x128xf32> to vector<128xf32>
    %broadcast_in_dim3A_66 = vector.shape_cast %squeeze3A_65 : vector<128xf32> to vector<1x128xf32>
    %mul3A_67 = vector.broadcast %slice3A_63 : vector<800x1xf32> to vector<800x128xf32>
    %mul3A_68 = vector.broadcast %broadcast_in_dim3A_66 : vector<1x128xf32> to vector<800x128xf32>
    %mul3A_69 = arith.mulf %mul3A_67, %mul3A_68 : vector<800x128xf32>
    %slice3A_70 = vector.extract_strided_slice %get3A_7 {offsets = [2, 0], sizes = [1, 128], strides = [1, 1]} : vector<6x128xf32> to vector<1x128xf32>
    %squeeze3A_71 = vector.shape_cast %slice3A_70 : vector<1x128xf32> to vector<128xf32>
    %broadcast_in_dim3A_72 = vector.shape_cast %squeeze3A_71 : vector<128xf32> to vector<1x128xf32>
    %add3A_73 = vector.broadcast %broadcast_in_dim3A_72 : vector<1x128xf32> to vector<800x128xf32>
    %add3A_74 = arith.addf %mul3A_69, %add3A_73 : vector<800x128xf32>
    %reshape3A_75 = vector.shape_cast %add3A_74 : vector<800x128xf32> to vector<16x50x128xf32>
    %swap3A_76 = arith.constant 0 : index
    %swap3A_77 = arith.constant 0 : index
    %swap3A_78 = arith.constant 4 : index
    %swap3A_79 = arith.constant 0 : index
    %swap3A_80 = vector.load %arg5[%swap3A_76, %swap3A_77, %swap3A_78, %swap3A_79] : memref<16x50x8x128xf32, #tpu.memory_space<vmem>>, vector<16x50x1x128xf32>
    %swap3A_81 = vector.shape_cast %swap3A_80 : vector<16x50x1x128xf32> to vector<16x50x128xf32>
    %swap3A_82 = vector.shape_cast %reshape3A_75 : vector<16x50x128xf32> to vector<16x50x1x128xf32>
    tpu.vector_store %arg5[%swap3A_76, %swap3A_77, %swap3A_78, %swap3A_79], %swap3A_82 {strides = array<i32>} : memref<16x50x8x128xf32, #tpu.memory_space<vmem>>, vector<16x50x1x128xf32>,
    %slice3A_83 = vector.extract_strided_slice %get3A_1 {offsets = [0, 3], sizes = [800, 1], strides = [1, 1]} : vector<800x6xf32> to vector<800x1xf32>
    %slice3A_84 = vector.extract_strided_slice %get3A_4 {offsets = [3, 0], sizes = [1, 128], strides = [1, 1]} : vector<6x128xf32> to vector<1x128xf32>
    %squeeze3A_85 = vector.shape_cast %slice3A_84 : vector<1x128xf32> to vector<128xf32>
    %broadcast_in_dim3A_86 = vector.shape_cast %squeeze3A_85 : vector<128xf32> to vector<1x128xf32>
    %mul3A_87 = vector.broadcast %slice3A_83 : vector<800x1xf32> to vector<800x128xf32>
    %mul3A_88 = vector.broadcast %broadcast_in_dim3A_86 : vector<1x128xf32> to vector<800x128xf32>
    %mul3A_89 = arith.mulf %mul3A_87, %mul3A_88 : vector<800x128xf32>
    %slice3A_90 = vector.extract_strided_slice %get3A_7 {offsets = [3, 0], sizes = [1, 128], strides = [1, 1]} : vector<6x128xf32> to vector<1x128xf32>
    %squeeze3A_91 = vector.shape_cast %slice3A_90 : vector<1x128xf32> to vector<128xf32>
    %broadcast_in_dim3A_92 = vector.shape_cast %squeeze3A_91 : vector<128xf32> to vector<1x128xf32>
    %add3A_93 = vector.broadcast %broadcast_in_dim3A_92 : vector<1x128xf32> to vector<800x128xf32>
    %add3A_94 = arith.addf %mul3A_89, %add3A_93 : vector<800x128xf32>
    %reshape3A_95 = vector.shape_cast %add3A_94 : vector<800x128xf32> to vector<16x50x128xf32>
    %swap3A_96 = arith.constant 0 : index
    %swap3A_97 = arith.constant 0 : index
    %swap3A_98 = arith.constant 5 : index
    %swap3A_99 = arith.constant 0 : index
    %swap3A_100 = vector.load %arg5[%swap3A_96, %swap3A_97, %swap3A_98, %swap3A_99] : memref<16x50x8x128xf32, #tpu.memory_space<vmem>>, vector<16x50x1x128xf32>
    %swap3A_101 = vector.shape_cast %swap3A_100 : vector<16x50x1x128xf32> to vector<16x50x128xf32>
    %swap3A_102 = vector.shape_cast %reshape3A_95 : vector<16x50x128xf32> to vector<16x50x1x128xf32>
    tpu.vector_store %arg5[%swap3A_96, %swap3A_97, %swap3A_98, %swap3A_99], %swap3A_102 {strides = array<i32>} : memref<16x50x8x128xf32, #tpu.memory_space<vmem>>, vector<16x50x1x128xf32>,
    %slice3A_103 = vector.extract_strided_slice %get3A_1 {offsets = [0, 4], sizes = [800, 1], strides = [1, 1]} : vector<800x6xf32> to vector<800x1xf32>
    %slice3A_104 = vector.extract_strided_slice %get3A_4 {offsets = [4, 0], sizes = [1, 128], strides = [1, 1]} : vector<6x128xf32> to vector<1x128xf32>
    %squeeze3A_105 = vector.shape_cast %slice3A_104 : vector<1x128xf32> to vector<128xf32>
    %broadcast_in_dim3A_106 = vector.shape_cast %squeeze3A_105 : vector<128xf32> to vector<1x128xf32>
    %mul3A_107 = vector.broadcast %slice3A_103 : vector<800x1xf32> to vector<800x128xf32>
    %mul3A_108 = vector.broadcast %broadcast_in_dim3A_106 : vector<1x128xf32> to vector<800x128xf32>
    %mul3A_109 = arith.mulf %mul3A_107, %mul3A_108 : vector<800x128xf32>
    %slice3A_110 = vector.extract_strided_slice %get3A_7 {offsets = [4, 0], sizes = [1, 128], strides = [1, 1]} : vector<6x128xf32> to vector<1x128xf32>
    %squeeze3A_111 = vector.shape_cast %slice3A_110 : vector<1x128xf32> to vector<128xf32>
    %broadcast_in_dim3A_112 = vector.shape_cast %squeeze3A_111 : vector<128xf32> to vector<1x128xf32>
    %add3A_113 = vector.broadcast %broadcast_in_dim3A_112 : vector<1x128xf32> to vector<800x128xf32>
    %add3A_114 = arith.addf %mul3A_109, %add3A_113 : vector<800x128xf32>
    %reshape3A_115 = vector.shape_cast %add3A_114 : vector<800x128xf32> to vector<16x50x128xf32>
    %swap3A_116 = arith.constant 0 : index
    %swap3A_117 = arith.constant 0 : index
    %swap3A_118 = arith.constant 6 : index
    %swap3A_119 = arith.constant 0 : index
    %swap3A_120 = vector.load %arg5[%swap3A_116, %swap3A_117, %swap3A_118, %swap3A_119] : memref<16x50x8x128xf32, #tpu.memory_space<vmem>>, vector<16x50x1x128xf32>
    %swap3A_121 = vector.shape_cast %swap3A_120 : vector<16x50x1x128xf32> to vector<16x50x128xf32>
    %swap3A_122 = vector.shape_cast %reshape3A_115 : vector<16x50x128xf32> to vector<16x50x1x128xf32>
    tpu.vector_store %arg5[%swap3A_116, %swap3A_117, %swap3A_118, %swap3A_119], %swap3A_122 {strides = array<i32>} : memref<16x50x8x128xf32, #tpu.memory_space<vmem>>, vector<16x50x1x128xf32>,
    %slice3A_123 = vector.extract_strided_slice %get3A_1 {offsets = [0, 5], sizes = [800, 1], strides = [1, 1]} : vector<800x6xf32> to vector<800x1xf32>
    %slice3A_124 = vector.extract_strided_slice %get3A_4 {offsets = [5, 0], sizes = [1, 128], strides = [1, 1]} : vector<6x128xf32> to vector<1x128xf32>
    %squeeze3A_125 = vector.shape_cast %slice3A_124 : vector<1x128xf32> to vector<128xf32>
    %broadcast_in_dim3A_126 = vector.shape_cast %squeeze3A_125 : vector<128xf32> to vector<1x128xf32>
    %mul3A_127 = vector.broadcast %slice3A_123 : vector<800x1xf32> to vector<800x128xf32>
    %mul3A_128 = vector.broadcast %broadcast_in_dim3A_126 : vector<1x128xf32> to vector<800x128xf32>
    %mul3A_129 = arith.mulf %mul3A_127, %mul3A_128 : vector<800x128xf32>
    %slice3A_130 = vector.extract_strided_slice %get3A_7 {offsets = [5, 0], sizes = [1, 128], strides = [1, 1]} : vector<6x128xf32> to vector<1x128xf32>
    %squeeze3A_131 = vector.shape_cast %slice3A_130 : vector<1x128xf32> to vector<128xf32>
    %broadcast_in_dim3A_132 = vector.shape_cast %squeeze3A_131 : vector<128xf32> to vector<1x128xf32>
    %add3A_133 = vector.broadcast %broadcast_in_dim3A_132 : vector<1x128xf32> to vector<800x128xf32>
    %add3A_134 = arith.addf %mul3A_129, %add3A_133 : vector<800x128xf32>
    %reshape3A_135 = vector.shape_cast %add3A_134 : vector<800x128xf32> to vector<16x50x128xf32>
    %swap3A_136 = arith.constant 0 : index
    %swap3A_137 = arith.constant 0 : index
    %swap3A_138 = arith.constant 7 : index
    %swap3A_139 = arith.constant 0 : index
    %swap3A_140 = vector.load %arg5[%swap3A_136, %swap3A_137, %swap3A_138, %swap3A_139] : memref<16x50x8x128xf32, #tpu.memory_space<vmem>>, vector<16x50x1x128xf32>
    %swap3A_141 = vector.shape_cast %swap3A_140 : vector<16x50x1x128xf32> to vector<16x50x128xf32>
    %swap3A_142 = vector.shape_cast %reshape3A_135 : vector<16x50x128xf32> to vector<16x50x1x128xf32>
    tpu.vector_store %arg5[%swap3A_136, %swap3A_137, %swap3A_138, %swap3A_139], %swap3A_142 {strides = array<i32>} : memref<16x50x8x128xf32, #tpu.memory_space<vmem>>, vector<16x50x1x128xf32>,
    return
  }
  func.func @transform_0(%arg0: i32) -> (i32, i32) {
    %c0_i32 = arith.constant 0 : i32
    %c0_i32_0 = arith.constant 0 : i32
    return %arg0, %c0_i32 : i32, i32
  }
  func.func @transform_1(%arg0: i32) -> (i32, i32) {
    %c0_i32 = arith.constant 0 : i32
    %c0_i32_0 = arith.constant 0 : i32
    return %arg0, %c0_i32 : i32, i32
  }
  func.func @transform_2(%arg0: i32) -> (i32, i32) {
    %c0_i32 = arith.constant 0 : i32
    %c0_i32_0 = arith.constant 0 : i32
    %c0_i32_1 = arith.constant 0 : i32
    return %c0_i32, %c0_i32_0 : i32, i32
  }
  func.func @transform_3(%arg0: i32) -> (i32, i32) {
    %c0_i32 = arith.constant 0 : i32
    %c0_i32_0 = arith.constant 0 : i32
    %c0_i32_1 = arith.constant 0 : i32
    return %c0_i32, %c0_i32_0 : i32, i32
  }
  func.func @transform_4(%arg0: i32) -> (i32, i32, i32, i32) {
    %c0_i32 = arith.constant 0 : i32
    %c0_i32_0 = arith.constant 0 : i32
    %c0_i32_1 = arith.constant 0 : i32
    %c0_i32_2 = arith.constant 0 : i32
    return %arg0, %c0_i32, %c0_i32_0, %c0_i32_1 : i32, i32, i32, i32
  }
}

module attributes {stable_mosaic.version = 14 : i64} {
  func.func @_known_cont_body(%arg0: i32, %arg1: i32, %arg2: memref<1x1024x8xf32, #tpu.memory_space<vmem>>, %arg3: memref<8x128xf32, #tpu.memory_space<vmem>>, %arg4: memref<8x128xf32, #tpu.memory_space<vmem>>, %arg5: memref<8x128xf32, #tpu.memory_space<vmem>>, %arg6: memref<4096x128xf32, #tpu.memory_space<vmem>>) attributes {dimension_semantics = [#tpu.dimension_semantics<arbitrary>, #tpu.dimension_semantics<arbitrary>], iteration_bounds = array<i64: 50, 2>, scalar_prefetch = 0 : i64, scratch_operands = 0 : i64, tpu.core_type = #tpu.core_type<tc>, window_params = [{transform_indices = @transform_0, window_bounds = array<i64: 1, 1024, 8>}, {pipeline_mode = #tpu.pipeline_mode<synchronous>, transform_indices = @transform_1, window_bounds = array<i64: 8, 128>}, {pipeline_mode = #tpu.pipeline_mode<synchronous>, transform_indices = @transform_2, window_bounds = array<i64: 8, 128>}, {transform_indices = @transform_3, window_bounds = array<i64: 8, 128>}, {transform_indices = @transform_4, window_bounds = array<i64: 4096, 128>}]} {
    %get3A = arith.constant 0 : index
    %get3A_0 = arith.constant 0 : index
    %get3A_1 = arith.constant 0 : index
    %get3A_2 = vector.load %arg2[%get3A, %get3A_0, %get3A_1] : memref<1x1024x8xf32, #tpu.memory_space<vmem>>, vector<1x1024x8xf32>
    %get3A_3 = vector.shape_cast %get3A_2 : vector<1x1024x8xf32> to vector<1024x8xf32>
    %get3A_4 = arith.constant 0 : index
    %get3A_5 = arith.constant 0 : index
    %get3A_6 = vector.load %arg3[%get3A_4, %get3A_5] : memref<8x128xf32, #tpu.memory_space<vmem>>, vector<8x128xf32>
    %get3A_7 = arith.constant 0 : index
    %get3A_8 = arith.constant 0 : index
    %get3A_9 = vector.load %arg4[%get3A_7, %get3A_8] : memref<8x128xf32, #tpu.memory_space<vmem>>, vector<8x128xf32>
    %eq3A = arith.constant 0 : i32
    %eq3A_10 = arith.cmpi eq, %arg1, %eq3A : i32
    %convert_element_type3A = arith.extui %eq3A_10 : i1 to i32
    %cond3A = arith.constant 0 : i32
    %cond3A_11 = arith.cmpi ne, %convert_element_type3A, %cond3A : i32
    scf.if %cond3A_11 {
      %slice3A = vector.extract_strided_slice %get3A_3 {offsets = [0, 0], sizes = [1024, 1], strides = [1, 1]} : vector<1024x8xf32> to vector<1024x1xf32>
      %slice3A_17 = vector.extract_strided_slice %get3A_6 {offsets = [0, 0], sizes = [1, 128], strides = [1, 1]} : vector<8x128xf32> to vector<1x128xf32>
      %dot_general3A = arith.constant dense<0.000000e+00> : vector<1024x128xf32>
      %dot_general3A_18 = tpu.matmul %slice3A, %slice3A_17, %dot_general3A {dimension_numbers = #tpu.dot_dimension_numbers<[1], [0], [0], [1], [0, 0, 1, 1], [], []>, transpose_lhs_hint = false} : vector<1024x1xf32>, vector<1x128xf32>, vector<1024x128xf32> -> vector<1024x128xf32>
      %slice3A_19 = vector.extract_strided_slice %get3A_9 {offsets = [0, 0], sizes = [1, 128], strides = [1, 1]} : vector<8x128xf32> to vector<1x128xf32>
      %add3A = vector.broadcast %slice3A_19 : vector<1x128xf32> to vector<1024x128xf32>
      %add3A_20 = arith.addf %dot_general3A_18, %add3A : vector<1024x128xf32>
      %swap3A = arith.constant 0 : index
      %swap3A_21 = arith.constant 0 : index
      %swap3A_22 = vector.load %arg6[%swap3A, %swap3A_21] : memref<4096x128xf32, #tpu.memory_space<vmem>>, vector<1024x128xf32>
      tpu.vector_store %arg6[%swap3A, %swap3A_21], %add3A_20 {strides = array<i32>} : memref<4096x128xf32, #tpu.memory_space<vmem>>, vector<1024x128xf32>,
      %slice3A_23 = vector.extract_strided_slice %get3A_3 {offsets = [0, 1], sizes = [1024, 1], strides = [1, 1]} : vector<1024x8xf32> to vector<1024x1xf32>
      %slice3A_24 = vector.extract_strided_slice %get3A_6 {offsets = [1, 0], sizes = [1, 128], strides = [1, 1]} : vector<8x128xf32> to vector<1x128xf32>
      %dot_general3A_25 = arith.constant dense<0.000000e+00> : vector<1024x128xf32>
      %dot_general3A_26 = tpu.matmul %slice3A_23, %slice3A_24, %dot_general3A_25 {dimension_numbers = #tpu.dot_dimension_numbers<[1], [0], [0], [1], [0, 0, 1, 1], [], []>, transpose_lhs_hint = false} : vector<1024x1xf32>, vector<1x128xf32>, vector<1024x128xf32> -> vector<1024x128xf32>
      %slice3A_27 = vector.extract_strided_slice %get3A_9 {offsets = [1, 0], sizes = [1, 128], strides = [1, 1]} : vector<8x128xf32> to vector<1x128xf32>
      %add3A_28 = vector.broadcast %slice3A_27 : vector<1x128xf32> to vector<1024x128xf32>
      %add3A_29 = arith.addf %dot_general3A_26, %add3A_28 : vector<1024x128xf32>
      %swap3A_30 = arith.constant 1024 : index
      %swap3A_31 = arith.constant 0 : index
      %swap3A_32 = vector.load %arg6[%swap3A_30, %swap3A_31] : memref<4096x128xf32, #tpu.memory_space<vmem>>, vector<1024x128xf32>
      tpu.vector_store %arg6[%swap3A_30, %swap3A_31], %add3A_29 {strides = array<i32>} : memref<4096x128xf32, #tpu.memory_space<vmem>>, vector<1024x128xf32>,
      %slice3A_33 = vector.extract_strided_slice %get3A_3 {offsets = [0, 2], sizes = [1024, 1], strides = [1, 1]} : vector<1024x8xf32> to vector<1024x1xf32>
      %slice3A_34 = vector.extract_strided_slice %get3A_6 {offsets = [2, 0], sizes = [1, 128], strides = [1, 1]} : vector<8x128xf32> to vector<1x128xf32>
      %dot_general3A_35 = arith.constant dense<0.000000e+00> : vector<1024x128xf32>
      %dot_general3A_36 = tpu.matmul %slice3A_33, %slice3A_34, %dot_general3A_35 {dimension_numbers = #tpu.dot_dimension_numbers<[1], [0], [0], [1], [0, 0, 1, 1], [], []>, transpose_lhs_hint = false} : vector<1024x1xf32>, vector<1x128xf32>, vector<1024x128xf32> -> vector<1024x128xf32>
      %slice3A_37 = vector.extract_strided_slice %get3A_9 {offsets = [2, 0], sizes = [1, 128], strides = [1, 1]} : vector<8x128xf32> to vector<1x128xf32>
      %add3A_38 = vector.broadcast %slice3A_37 : vector<1x128xf32> to vector<1024x128xf32>
      %add3A_39 = arith.addf %dot_general3A_36, %add3A_38 : vector<1024x128xf32>
      %swap3A_40 = arith.constant 2048 : index
      %swap3A_41 = arith.constant 0 : index
      %swap3A_42 = vector.load %arg6[%swap3A_40, %swap3A_41] : memref<4096x128xf32, #tpu.memory_space<vmem>>, vector<1024x128xf32>
      tpu.vector_store %arg6[%swap3A_40, %swap3A_41], %add3A_39 {strides = array<i32>} : memref<4096x128xf32, #tpu.memory_space<vmem>>, vector<1024x128xf32>,
      %slice3A_43 = vector.extract_strided_slice %get3A_3 {offsets = [0, 3], sizes = [1024, 1], strides = [1, 1]} : vector<1024x8xf32> to vector<1024x1xf32>
      %slice3A_44 = vector.extract_strided_slice %get3A_6 {offsets = [3, 0], sizes = [1, 128], strides = [1, 1]} : vector<8x128xf32> to vector<1x128xf32>
      %dot_general3A_45 = arith.constant dense<0.000000e+00> : vector<1024x128xf32>
      %dot_general3A_46 = tpu.matmul %slice3A_43, %slice3A_44, %dot_general3A_45 {dimension_numbers = #tpu.dot_dimension_numbers<[1], [0], [0], [1], [0, 0, 1, 1], [], []>, transpose_lhs_hint = false} : vector<1024x1xf32>, vector<1x128xf32>, vector<1024x128xf32> -> vector<1024x128xf32>
      %slice3A_47 = vector.extract_strided_slice %get3A_9 {offsets = [3, 0], sizes = [1, 128], strides = [1, 1]} : vector<8x128xf32> to vector<1x128xf32>
      %add3A_48 = vector.broadcast %slice3A_47 : vector<1x128xf32> to vector<1024x128xf32>
      %add3A_49 = arith.addf %dot_general3A_46, %add3A_48 : vector<1024x128xf32>
      %swap3A_50 = arith.constant 3072 : index
      %swap3A_51 = arith.constant 0 : index
      %swap3A_52 = vector.load %arg6[%swap3A_50, %swap3A_51] : memref<4096x128xf32, #tpu.memory_space<vmem>>, vector<1024x128xf32>
      tpu.vector_store %arg6[%swap3A_50, %swap3A_51], %add3A_49 {strides = array<i32>} : memref<4096x128xf32, #tpu.memory_space<vmem>>, vector<1024x128xf32>,
    } else {
    }
    %eq3A_12 = arith.constant 1 : i32
    %eq3A_13 = arith.cmpi eq, %arg1, %eq3A_12 : i32
    %convert_element_type3A_14 = arith.extui %eq3A_13 : i1 to i32
    %cond3A_15 = arith.constant 0 : i32
    %cond3A_16 = arith.cmpi ne, %convert_element_type3A_14, %cond3A_15 : i32
    scf.if %cond3A_16 {
      %slice3A = vector.extract_strided_slice %get3A_3 {offsets = [0, 4], sizes = [1024, 1], strides = [1, 1]} : vector<1024x8xf32> to vector<1024x1xf32>
      %slice3A_17 = vector.extract_strided_slice %get3A_6 {offsets = [4, 0], sizes = [1, 128], strides = [1, 1]} : vector<8x128xf32> to vector<1x128xf32>
      %dot_general3A = arith.constant dense<0.000000e+00> : vector<1024x128xf32>
      %dot_general3A_18 = tpu.matmul %slice3A, %slice3A_17, %dot_general3A {dimension_numbers = #tpu.dot_dimension_numbers<[1], [0], [0], [1], [0, 0, 1, 1], [], []>, transpose_lhs_hint = false} : vector<1024x1xf32>, vector<1x128xf32>, vector<1024x128xf32> -> vector<1024x128xf32>
      %slice3A_19 = vector.extract_strided_slice %get3A_9 {offsets = [4, 0], sizes = [1, 128], strides = [1, 1]} : vector<8x128xf32> to vector<1x128xf32>
      %add3A = vector.broadcast %slice3A_19 : vector<1x128xf32> to vector<1024x128xf32>
      %add3A_20 = arith.addf %dot_general3A_18, %add3A : vector<1024x128xf32>
      %swap3A = arith.constant 0 : index
      %swap3A_21 = arith.constant 0 : index
      %swap3A_22 = vector.load %arg6[%swap3A, %swap3A_21] : memref<4096x128xf32, #tpu.memory_space<vmem>>, vector<1024x128xf32>
      tpu.vector_store %arg6[%swap3A, %swap3A_21], %add3A_20 {strides = array<i32>} : memref<4096x128xf32, #tpu.memory_space<vmem>>, vector<1024x128xf32>,
      %slice3A_23 = vector.extract_strided_slice %get3A_3 {offsets = [0, 5], sizes = [1024, 1], strides = [1, 1]} : vector<1024x8xf32> to vector<1024x1xf32>
      %slice3A_24 = vector.extract_strided_slice %get3A_6 {offsets = [5, 0], sizes = [1, 128], strides = [1, 1]} : vector<8x128xf32> to vector<1x128xf32>
      %dot_general3A_25 = arith.constant dense<0.000000e+00> : vector<1024x128xf32>
      %dot_general3A_26 = tpu.matmul %slice3A_23, %slice3A_24, %dot_general3A_25 {dimension_numbers = #tpu.dot_dimension_numbers<[1], [0], [0], [1], [0, 0, 1, 1], [], []>, transpose_lhs_hint = false} : vector<1024x1xf32>, vector<1x128xf32>, vector<1024x128xf32> -> vector<1024x128xf32>
      %slice3A_27 = vector.extract_strided_slice %get3A_9 {offsets = [5, 0], sizes = [1, 128], strides = [1, 1]} : vector<8x128xf32> to vector<1x128xf32>
      %add3A_28 = vector.broadcast %slice3A_27 : vector<1x128xf32> to vector<1024x128xf32>
      %add3A_29 = arith.addf %dot_general3A_26, %add3A_28 : vector<1024x128xf32>
      %swap3A_30 = arith.constant 1024 : index
      %swap3A_31 = arith.constant 0 : index
      %swap3A_32 = vector.load %arg6[%swap3A_30, %swap3A_31] : memref<4096x128xf32, #tpu.memory_space<vmem>>, vector<1024x128xf32>
      tpu.vector_store %arg6[%swap3A_30, %swap3A_31], %add3A_29 {strides = array<i32>} : memref<4096x128xf32, #tpu.memory_space<vmem>>, vector<1024x128xf32>,
      %slice3A_33 = vector.extract_strided_slice %get3A_3 {offsets = [0, 6], sizes = [1024, 1], strides = [1, 1]} : vector<1024x8xf32> to vector<1024x1xf32>
      %slice3A_34 = vector.extract_strided_slice %get3A_6 {offsets = [6, 0], sizes = [1, 128], strides = [1, 1]} : vector<8x128xf32> to vector<1x128xf32>
      %dot_general3A_35 = arith.constant dense<0.000000e+00> : vector<1024x128xf32>
      %dot_general3A_36 = tpu.matmul %slice3A_33, %slice3A_34, %dot_general3A_35 {dimension_numbers = #tpu.dot_dimension_numbers<[1], [0], [0], [1], [0, 0, 1, 1], [], []>, transpose_lhs_hint = false} : vector<1024x1xf32>, vector<1x128xf32>, vector<1024x128xf32> -> vector<1024x128xf32>
      %slice3A_37 = vector.extract_strided_slice %get3A_9 {offsets = [6, 0], sizes = [1, 128], strides = [1, 1]} : vector<8x128xf32> to vector<1x128xf32>
      %add3A_38 = vector.broadcast %slice3A_37 : vector<1x128xf32> to vector<1024x128xf32>
      %add3A_39 = arith.addf %dot_general3A_36, %add3A_38 : vector<1024x128xf32>
      %swap3A_40 = arith.constant 2048 : index
      %swap3A_41 = arith.constant 0 : index
      %swap3A_42 = vector.load %arg6[%swap3A_40, %swap3A_41] : memref<4096x128xf32, #tpu.memory_space<vmem>>, vector<1024x128xf32>
      tpu.vector_store %arg6[%swap3A_40, %swap3A_41], %add3A_39 {strides = array<i32>} : memref<4096x128xf32, #tpu.memory_space<vmem>>, vector<1024x128xf32>,
      %slice3A_43 = vector.extract_strided_slice %get3A_3 {offsets = [0, 7], sizes = [1024, 1], strides = [1, 1]} : vector<1024x8xf32> to vector<1024x1xf32>
      %slice3A_44 = vector.extract_strided_slice %get3A_6 {offsets = [7, 0], sizes = [1, 128], strides = [1, 1]} : vector<8x128xf32> to vector<1x128xf32>
      %dot_general3A_45 = arith.constant dense<0.000000e+00> : vector<1024x128xf32>
      %dot_general3A_46 = tpu.matmul %slice3A_43, %slice3A_44, %dot_general3A_45 {dimension_numbers = #tpu.dot_dimension_numbers<[1], [0], [0], [1], [0, 0, 1, 1], [], []>, transpose_lhs_hint = false} : vector<1024x1xf32>, vector<1x128xf32>, vector<1024x128xf32> -> vector<1024x128xf32>
      %slice3A_47 = vector.extract_strided_slice %get3A_9 {offsets = [7, 0], sizes = [1, 128], strides = [1, 1]} : vector<8x128xf32> to vector<1x128xf32>
      %add3A_48 = vector.broadcast %slice3A_47 : vector<1x128xf32> to vector<1024x128xf32>
      %add3A_49 = arith.addf %dot_general3A_46, %add3A_48 : vector<1024x128xf32>
      %swap3A_50 = arith.constant 3072 : index
      %swap3A_51 = arith.constant 0 : index
      %swap3A_52 = vector.load %arg6[%swap3A_50, %swap3A_51] : memref<4096x128xf32, #tpu.memory_space<vmem>>, vector<1024x128xf32>
      tpu.vector_store %arg6[%swap3A_50, %swap3A_51], %add3A_49 {strides = array<i32>} : memref<4096x128xf32, #tpu.memory_space<vmem>>, vector<1024x128xf32>,
    } else {
    }
    return
  }
  func.func @transform_0(%arg0: i32, %arg1: i32) -> (i32, i32, i32) {
    %c0_i32 = arith.constant 0 : i32
    %c0_i32_0 = arith.constant 0 : i32
    %c0_i32_1 = arith.constant 0 : i32
    return %arg0, %c0_i32, %c0_i32_0 : i32, i32, i32
  }
  func.func @transform_1(%arg0: i32, %arg1: i32) -> (i32, i32) {
    %c0_i32 = arith.constant 0 : i32
    %c0_i32_0 = arith.constant 0 : i32
    %c0_i32_1 = arith.constant 0 : i32
    return %c0_i32, %c0_i32_0 : i32, i32
  }
  func.func @transform_2(%arg0: i32, %arg1: i32) -> (i32, i32) {
    %c0_i32 = arith.constant 0 : i32
    %c0_i32_0 = arith.constant 0 : i32
    %c0_i32_1 = arith.constant 0 : i32
    return %c0_i32, %c0_i32_0 : i32, i32
  }
  func.func @transform_3(%arg0: i32, %arg1: i32) -> (i32, i32) {
    %c0_i32 = arith.constant 0 : i32
    %c0_i32_0 = arith.constant 0 : i32
    %c0_i32_1 = arith.constant 0 : i32
    return %c0_i32, %c0_i32_0 : i32, i32
  }
  func.func @transform_4(%arg0: i32, %arg1: i32) -> (i32, i32) {
    %mul3A = arith.constant 3 : i32
    %mul3A_0 = arith.muli %mul3A, %arg0 : i32
    %add3A = arith.constant 1 : i32
    %add3A_1 = arith.addi %mul3A_0, %add3A : i32
    %add3A_2 = arith.addi %add3A_1, %arg1 : i32
    %c0_i32 = arith.constant 0 : i32
    %c0_i32_3 = arith.constant 0 : i32
    return %add3A_2, %c0_i32 : i32, i32
  }
}

</mosaic_0001>

<sc_bundles>
// kernel: kernel.11.cloned.1.call-start
scs
__scs_entry_jumppad:
0x0: {  	(pc) =	sbr.rel $0x88, $3  }
0x1: {  	(tag) =	ssettag $0x0;
	lr =	simm.s32 $0x1  }
0x2: {  	[smem:$0x3F8F] =	sst lr;
	_ =	strace $0xD0000000  }
0x3: {  	_ = 	snop  }
0x4: {  	_ = 	snop  }
0x5: {  	_ = 	snop  }
0x6: {  	_ = 	snop  }
0x7: {  	_ = 	snop  }
__scs_overlays_trampoline_lowered:
0x8: {  	[smem:$0x3F9E] =	sst s0  }
0x9: {  	[smem:$0x3F9F] =	sst s1  }
0xa: {  	[smem:$0x3FA0] =	sst s2  }
0xb: {  	[smem:$0x3FA1] =	sst s3  }
0xc: {  	[smem:$0x3FA2] =	sst s4  }
0xd: {  	[smem:$0x3FA3] =	sst s5  }
0xe: {  	[smem:$0x3FA4] =	sst s6  }
0xf: {  	[smem:$0x3FA5] =	sst s7  }
0x10: {  	[smem:$0x3FA6] =	sst s8  }
0x11: {  	[smem:$0x3FA7] =	sst s9;
	s0 =	simm.s32 @!p0 $0x0  }
0x12: {  	s1 =	sld [smem:$0x3F8D];
	s0 =	simm.s32 @p0 $0x1  }
0x13: {  	[smem:$0x3FA8] =	sst s0;
	s0 =	simm.s32 @!p1 $0x0  }
0x14: {  	s2 =	sld [smem:$0x3F8C];
	s0 =	simm.s32 @p1 $0x1  }
0x15: {  	[smem:$0x3FA9] =	sst s0;
	s0 =	simm.s32 @!p2 $0x0  }
0x16: {  	s3 =	sld [smem:$0x3FDB];
	s0 =	simm.s32 @p2 $0x1  }
0x17: {  	s4 =	simm.s32 $0x1BF5;
	[smem:$0x3FAB] =	sst s0  }
0x18: {  	s0 =	sld [smem:$0x3F8E];
	_ =	swait.ge [sflag:s4], $0x0  }
0x19: {  	s7 =	sld [smem:$0x3F8F]  }
0x1a: {  	s8 =	sadd.s32 $0xFFFFE003, lr  }
0x1b: {  	s9 =	sadd.s32 $0xFFFFFEF7, lr;
	s5 =	simm.s32 $0xFFFFFFFF;
	p2 =	slt.u32 s8, $0xFFFFF086  }
0x1c: {  	p1 =	slt.u32 s9, $0xF7A;
	s5 =	simm.s32 @!p2 $0x0  }
0x1d: {  	s5 =	simm.s32 @p1 $0x1;
	p0 =	seq.s32 s7, s2  }
0x1e: {  	s7 =	smul.u32 @!p0 $0xF7A, s2;
	p2 =	seq.s32 @!p0 s5, $0x0  }
0x1f: {  	s9 =	smul.u32 $0xF7A, s1;
	s8 =	simm.s32 @!p0 $0x1BF5;
	p2 =	por !p2, p0  }
0x20: {  	[sflag:s8] =	ssyncset.s32 @!p0 $0xFFFFF086;
	s6 =	sadd.s32 @!p0 s3, s7;
	s7 =	simm.s32 @!p0 $0x108  }
0x21: {  	s3 =	sadd.s32 s3, s9;
	s6 =	sadd.s32 @!p0 $0x88, s6;
	s7 =	simm.s32 @p2 $0x1082  }
0x22: {  	[simem:s7], [sflag:s8] =	dma.local @!p0 [hbm:s6], $0xF7A  }
0x23: {  	s9 =	sor.u32 $0xD0000000, s2;
	s6 =	simm.s32 $0x108;
	_ =	swait.ge @!p0 [sflag:s8], $0x0  }
0x24: {  	s3 =	sadd.s32 $0x88, s3;
	s6 =	simm.s32 @!p1 $0x1082;
	[sflag:s4] =	ssyncset.s32 $0xFFFFF086  }
0x25: {  	[simem:s6], [sflag:s4] =	dma.local [hbm:s3], $0xF7A  }
0x26: {  	[smem:$0x3F8F] =	sst s1;
	(tag) =	ssettag s2;
	_ =	strace s9  }
0x27: {  	s1 =	sld [smem:$0x3F9F]  }
0x28: {  	s2 =	sld [smem:$0x3FA0]  }
0x29: {  	s4 =	sld [smem:$0x3FA2]  }
0x2a: {  	p0 =	seq.s32 s5, $0x0;
	s5 =	sld [smem:$0x3FA3]  }
0x2b: {  	s6 =	sld [smem:$0x3FA4]  }
0x2c: {  	s7 =	sld [smem:$0x3FA5]  }
0x2d: {  	s3 =	simm.s32 $0x108;
	s8 =	sld [smem:$0x3FA6]  }
0x2e: {  	s3 =	simm.s32 @!p0 $0x1082;
	s9 =	sld [smem:$0x3FA7]  }
0x2f: {  	lr =	sadd.s32 s0, s3;
	s0 =	sld [smem:$0x3F9E]  }
0x30: {  	s3 =	sld [smem:$0x3FA1]  }
0x31: {  	[smem:$0x3FAA] =	sst s10  }
0x32: {  	s10 =	sld [smem:$0x3FA8];
	_ =	sdelay $0x3  }
0x33: {  	p0 =	seq.s32 s10, $0x1;
	s10 =	sld [smem:$0x3FAA];
	_ =	sdelay $0x3  }
0x34: {  	[smem:$0x3FAA] =	sst s10  }
0x35: {  	s10 =	sld [smem:$0x3FA9];
	_ =	sdelay $0x3  }
0x36: {  	p1 =	seq.s32 s10, $0x1;
	s10 =	sld [smem:$0x3FAA];
	_ =	sdelay $0x3  }
0x37: {  	[smem:$0x3FAA] =	sst s10  }
0x38: {  	s10 =	sld [smem:$0x3FAB]  }
0x39: {  	_ = 	snop;
	(pc) =	sbr.ind lr, $3  }
0x3a: {  	_ = 	snop  }
0x3b: {  	_ = 	snop  }
0x3c: {  	p2 =	seq.s32 s10, $0x1;
	s10 =	sld [smem:$0x3FAA]  }
0x3d: {  	_ =	shalt  }
0x3e: {  	_ =	shalt  }
0x3f: {  	_ =	shalt  }
0x40: {  	_ =	shalt  }
0x41: {  	_ =	shalt  }
0x42: {  	_ =	shalt  }
0x43: {  	_ =	shalt  }
0x44: {  	_ =	shalt  }
0x45: {  	_ =	shalt  }
0x46: {  	_ =	shalt  }
0x47: {  	_ =	shalt  }
0x48: {  	_ =	shalt  }
0x49: {  	_ =	shalt  }
0x4a: {  	_ =	shalt  }
0x4b: {  	_ =	shalt  }
0x4c: {  	_ =	shalt  }
0x4d: {  	_ =	shalt  }
0x4e: {  	_ =	shalt  }
0x4f: {  	_ =	shalt  }
0x50: {  	_ =	shalt  }
0x51: {  	_ =	shalt  }
0x52: {  	_ =	shalt  }
0x53: {  	_ =	shalt  }
0x54: {  	_ =	shalt  }
0x55: {  	_ =	shalt  }
0x56: {  	_ =	shalt  }
0x57: {  	_ =	shalt  }
0x58: {  	_ =	shalt  }
0x59: {  	_ =	shalt  }
0x5a: {  	_ =	shalt  }
0x5b: {  	_ =	shalt  }
0x5c: {  	_ =	shalt  }
0x5d: {  	_ =	shalt  }
0x5e: {  	_ =	shalt  }
0x5f: {  	_ =	shalt  }
0x60: {  	_ =	shalt  }
0x61: {  	_ =	shalt  }
0x62: {  	_ =	shalt  }
0x63: {  	_ =	shalt  }
0x64: {  	_ =	shalt  }
0x65: {  	_ =	shalt  }
0x66: {  	_ =	shalt  }
0x67: {  	_ =	shalt  }
0x68: {  	_ =	shalt  }
0x69: {  	_ =	shalt  }
0x6a: {  	_ =	shalt  }
0x6b: {  	_ =	shalt  }
0x6c: {  	_ =	shalt  }
0x6d: {  	_ =	shalt  }
0x6e: {  	_ =	shalt  }
0x6f: {  	_ =	shalt  }
0x70: {  	_ =	shalt  }
0x71: {  	_ =	shalt  }
0x72: {  	_ =	shalt  }
0x73: {  	_ =	shalt  }
0x74: {  	_ =	shalt  }
0x75: {  	_ =	shalt  }
0x76: {  	_ =	shalt  }
0x77: {  	_ =	shalt  }
0x78: {  	_ =	shalt  }
0x79: {  	_ =	shalt  }
0x7a: {  	_ =	shalt  }
0x7b: {  	_ =	shalt  }
0x7c: {  	_ =	shalt  }
0x7d: {  	_ =	shalt  }
0x7e: {  	_ =	shalt  }
0x7f: {  	_ =	shalt  }
0x80: {  	_ =	shalt  }
0x81: {  	_ =	shalt  }
0x82: {  	_ =	shalt  }
0x83: {  	_ =	shalt  }
0x84: {  	_ =	shalt  }
0x85: {  	_ =	shalt  }
0x86: {  	_ =	shalt  }
0x87: {  	_ =	shalt  }
.Lfunc_end0:
.L_simem_size_0:
called_computation.1_lowered:
.L_overlay_start_0:
0x88: {  	s2 =	sld [smem:$0x3FD9]  }
0x89: {  	s3 =	sld [smem:$0x3FFE];
	_ =	sdelay $0x1  }
0x8a: {  	s1 =	srdreg.scid  }
0x8b: {  	s0 =	sand.u32 $0x1, s1  }
0x8c: {  	s15 =	sshll.u32 s0, $0xA;
	s2 =	sadd.s32 s3, s2  }
0x8d: {  	s2 =	sadd.s32 s2, s15  }
0x8e: {  	[smem:$0x3FB6] =	sst s2  }
0x8f: {  	_ = 	snop  }
0x90: {  	s16 =	sld [smem:$0x3FD0];
	_ =	sdelay $0x2  }
0x91: {  	s4 =	simm.s32 $0xB;
	s5 =	simm.s32 $0x10;
	s2 =	sld [smem:$0x3FC1]  }
0x92: {  	[smem:s5], [sflag:s4] =	dma.local [hbm:s16], $0x1  }
0x93: {  	_ =	swait.eq [sflag:s4], $0x1  }
0x94: {  	[sflag:s4] =	ssyncset.done $0x0  }
0x95: {  	[sflag:s4] =	ssyncadd.s32 $0xFFFFFFFF  }
0x96: {  	s17 =	sld [smem:$0x11];
	(tm) =	ssettm $0x1  }
0x97: {  	s18 =	sld [smem:$0x3FFB];
	_ =	sdelay $0x3  }
0x98: {  	_ =	strace s18  }
0x99: {  	s3 =	sld [smem:$0x3FFC];
	_ =	sdelay $0x3  }
0x9a: {  	_ =	strace s3  }
0x9b: {  	s3 =	sld [smem:$0x3FFD];
	_ =	sdelay $0x3  }
0x9c: {  	_ =	strace s3  }
0x9d: {  	_ =	strace $0x8FFFFFFF  }
0x9e: {  	s19 =	sld [smem:$0x3FDB];
	_ =	sdelay $0x1  }
0x9f: {  	s20 =	simm.s32 $_scs_section_size  }
0xa0: {  	s6 =	simm.s32 $_size__tile_overlayer_lowered;
	s7 =	simm.s32 $_tile_overlayer_lowered  }
0xa1: {  	s8 =	simm.s32 $0x1BFF;
	s21 =	sshll.u32 s7, $0x1;
	s5 =	sadd.s32 s20, s19  }
0xa2: {  	s22 =	simm.s32 $0x0;
	s6 =	sshll.u32 s6, $0x1;
	s7 =	sadd.s32 s21, s5  }
0xa3: {  	[timem:s22], [sflag:s8] =	dma.local [hbm:s7], s6  }
0xa4: {  	_ =	swait.ge [sflag:s8], s6  }
0xa5: {  	s6 =	ssub.s32 $0x0, s6;
	[sflag:s8] =	ssyncset.done $0x0  }
0xa6: {  	[sflag:s8] =	ssyncadd.s32 s6;
	_ =	sdelay $0x1  }
0xa7: {  	s23 =	simm.s32 $0x1B8B  }
0xa8: {  	_ =	swait.ge [sflag:s23], $0x1  }
0xa9: {  	[sflag:s23] =	ssyncset.done $0x0  }
0xaa: {  	[sflag:s23] =	ssyncadd.s32 $0xFFFFFFFF  }
0xab: {  	s6 =	sld [smem:$0x0]  }
0xac: {  	s7 =	sand.u32 $0xFFFFFFFE, s1  }
0xad: {  	p0 =	sne.s32 s1, s7  }
0xae: {  	s7 =	sshll.u32 @p0 s7, $0xE  }
0xaf: {  	s7 =	sadd.s32 @p0 $0x11B8D, s7;
	s8 =	sshll.u32 @p0 s6, $0x11  }
0xb0: {  	s7 =	sor.u32 @p0 s8, s7  }
0xb1: {  	[sflag:s7] =	ssyncadd.remote.s32 @p0 $0x1;
	_ =	sdelay $0x1  }
0xb2: {  	s7 =	simm.s32 @p0 $0x1B8D  }
0xb3: {  	_ =	swait.eq @p0 [sflag:s7], $0x1  }
0xb4: {  	[sflag:s7] =	ssyncadd.s32 @p0 $0xFFFFFFFF  }
0xb5: {  	s8 =	sshll.u32 @!p0 s1, $0xE  }
0xb6: {  	s8 =	sor.u32 @!p0 $0x4000, s8;
	s7 =	simm.s32 @!p0 $0x1B8D  }
0xb7: {  	s6 =	sshll.u32 @!p0 s6, $0x11;
	s8 =	sadd.s32 @!p0 $0x11B8D, s8;
	_ =	swait.eq @!p0 [sflag:s7], $0x1  }
0xb8: {  	s6 =	sor.u32 @!p0 s6, s8;
	[sflag:s7] =	ssyncadd.s32 @!p0 $0xFFFFFFFF  }
0xb9: {  	s25 =	simm.s32 $0x1B8E;
	s24 =	sld [smem:$0x3FFE];
	[sflag:s6] =	ssyncadd.remote.s32 @!p0 $0x1  }
0xba: {  	s26 =	simm.s32 $execute0_lowered;
	[smem:$0x3FD2] =	sst s25  }
0xbb: {  	s7 =	sshll.u32 s26, $0x1;
	_ =	strace $0x80000049;
	[dreg:$0x1] =	wrdreg $0xFFFFFFFF  }
0xbc: {  	s28 =	simm.s32 $_size_execute0_lowered;
	s5 =	sadd.s32 s5, s7;
	[dreg:$0x0] =	wrdreg $0x0  }
0xbd: {  	s7 =	sshll.u32 s28, $0x1;
	[dreg:$0x2] =	wrdreg s5  }
0xbe: {  	[dreg:$0x3] =	wrdreg s7  }
0xbf: {  	[dreg:$0x4] =	wrdreg $0xC0  }
0xc0: {  	_ =	task [dreg:s22], $0x5FFFF  }
0xc1: {  	[dreg:$0x1] =	wrdreg $0xFFFFFFFF  }
0xc2: {  	[dreg:$0x0] =	wrdreg $0x60  }
0xc3: {  	[dreg:$0x2] =	wrdreg s24  }
0xc4: {  	[dreg:$0x3] =	wrdreg s2  }
0xc5: {  	[dreg:$0x4] =	wrdreg s17  }
0xc6: {  	[dreg:$0x5] =	wrdreg $0xA  }
0xc7: {  	_ =	task.clear_ibuf [dreg:s22], $0x6FFFF;
	_ =	strace $0x90000049  }
0xc8: {  	s29 =	simm.s32 $0xA;
	_ =	strace $0x8000004B  }
0xc9: {  	_ =	swait.ge [sflag:s29], $0x1  }
0xca: {  	[sflag:s29] =	ssyncadd.s32 $0xFFFFFFFF  }
0xcb: {  	_ =	strace $0x9000004B  }
0xcc: {  	_ =	sfence  }
0xcd: {  	s30 =	sld [smem:$0x0];
	_ =	sdelay $0x2  }
0xce: {  	s31 =	sshll.u32 s1, $0xD;
	s1 =	sshrl.u32 s1, $0x2  }
0xcf: {  	s4 =	sand.u32 $0x4000, s31;
	s1 =	sadd.s32 s1, s30  }
0xd0: {  	s0 =	sor.u32 s4, s0;
	s1 =	sshll.u32 s1, $0x11  }
0xd1: {  	s0 =	sor.u32 s1, s0  }
0xd2: {  	s0 =	sadd.s32 $0x8F2B, s0  }
0xd3: {  	[sflag:s0] =	ssyncadd.remote.s32 $0x1  }
0xd4: {  	_ =	sfence.sel $0xFFFF  }
0xd5: {  	[dreg:$0x0] =	wrdreg $0xFFFFFFFF;
	(pc) =	sbr.abs _section_cstart, $3  }
0xd6: {  	[dreg:$0x1] =	wrdreg $0xFFFFFFFF  }
0xd7: {  	_ =	task.clear_ibuf [dreg:s22], $0x2FFFF;
	_ =	strace $0x9FFFFFFF  }
0xd8: {  	(tm) =	ssettm $0x7FFFFFFF  }
0xd9: {  	_ =	shalt  }
tec
execute0_lowered:
.L_overlay_start_1:
0x0: {  	(tag) =	ssettag $0x1  }
0x1: {  	s0 =	rddreg [dreg:$0x0]  }
0x2: {  	s2 =	rddreg [dreg:$0x1]  }
0x3: {  	s3 =	rddreg [dreg:$0x2]  }
0x4: {  	s5 =	stileid.u32;
	s1 =	srdreg.scid;
	s4 =	simm.s32 $0x0  }
0x5: {  	s11 =	simm.s32 $0x80;
	s12 =	simm.s32 $0x100;
	s13 =	simm.s32 $0x180  }
0x6: {  	s14 =	simm.s32 $0x200;
	s15 =	simm.s32 $0x40;
	s16 =	simm.s32 $0x400  }
0x7: {  	s17 =	simm.s32 $0x2400;
	s1 =	sand.u32 $0x1, s1;
	s6 =	sshll.u32 s5, $0x1  }
0x8: {  	s18 =	simm.s32 $0x4400;
	s7 =	smul.u32 $0x640, s5;
	s6 =	sor.u32 s1, s6  }
0x9: {  	s8 =	ssub.s32 $0x2, s1;
	s1 =	smul.u32 $0x320, s1;
	s6 =	sand.u32 $0x7, s6  }
0xa: {  	s19 =	simm.s32 $0x6400;
	s9 =	sshrl.u32 s8, $0x1;
	s10 =	smul.u32 $0x64, s6  }
0xb: {  	s5 =	sshrl.u32 s5, $0x2;
	s8 =	ssub.s32 s8, s9;
	s30 =	smul.u32 $0xC8000, s6  }
0xc: {  	[smem:$0x7FF] =	sst s4;
	s6 =	smul.u32 $0x19000, s6;
	s29 =	smax.u32 s8, $0x1  }
0xd: {  	_ =	strace $0x8000004A;
	s0 =	sadd.s32 s7, s0;
	[dreg:$0x5] =	wrdreg s29  }
0xe: {  	s20 =	smul.u32 $0x3E8, s5;
	s0 =	sadd.s32 s1, s0;
	[dreg:$0x6] =	wrdreg s6  }
0xf: {  	s21 =	simm.s32 $0x1;
	s0 =	sadd.s32 $0x195C00, s0;
	[dreg:$0x4] =	wrdreg s10  }
0x10: {  	v0 =	vmov s20;
	s20 =	simm.s32 $0x8400;
	s31 =	sadd.s32 $0x8000, s30;
	[dreg:$0x8] =	wrdreg s0  }
0x11: {  	s1 =	simm.s32 $0x0;
	s10 =	simm.s32 $0x2;
	[dreg:$0x7] =	wrdreg s31  }
.LBB2_1:
0x12: {  	[dreg:$0x9] =	wrdreg s1  }
0x13: {  	s7 =	rddreg [dreg:$0x8]  }
0x14: {  	[tilespmem:s4], [sflag:$0x2] =	stream.linear.gather [hbm4b:s7+s4], $0x40, $0x38;
	[tilespmem:$0xA400] =	vst v63  }
0x15: {  	_ =	swait.ge [sflag:s10], $0x40  }
0x16: {  	[sflag:s10] =	ssyncset.done $0x0  }
0x17: {  	[sflag:s10] =	ssyncadd.s32 $0xFFFFFFC0  }
0x18: {  	v1 =	vld [tilespmem:$0x30]  }
0x19: {  	v2 =	vld [tilespmem:$0x20]  }
0x1a: {  	v3 =	vld [tilespmem:$0x10]  }
0x1b: {  	v4 =	vld [tilespmem:$0x0];
	_ =	sdelay $0x1  }
0x1c: {  	v1 =	vadd.s32 v0, v1  }
0x1d: {  	v2 =	vadd.s32 v0, v2;
	[tilespmem:$0x30] =	vst v1  }
0x1e: {  	v1 =	vadd.s32 v0, v3;
	[tilespmem:$0x20] =	vst v2  }
0x1f: {  	v2 =	vadd.s32 v0, v4;
	[tilespmem:$0x10] =	vst v1  }
0x20: {  	s0 =	sadd.s32 $0x8, s7;
	[tilespmem:$0x0] =	vst v2  }
0x21: {  	[tilespmem:s11], [sflag:$0x2] =	stream.linear.gather [hbm4b:s0+s4], $0x40, $0x38;
	[tilespmem:$0xA400] =	vst v63  }
0x22: {  	_ =	swait.ge [sflag:s10], $0x40  }
0x23: {  	[sflag:s10] =	ssyncset.done $0x0  }
0x24: {  	[sflag:s10] =	ssyncadd.s32 $0xFFFFFFC0  }
0x25: {  	v1 =	vld [tilespmem:$0x80]  }
0x26: {  	v2 =	vld [tilespmem:$0x90]  }
0x27: {  	v3 =	vld [tilespmem:$0xA0]  }
0x28: {  	v60 =	vld [tilespmem:$0xB0];
	_ =	sdelay $0x1  }
0x29: {  	v1 =	vadd.s32 v0, v1  }
0x2a: {  	[tilespmem:$0x80] =	vst v1;
	v1 =	vadd.s32 v0, v2  }
0x2b: {  	[tilespmem:$0x90] =	vst v1;
	v1 =	vadd.s32 v0, v3  }
0x2c: {  	[tilespmem:$0xA0] =	vst v1;
	v1 =	vadd.s32 v0, v60  }
0x2d: {  	s26 =	sadd.s32 $0x10, s7;
	[tilespmem:$0xB0] =	vst v1  }
0x2e: {  	[tilespmem:s12], [sflag:$0x2] =	stream.linear.gather [hbm4b:s26+s4], $0x40, $0x38;
	[tilespmem:$0xA400] =	vst v63  }
0x2f: {  	_ =	swait.ge [sflag:s10], $0x40  }
0x30: {  	[sflag:s10] =	ssyncset.done $0x0  }
0x31: {  	[sflag:s10] =	ssyncadd.s32 $0xFFFFFFC0  }
0x32: {  	v1 =	vld [tilespmem:$0x120]  }
0x33: {  	v2 =	vld [tilespmem:$0x130]  }
0x34: {  	v3 =	vld [tilespmem:$0x100]  }
0x35: {  	v61 =	vld [tilespmem:$0x110];
	_ =	sdelay $0x1  }
0x36: {  	v1 =	vadd.s32 v0, v1  }
0x37: {  	[tilespmem:$0x120] =	vst v1;
	v1 =	vadd.s32 v0, v2  }
0x38: {  	v2 =	vadd.s32 v0, v3;
	[tilespmem:$0x130] =	vst v1  }
0x39: {  	[tilespmem:$0x100] =	vst v2;
	v1 =	vadd.s32 v0, v61  }
0x3a: {  	s1 =	sadd.s32 $0x18, s7;
	[tilespmem:$0x110] =	vst v1  }
0x3b: {  	[tilespmem:s13], [sflag:$0x2] =	stream.linear.gather [hbm4b:s1+s4], $0x40, $0x38;
	[tilespmem:$0xA400] =	vst v63  }
0x3c: {  	_ =	swait.ge [sflag:s10], $0x40  }
0x3d: {  	[sflag:s10] =	ssyncset.done $0x0  }
0x3e: {  	[sflag:s10] =	ssyncadd.s32 $0xFFFFFFC0  }
0x3f: {  	v1 =	vld [tilespmem:$0x190]  }
0x40: {  	v2 =	vld [tilespmem:$0x1A0]  }
0x41: {  	v3 =	vld [tilespmem:$0x180]  }
0x42: {  	v62 =	vld [tilespmem:$0x1B0];
	_ =	sdelay $0x1  }
0x43: {  	v1 =	vadd.s32 v0, v1  }
0x44: {  	[tilespmem:$0x190] =	vst v1;
	v1 =	vadd.s32 v0, v2  }
0x45: {  	v2 =	vadd.s32 v0, v3;
	[tilespmem:$0x1A0] =	vst v1  }
0x46: {  	v1 =	vadd.s32 v0, v62;
	[tilespmem:$0x180] =	vst v2  }
0x47: {  	s6 =	sadd.s32 $0x20, s7;
	[tilespmem:$0x1B0] =	vst v1  }
0x48: {  	[tilespmem:s14], [sflag:$0x2] =	stream.linear.gather [hbm4b:s6+s4], $0x40, $0x38;
	[tilespmem:$0xA400] =	vst v63  }
0x49: {  	_ =	swait.ge [sflag:s10], $0x40  }
0x4a: {  	[sflag:s10] =	ssyncset.done $0x0  }
0x4b: {  	[sflag:s10] =	ssyncadd.s32 $0xFFFFFFC0  }
0x4c: {  	v1 =	vld [tilespmem:$0x220]  }
0x4d: {  	v2 =	vld [tilespmem:$0x210]  }
0x4e: {  	v3 =	vld [tilespmem:$0x230]  }
0x4f: {  	v63 =	vld [tilespmem:$0x200];
	_ =	sdelay $0x1  }
0x50: {  	v1 =	vadd.s32 v0, v1  }
0x51: {  	v2 =	vadd.s32 v0, v2;
	[tilespmem:$0x220] =	vst v1  }
0x52: {  	v1 =	vadd.s32 v0, v3;
	[tilespmem:$0x210] =	vst v2  }
0x53: {  	v2 =	vadd.s32 v0, v63;
	[tilespmem:$0x230] =	vst v1  }
0x54: {  	[tilespmem:$0x200] =	vst v2  }
0x55: {  	[tilespmem:s16], [sflag:$0x1] =	stream.indirect.gather [hbm4b:s2+s15], $0x80, s4, s15, $0xb8;
	[tilespmem:$0xA400] =	vst v63  }
0x56: {  	_ = 	snop  }
0x57: {  	[tilespmem:s17], [sflag:$0x1] =	stream.indirect.gather [hbm4b:s2+s15], $0x80, s11, s15, $0xb8;
	[tilespmem:$0xA400] =	vst v63  }
0x58: {  	_ = 	snop  }
0x59: {  	[tilespmem:s18], [sflag:$0x1] =	stream.indirect.gather [hbm4b:s2+s15], $0x80, s12, s15, $0xb8;
	[tilespmem:$0xA400] =	vst v63  }
0x5a: {  	_ = 	snop  }
0x5b: {  	[tilespmem:s19], [sflag:$0x1] =	stream.indirect.gather [hbm4b:s2+s15], $0x80, s13, s15, $0xb8;
	[tilespmem:$0xA400] =	vst v63  }
0x5c: {  	_ = 	snop  }
0x5d: {  	[tilespmem:s20], [sflag:$0x1] =	stream.indirect.gather [hbm4b:s2+s15], $0x80, s14, s15, $0xb8;
	[tilespmem:$0xA400] =	vst v63  }
0x5e: {  	_ =	swait.ge [sflag:s21], $0x2000  }
0x5f: {  	[sflag:s21] =	ssyncset.done $0x0  }
0x60: {  	[sflag:s21] =	ssyncadd.s32 $0xFFFFE000  }
0x61: {  	_ =	swait.ge [sflag:s21], $0x2000  }
0x62: {  	[sflag:s21] =	ssyncset.done $0x0  }
0x63: {  	[sflag:s21] =	ssyncadd.s32 $0xFFFFE000  }
0x64: {  	_ =	swait.ge [sflag:s21], $0x2000  }
0x65: {  	[sflag:s21] =	ssyncset.done $0x0  }
0x66: {  	[sflag:s21] =	ssyncadd.s32 $0xFFFFE000  }
0x67: {  	_ =	swait.ge [sflag:s21], $0x2000  }
0x68: {  	[sflag:s21] =	ssyncset.done $0x0  }
0x69: {  	[sflag:s21] =	ssyncadd.s32 $0xFFFFE000  }
0x6a: {  	_ =	swait.ge [sflag:s21], $0x2000  }
0x6b: {  	s23 =	simm.s32 $0x5;
	s8 =	rddreg [dreg:$0x4]  }
0x6c: {  	s25 =	sadd.s32 $0x28, s7;
	s9 =	rddreg [dreg:$0x7];
	[sflag:s21] =	ssyncset.done $0x0  }
0x6d: {  	s1 =	sadd.s32 $0xFFFFC000, s9;
	s6 =	sadd.s32 $0xFFFFE000, s9;
	s24 =	sadd.s32 $0xA000, s9  }
0x6e: {  	s0 =	sadd.s32 $0x0, s8;
	s8 =	rddreg [dreg:$0x6];
	s28 =	sadd.s32 $0xFFFFA000, s9  }
0x6f: {  	[sflag:s21] =	ssyncadd.s32 $0xFFFFE000;
	s30 =	sand.u32 $0x1E000, s6;
	s26 =	sshrl.u32 s0, $0x4  }
0x70: {  	s7 =	smul.u32 $0xC, s26;
	s26 =	sand.u32 $0x1E000, s28;
	s28 =	sadd.s32 $0x1, s0  }
0x71: {  	s22 =	sand.u32 $0x3C00, s8;
	s29 =	sadd.s32 $0x2, s0;
	s28 =	sshrl.u32 s28, $0x4  }
0x72: {  	s31 =	sand.u32 $0x1E000, s1;
	s29 =	sshrl.u32 s29, $0x4;
	s28 =	smul.u32 $0xC, s28  }
0x73: {  	s6 =	sadd.s32 s3, s22;
	s1 =	sor.u32 s5, s7;
	s7 =	smul.u32 $0xC, s29  }
0x74: {  	s22 =	sadd.s32 $0x3, s0;
	s0 =	sadd.s32 $0x4, s0;
	s1 =	sshll.u32 s1, $0xE  }
0x75: {  	s1 =	sadd.s32 s1, s6;
	s28 =	sor.u32 s5, s28;
	s6 =	sor.u32 s5, s7  }
0x76: {  	[hbm4b:s1+s4] =	stream.linear.scatter [tilespmem:s16], [sflag:$0x2], $0x2000, $0x38;
	[tilespmem:$0xA400] =	vst v63  }
0x77: {  	s1 =	sshrl.u32 s22, $0x4;
	s22 =	sshll.u32 s28, $0x11;
	s28 =	smov.u32 s8  }
0x78: {  	_ =	swait.ge [sflag:s10], $0x2000;
	s29 =	sor.u32 s26, s22;
	s26 =	smov.u32 s9  }
.LBB2_2:
0x79: {  	[sflag:s10] =	ssyncset.done $0x0  }
0x7a: {  	s7 =	sshrl.u32 s29, $0x3;
	s6 =	sshll.u32 s6, $0x11;
	s1 =	smul.u32 $0xC, s1  }
0x7b: {  	s0 =	sshrl.u32 s0, $0x4;
	[sflag:s10] =	ssyncadd.s32 $0xFFFFE000;
	s7 =	sadd.s32 s3, s7  }
0x7c: {  	[hbm4b:s7+s4] =	stream.linear.scatter [tilespmem:s17], [sflag:$0x2], $0x2000, $0x38;
	[tilespmem:$0xA400] =	vst v63  }
0x7d: {  	s6 =	sor.u32 s31, s6;
	s0 =	smul.u32 $0xC, s0;
	_ =	swait.ge [sflag:s10], $0x2000  }
0x7e: {  	s1 =	sor.u32 s5, s1;
	s6 =	sshrl.u32 s6, $0x3;
	[sflag:s10] =	ssyncset.done $0x0  }
0x7f: {  	s1 =	sshll.u32 s1, $0x11;
	s6 =	sadd.s32 s3, s6;
	[sflag:s10] =	ssyncadd.s32 $0xFFFFE000  }
0x80: {  	[hbm4b:s6+s4] =	stream.linear.scatter [tilespmem:s18], [sflag:$0x2], $0x2000, $0x38;
	[tilespmem:$0xA400] =	vst v63  }
0x81: {  	s8 =	sand.u32 $0x1E000, s26;
	s1 =	sor.u32 s30, s1;
	_ =	swait.ge [sflag:s10], $0x2000  }
0x82: {  	s0 =	sor.u32 s5, s0;
	s1 =	sshrl.u32 s1, $0x3;
	[sflag:s10] =	ssyncset.done $0x0  }
0x83: {  	s0 =	sshll.u32 s0, $0x11;
	s1 =	sadd.s32 s3, s1;
	[sflag:s10] =	ssyncadd.s32 $0xFFFFE000  }
0x84: {  	[hbm4b:s1+s4] =	stream.linear.scatter [tilespmem:s19], [sflag:$0x2], $0x2000, $0x38;
	[tilespmem:$0xA400] =	vst v63  }
0x85: {  	s0 =	sor.u32 s8, s0;
	_ =	swait.ge [sflag:s10], $0x2000  }
0x86: {  	s0 =	sshrl.u32 s0, $0x3;
	[sflag:s10] =	ssyncset.done $0x0  }
0x87: {  	s0 =	sadd.s32 s3, s0;
	[sflag:s10] =	ssyncadd.s32 $0xFFFFE000  }
0x88: {  	[hbm4b:s0+s4] =	stream.linear.scatter [tilespmem:s20], [sflag:$0x2], $0x2000, $0x38;
	[tilespmem:$0xA400] =	vst v63  }
0x89: {  	_ =	swait.ge [sflag:s10], $0x2000  }
0x8a: {  	[sflag:s10] =	ssyncset.done $0x0  }
0x8b: {  	[sflag:s10] =	ssyncadd.s32 $0xFFFFE000  }
0x8c: {  	[tilespmem:s4], [sflag:$0x2] =	stream.linear.gather [hbm4b:s25+s4], $0x40, $0x38;
	[tilespmem:$0xA400] =	vst v63  }
0x8d: {  	_ =	swait.ge [sflag:s10], $0x40  }
0x8e: {  	[sflag:s10] =	ssyncset.done $0x0  }
0x8f: {  	[sflag:s10] =	ssyncadd.s32 $0xFFFFFFC0  }
0x90: {  	v1 =	vld [tilespmem:$0x30]  }
0x91: {  	v2 =	vld [tilespmem:$0x20]  }
0x92: {  	v3 =	vld [tilespmem:$0x10]  }
0x93: {  	v4 =	vld [tilespmem:$0x0];
	_ =	sdelay $0x1  }
0x94: {  	v1 =	vadd.s32 v0, v1  }
0x95: {  	v2 =	vadd.s32 v0, v2;
	[tilespmem:$0x30] =	vst v1  }
0x96: {  	v1 =	vadd.s32 v0, v3;
	[tilespmem:$0x20] =	vst v2  }
0x97: {  	v2 =	vadd.s32 v0, v4;
	[tilespmem:$0x10] =	vst v1  }
0x98: {  	s9 =	sadd.s32 $0x8, s25;
	[tilespmem:$0x0] =	vst v2  }
0x99: {  	[tilespmem:s11], [sflag:$0x2] =	stream.linear.gather [hbm4b:s9+s4], $0x40, $0x38;
	[tilespmem:$0xA400] =	vst v63  }
0x9a: {  	_ =	swait.ge [sflag:s10], $0x40  }
0x9b: {  	[sflag:s10] =	ssyncset.done $0x0  }
0x9c: {  	[sflag:s10] =	ssyncadd.s32 $0xFFFFFFC0  }
0x9d: {  	v1 =	vld [tilespmem:$0x80]  }
0x9e: {  	v2 =	vld [tilespmem:$0x90]  }
0x9f: {  	v3 =	vld [tilespmem:$0xA0]  }
0xa0: {  	v60 =	vld [tilespmem:$0xB0];
	_ =	sdelay $0x1  }
0xa1: {  	v1 =	vadd.s32 v0, v1  }
0xa2: {  	[tilespmem:$0x80] =	vst v1;
	v1 =	vadd.s32 v0, v2  }
0xa3: {  	[tilespmem:$0x90] =	vst v1;
	v1 =	vadd.s32 v0, v3  }
0xa4: {  	[tilespmem:$0xA0] =	vst v1;
	v1 =	vadd.s32 v0, v60  }
0xa5: {  	s22 =	sadd.s32 $0x10, s25;
	[tilespmem:$0xB0] =	vst v1  }
0xa6: {  	[tilespmem:s12], [sflag:$0x2] =	stream.linear.gather [hbm4b:s22+s4], $0x40, $0x38;
	[tilespmem:$0xA400] =	vst v63  }
0xa7: {  	_ =	swait.ge [sflag:s10], $0x40  }
0xa8: {  	[sflag:s10] =	ssyncset.done $0x0  }
0xa9: {  	[sflag:s10] =	ssyncadd.s32 $0xFFFFFFC0  }
0xaa: {  	v1 =	vld [tilespmem:$0x120]  }
0xab: {  	v2 =	vld [tilespmem:$0x130]  }
0xac: {  	v3 =	vld [tilespmem:$0x100]  }
0xad: {  	v61 =	vld [tilespmem:$0x110];
	_ =	sdelay $0x1  }
0xae: {  	v1 =	vadd.s32 v0, v1  }
0xaf: {  	[tilespmem:$0x120] =	vst v1;
	v1 =	vadd.s32 v0, v2  }
0xb0: {  	v2 =	vadd.s32 v0, v3;
	[tilespmem:$0x130] =	vst v1  }
0xb1: {  	[tilespmem:$0x100] =	vst v2;
	v1 =	vadd.s32 v0, v61  }
0xb2: {  	s1 =	sadd.s32 $0x18, s25;
	[tilespmem:$0x110] =	vst v1  }
0xb3: {  	[tilespmem:s13], [sflag:$0x2] =	stream.linear.gather [hbm4b:s1+s4], $0x40, $0x38;
	[tilespmem:$0xA400] =	vst v63  }
0xb4: {  	_ =	swait.ge [sflag:s10], $0x40  }
0xb5: {  	[sflag:s10] =	ssyncset.done $0x0  }
0xb6: {  	[sflag:s10] =	ssyncadd.s32 $0xFFFFFFC0  }
0xb7: {  	v1 =	vld [tilespmem:$0x190]  }
0xb8: {  	v2 =	vld [tilespmem:$0x1B0]  }
0xb9: {  	v3 =	vld [tilespmem:$0x1A0]  }
0xba: {  	v62 =	vld [tilespmem:$0x180];
	_ =	sdelay $0x1  }
0xbb: {  	v1 =	vadd.s32 v0, v1  }
0xbc: {  	v2 =	vadd.s32 v0, v2;
	[tilespmem:$0x190] =	vst v1  }
0xbd: {  	v1 =	vadd.s32 v0, v3;
	[tilespmem:$0x1B0] =	vst v2  }
0xbe: {  	v3 =	vadd.s32 v0, v62;
	[tilespmem:$0x1A0] =	vst v1  }
0xbf: {  	s6 =	sadd.s32 $0x20, s25;
	[tilespmem:$0x180] =	vst v3  }
0xc0: {  	[tilespmem:s14], [sflag:$0x2] =	stream.linear.gather [hbm4b:s6+s4], $0x40, $0x38;
	[tilespmem:$0xA400] =	vst v63  }
0xc1: {  	_ =	swait.ge [sflag:s10], $0x40  }
0xc2: {  	[sflag:s10] =	ssyncset.done $0x0  }
0xc3: {  	[sflag:s10] =	ssyncadd.s32 $0xFFFFFFC0  }
0xc4: {  	v2 =	vld [tilespmem:$0x220]  }
0xc5: {  	v1 =	vld [tilespmem:$0x210]  }
0xc6: {  	v3 =	vld [tilespmem:$0x230]  }
0xc7: {  	v63 =	vld [tilespmem:$0x200];
	_ =	sdelay $0x1  }
0xc8: {  	v2 =	vadd.s32 v0, v2  }
0xc9: {  	v1 =	vadd.s32 v0, v1;
	[tilespmem:$0x220] =	vst v2  }
0xca: {  	v2 =	vadd.s32 v0, v3;
	[tilespmem:$0x210] =	vst v1  }
0xcb: {  	v3 =	vadd.s32 v0, v63;
	[tilespmem:$0x230] =	vst v2  }
0xcc: {  	[tilespmem:$0x200] =	vst v3  }
0xcd: {  	[tilespmem:s16], [sflag:$0x1] =	stream.indirect.gather [hbm4b:s2+s15], $0x80, s4, s15, $0xb8;
	[tilespmem:$0xA400] =	vst v63  }
0xce: {  	_ = 	snop  }
0xcf: {  	[tilespmem:s17], [sflag:$0x1] =	stream.indirect.gather [hbm4b:s2+s15], $0x80, s11, s15, $0xb8;
	[tilespmem:$0xA400] =	vst v63  }
0xd0: {  	_ = 	snop  }
0xd1: {  	[tilespmem:s18], [sflag:$0x1] =	stream.indirect.gather [hbm4b:s2+s15], $0x80, s12, s15, $0xb8;
	[tilespmem:$0xA400] =	vst v63  }
0xd2: {  	_ = 	snop  }
0xd3: {  	[tilespmem:s19], [sflag:$0x1] =	stream.indirect.gather [hbm4b:s2+s15], $0x80, s13, s15, $0xb8;
	[tilespmem:$0xA400] =	vst v63  }
0xd4: {  	_ = 	snop  }
0xd5: {  	[tilespmem:s20], [sflag:$0x1] =	stream.indirect.gather [hbm4b:s2+s15], $0x80, s14, s15, $0xb8;
	[tilespmem:$0xA400] =	vst v63  }
0xd6: {  	_ =	swait.ge [sflag:s21], $0x2000  }
0xd7: {  	[sflag:s21] =	ssyncset.done $0x0  }
0xd8: {  	[sflag:s21] =	ssyncadd.s32 $0xFFFFE000  }
0xd9: {  	_ =	swait.ge [sflag:s21], $0x2000  }
0xda: {  	[sflag:s21] =	ssyncset.done $0x0  }
0xdb: {  	[sflag:s21] =	ssyncadd.s32 $0xFFFFE000  }
0xdc: {  	_ =	swait.ge [sflag:s21], $0x2000  }
0xdd: {  	s29 =	smov.u32 s23;
	p0 =	sne.s32 s23, $0x5F;
	[sflag:s21] =	ssyncset.done $0x0  }
0xde: {  	s23 =	sadd.s32 $0x5, s23;
	s26 =	smov.u32 s24;
	[sflag:s21] =	ssyncadd.s32 $0xFFFFE000  }
0xdf: {  	s28 =	sadd.s32 $0x1400, s28;
	s7 =	sadd.s32 $0xFFFFC000, s24;
	_ =	swait.ge [sflag:s21], $0x2000  }
0xe0: {  	s31 =	sand.u32 $0x1E000, s7;
	s8 =	sadd.s32 $0xFFFFA000, s26;
	[sflag:s21] =	ssyncset.done $0x0  }
0xe1: {  	s7 =	sand.u32 $0x1E000, s8;
	s25 =	sadd.s32 $0x28, s25;
	[sflag:s21] =	ssyncadd.s32 $0xFFFFE000  }
0xe2: {  	s9 =	sadd.s32 $0xFFFFE000, s24;
	s24 =	sadd.s32 $0xA000, s24;
	_ =	swait.ge [sflag:s21], $0x2000  }
0xe3: {  	s30 =	sand.u32 $0x1E000, s9;
	s22 =	sand.u32 $0x3C00, s28;
	s0 =	rddreg [dreg:$0x4]  }
0xe4: {  	s6 =	sadd.s32 s3, s22;
	[sflag:s21] =	ssyncset.done $0x0;
	s0 =	sadd.s32 s29, s0  }
0xe5: {  	[sflag:s21] =	ssyncadd.s32 $0xFFFFE000;
	s9 =	sshrl.u32 s0, $0x4;
	s29 =	sadd.s32 $0x1, s0  }
0xe6: {  	s8 =	sadd.s32 $0x2, s0;
	s1 =	smul.u32 $0xC, s9;
	s29 =	sshrl.u32 s29, $0x4  }
0xe7: {  	s8 =	sshrl.u32 s8, $0x4;
	s9 =	sadd.s32 $0x3, s0;
	s29 =	smul.u32 $0xC, s29  }
.Ltmp0:
0xe8: {  	s0 =	sadd.s32 $0x4, s0;
	s22 =	sor.u32 s5, s1;
	(pc) =	sbr.rel @p0 .LBB2_2-.Ltmp0, $4  }
0xe9: {  	s1 =	sshrl.u32 s9, $0x4;
	s9 =	sshll.u32 s22, $0xE;
	s22 =	sor.u32 s5, s29  }
0xea: {  	s8 =	smul.u32 $0xC, s8;
	s6 =	sadd.s32 s9, s6;
	s22 =	sshll.u32 s22, $0x11  }
0xeb: {  	[hbm4b:s6+s4] =	stream.linear.scatter [tilespmem:s16], [sflag:$0x2], $0x2000, $0x38;
	[tilespmem:$0xA400] =	vst v63  }
0xec: {  	s29 =	sor.u32 s7, s22;
	s6 =	sor.u32 s5, s8;
	_ =	swait.ge [sflag:s10], $0x2000  }
0xed: {  	[sflag:s10] =	ssyncset.done $0x0  }
0xee: {  	s7 =	sshrl.u32 s29, $0x3;
	s6 =	sshll.u32 s6, $0x11;
	s1 =	smul.u32 $0xC, s1  }
0xef: {  	s0 =	sshrl.u32 s0, $0x4;
	[sflag:s10] =	ssyncadd.s32 $0xFFFFE000;
	s7 =	sadd.s32 s3, s7  }
0xf0: {  	[hbm4b:s7+s4] =	stream.linear.scatter [tilespmem:s17], [sflag:$0x2], $0x2000, $0x38;
	[tilespmem:$0xA400] =	vst v63  }
0xf1: {  	s6 =	sor.u32 s31, s6;
	s0 =	smul.u32 $0xC, s0;
	_ =	swait.ge [sflag:s10], $0x2000  }
0xf2: {  	s6 =	sshrl.u32 s6, $0x3;
	s1 =	sor.u32 s5, s1;
	[sflag:s10] =	ssyncset.done $0x0  }
0xf3: {  	s6 =	sadd.s32 s3, s6;
	s1 =	sshll.u32 s1, $0x11;
	[sflag:s10] =	ssyncadd.s32 $0xFFFFE000  }
0xf4: {  	[hbm4b:s6+s4] =	stream.linear.scatter [tilespmem:s18], [sflag:$0x2], $0x2000, $0x38;
	[tilespmem:$0xA400] =	vst v63  }
0xf5: {  	s29 =	sand.u32 $0x1E000, s26;
	s1 =	sor.u32 s30, s1;
	_ =	swait.ge [sflag:s10], $0x2000  }
0xf6: {  	s0 =	sor.u32 s5, s0;
	s1 =	sshrl.u32 s1, $0x3;
	[sflag:s10] =	ssyncset.done $0x0  }
0xf7: {  	s0 =	sshll.u32 s0, $0x11;
	s1 =	sadd.s32 s3, s1;
	[sflag:s10] =	ssyncadd.s32 $0xFFFFE000  }
0xf8: {  	[hbm4b:s1+s4] =	stream.linear.scatter [tilespmem:s19], [sflag:$0x2], $0x2000, $0x38;
	[tilespmem:$0xA400] =	vst v63  }
0xf9: {  	s0 =	sor.u32 s29, s0;
	_ =	swait.ge [sflag:s10], $0x2000  }
0xfa: {  	s0 =	sshrl.u32 s0, $0x3;
	[sflag:s10] =	ssyncset.done $0x0  }
0xfb: {  	s0 =	sadd.s32 s3, s0;
	[sflag:s10] =	ssyncadd.s32 $0xFFFFE000  }
0xfc: {  	[hbm4b:s0+s4] =	stream.linear.scatter [tilespmem:s20], [sflag:$0x2], $0x2000, $0x38;
	[tilespmem:$0xA400] =	vst v63  }
0xfd: {  	_ =	swait.ge [sflag:s10], $0x2000  }
0xfe: {  	s30 =	rddreg [dreg:$0x9]  }
0xff: {  	s31 =	rddreg [dreg:$0x5];
	s1 =	sadd.s32 $0x1, s30  }
0x100: {  	p0 =	sne.s32 s1, s31  }
.Ltmp1:
0x101: {  	_ = 	snop;
	(pc) =	sbr.rel @p0 .LBB2_1-.Ltmp1, $3  }
0x102: {  	_ =	sdelay $0x1  }
0x103: {  	[sflag:s10] =	ssyncset.done $0x0  }
0x104: {  	[sflag:s10] =	ssyncadd.s32 $0xFFFFE000  }
0x105: {  	_ =	sfence.sel $0x180000  }
0x106: {  	[bflag:$0x0] =	sbarrier.arrive $0xFFFF  }
0x107: {  	_ =	strace $0x9000004A  }
0x108: {  	s0 =	stileid.u32;
	[bflag:$0x2] =	sbarrier.arrive $0xFFFF  }
0x109: {  	p0 =	sne.s32 s0, $0x0;
	s0 =	rddreg [dreg:$0x3]  }
0x10a: {  	s0 =	sadd.s32 @!p0 $0x100000, s0  }
0x10b: {  	[sflag:s0] =	ssyncadd.tile.s32 @!p0 $0x1;
	_ =	shalt  }
.Lfunc_end2:
_tile_overlayer_lowered:
.L_overlay_start_2:
0x10c: {  	(tag) =	ssettag $0x2  }
0x10d: {  	s0 =	rddreg [dreg:$0x0];
	s2 =	stileid.u32  }
0x10e: {  	s1 =	rddreg [dreg:$0x1];
	p0 =	sne.s32 s2, $0x0  }
0x10f: {  	s3 =	rddreg [dreg:$0x2];
	[bflag:$0x3] =	sbarrier.arrive $0xFFFF;
	s2 =	simm.s32 @!p0 $0x1C02  }
0x110: {  	[timem:s3], [sflag:s2] =	dma.local @!p0 [hbm:s0], s1  }
0x111: {  	s0 =	simm.s32 @!p0 $0x2  }
0x112: {  	_ =	swait.ge @!p0 [sflag:s0], s1  }
0x113: {  	s1 =	ssub.s32 @!p0 $0x0, s1;
	[sflag:s0] =	ssyncset.done @!p0 $0x0  }
0x114: {  	[sflag:s0] =	ssyncadd.s32 @!p0 s1  }
0x115: {  	[bflag:$0x3] =	sbarrier.arrive $0xFFFF  }
0x116: {  	_ =	shalt  }

// kernel: kernel.8.cloned.1.call-start
scs
__scs_entry_jumppad:
0x0: {  	(pc) =	sbr.rel $0x88, $3  }
0x1: {  	(tag) =	ssettag $0x0;
	lr =	simm.s32 $0x1  }
0x2: {  	[smem:$0x3F8F] =	sst lr;
	_ =	strace $0xD0000000  }
0x3: {  	_ = 	snop  }
0x4: {  	_ = 	snop  }
0x5: {  	_ = 	snop  }
0x6: {  	_ = 	snop  }
0x7: {  	_ = 	snop  }
__scs_overlays_trampoline_lowered:
0x8: {  	[smem:$0x3F9E] =	sst s0  }
0x9: {  	[smem:$0x3F9F] =	sst s1  }
0xa: {  	[smem:$0x3FA0] =	sst s2  }
0xb: {  	[smem:$0x3FA1] =	sst s3  }
0xc: {  	[smem:$0x3FA2] =	sst s4  }
0xd: {  	[smem:$0x3FA3] =	sst s5  }
0xe: {  	[smem:$0x3FA4] =	sst s6  }
0xf: {  	[smem:$0x3FA5] =	sst s7  }
0x10: {  	[smem:$0x3FA6] =	sst s8  }
0x11: {  	[smem:$0x3FA7] =	sst s9;
	s0 =	simm.s32 @!p0 $0x0  }
0x12: {  	s1 =	sld [smem:$0x3F8D];
	s0 =	simm.s32 @p0 $0x1  }
0x13: {  	[smem:$0x3FA8] =	sst s0;
	s0 =	simm.s32 @!p1 $0x0  }
0x14: {  	s2 =	sld [smem:$0x3F8C];
	s0 =	simm.s32 @p1 $0x1  }
0x15: {  	[smem:$0x3FA9] =	sst s0;
	s0 =	simm.s32 @!p2 $0x0  }
0x16: {  	s3 =	sld [smem:$0x3FDB];
	s0 =	simm.s32 @p2 $0x1  }
0x17: {  	s4 =	simm.s32 $0x1BF5;
	[smem:$0x3FAB] =	sst s0  }
0x18: {  	s0 =	sld [smem:$0x3F8E];
	_ =	swait.ge [sflag:s4], $0x0  }
0x19: {  	s7 =	sld [smem:$0x3F8F]  }
0x1a: {  	s8 =	sadd.s32 $0xFFFFE003, lr  }
0x1b: {  	s9 =	sadd.s32 $0xFFFFFEF7, lr;
	s5 =	simm.s32 $0xFFFFFFFF;
	p2 =	slt.u32 s8, $0xFFFFF086  }
0x1c: {  	p1 =	slt.u32 s9, $0xF7A;
	s5 =	simm.s32 @!p2 $0x0  }
0x1d: {  	s5 =	simm.s32 @p1 $0x1;
	p0 =	seq.s32 s7, s2  }
0x1e: {  	s7 =	smul.u32 @!p0 $0xF7A, s2;
	p2 =	seq.s32 @!p0 s5, $0x0  }
0x1f: {  	s9 =	smul.u32 $0xF7A, s1;
	s8 =	simm.s32 @!p0 $0x1BF5;
	p2 =	por !p2, p0  }
0x20: {  	[sflag:s8] =	ssyncset.s32 @!p0 $0xFFFFF086;
	s6 =	sadd.s32 @!p0 s3, s7;
	s7 =	simm.s32 @!p0 $0x108  }
0x21: {  	s3 =	sadd.s32 s3, s9;
	s6 =	sadd.s32 @!p0 $0x88, s6;
	s7 =	simm.s32 @p2 $0x1082  }
0x22: {  	[simem:s7], [sflag:s8] =	dma.local @!p0 [hbm:s6], $0xF7A  }
0x23: {  	s9 =	sor.u32 $0xD0000000, s2;
	s6 =	simm.s32 $0x108;
	_ =	swait.ge @!p0 [sflag:s8], $0x0  }
0x24: {  	s3 =	sadd.s32 $0x88, s3;
	s6 =	simm.s32 @!p1 $0x1082;
	[sflag:s4] =	ssyncset.s32 $0xFFFFF086  }
0x25: {  	[simem:s6], [sflag:s4] =	dma.local [hbm:s3], $0xF7A  }
0x26: {  	[smem:$0x3F8F] =	sst s1;
	(tag) =	ssettag s2;
	_ =	strace s9  }
0x27: {  	s1 =	sld [smem:$0x3F9F]  }
0x28: {  	s2 =	sld [smem:$0x3FA0]  }
0x29: {  	s4 =	sld [smem:$0x3FA2]  }
0x2a: {  	p0 =	seq.s32 s5, $0x0;
	s5 =	sld [smem:$0x3FA3]  }
0x2b: {  	s6 =	sld [smem:$0x3FA4]  }
0x2c: {  	s7 =	sld [smem:$0x3FA5]  }
0x2d: {  	s3 =	simm.s32 $0x108;
	s8 =	sld [smem:$0x3FA6]  }
0x2e: {  	s3 =	simm.s32 @!p0 $0x1082;
	s9 =	sld [smem:$0x3FA7]  }
0x2f: {  	lr =	sadd.s32 s0, s3;
	s0 =	sld [smem:$0x3F9E]  }
0x30: {  	s3 =	sld [smem:$0x3FA1]  }
0x31: {  	[smem:$0x3FAA] =	sst s10  }
0x32: {  	s10 =	sld [smem:$0x3FA8];
	_ =	sdelay $0x3  }
0x33: {  	p0 =	seq.s32 s10, $0x1;
	s10 =	sld [smem:$0x3FAA];
	_ =	sdelay $0x3  }
0x34: {  	[smem:$0x3FAA] =	sst s10  }
0x35: {  	s10 =	sld [smem:$0x3FA9];
	_ =	sdelay $0x3  }
0x36: {  	p1 =	seq.s32 s10, $0x1;
	s10 =	sld [smem:$0x3FAA];
	_ =	sdelay $0x3  }
0x37: {  	[smem:$0x3FAA] =	sst s10  }
0x38: {  	s10 =	sld [smem:$0x3FAB]  }
0x39: {  	_ = 	snop;
	(pc) =	sbr.ind lr, $3  }
0x3a: {  	_ = 	snop  }
0x3b: {  	_ = 	snop  }
0x3c: {  	p2 =	seq.s32 s10, $0x1;
	s10 =	sld [smem:$0x3FAA]  }
0x3d: {  	_ =	shalt  }
0x3e: {  	_ =	shalt  }
0x3f: {  	_ =	shalt  }
0x40: {  	_ =	shalt  }
0x41: {  	_ =	shalt  }
0x42: {  	_ =	shalt  }
0x43: {  	_ =	shalt  }
0x44: {  	_ =	shalt  }
0x45: {  	_ =	shalt  }
0x46: {  	_ =	shalt  }
0x47: {  	_ =	shalt  }
0x48: {  	_ =	shalt  }
0x49: {  	_ =	shalt  }
0x4a: {  	_ =	shalt  }
0x4b: {  	_ =	shalt  }
0x4c: {  	_ =	shalt  }
0x4d: {  	_ =	shalt  }
0x4e: {  	_ =	shalt  }
0x4f: {  	_ =	shalt  }
0x50: {  	_ =	shalt  }
0x51: {  	_ =	shalt  }
0x52: {  	_ =	shalt  }
0x53: {  	_ =	shalt  }
0x54: {  	_ =	shalt  }
0x55: {  	_ =	shalt  }
0x56: {  	_ =	shalt  }
0x57: {  	_ =	shalt  }
0x58: {  	_ =	shalt  }
0x59: {  	_ =	shalt  }
0x5a: {  	_ =	shalt  }
0x5b: {  	_ =	shalt  }
0x5c: {  	_ =	shalt  }
0x5d: {  	_ =	shalt  }
0x5e: {  	_ =	shalt  }
0x5f: {  	_ =	shalt  }
0x60: {  	_ =	shalt  }
0x61: {  	_ =	shalt  }
0x62: {  	_ =	shalt  }
0x63: {  	_ =	shalt  }
0x64: {  	_ =	shalt  }
0x65: {  	_ =	shalt  }
0x66: {  	_ =	shalt  }
0x67: {  	_ =	shalt  }
0x68: {  	_ =	shalt  }
0x69: {  	_ =	shalt  }
0x6a: {  	_ =	shalt  }
0x6b: {  	_ =	shalt  }
0x6c: {  	_ =	shalt  }
0x6d: {  	_ =	shalt  }
0x6e: {  	_ =	shalt  }
0x6f: {  	_ =	shalt  }
0x70: {  	_ =	shalt  }
0x71: {  	_ =	shalt  }
0x72: {  	_ =	shalt  }
0x73: {  	_ =	shalt  }
0x74: {  	_ =	shalt  }
0x75: {  	_ =	shalt  }
0x76: {  	_ =	shalt  }
0x77: {  	_ =	shalt  }
0x78: {  	_ =	shalt  }
0x79: {  	_ =	shalt  }
0x7a: {  	_ =	shalt  }
0x7b: {  	_ =	shalt  }
0x7c: {  	_ =	shalt  }
0x7d: {  	_ =	shalt  }
0x7e: {  	_ =	shalt  }
0x7f: {  	_ =	shalt  }
0x80: {  	_ =	shalt  }
0x81: {  	_ =	shalt  }
0x82: {  	_ =	shalt  }
0x83: {  	_ =	shalt  }
0x84: {  	_ =	shalt  }
0x85: {  	_ =	shalt  }
0x86: {  	_ =	shalt  }
0x87: {  	_ =	shalt  }
.Lfunc_end0:
.L_simem_size_0:
called_computation_lowered:
.L_overlay_start_0:
0x88: {  	s2 =	sld [smem:$0x3FD9]  }
0x89: {  	s3 =	sld [smem:$0x3FFE];
	_ =	sdelay $0x1  }
0x8a: {  	s1 =	srdreg.scid  }
0x8b: {  	s0 =	sand.u32 $0x1, s1  }
0x8c: {  	s14 =	sshll.u32 s0, $0xA;
	s2 =	sadd.s32 s3, s2  }
0x8d: {  	s2 =	sadd.s32 s2, s14  }
0x8e: {  	[smem:$0x3FB6] =	sst s2  }
0x8f: {  	_ = 	snop  }
0x90: {  	s2 =	sld [smem:$0x3FD0];
	_ =	sdelay $0x1  }
0x91: {  	s15 =	sld [smem:$0x3FC2]  }
0x92: {  	s5 =	simm.s32 $0xB;
	s6 =	simm.s32 $0x10;
	s4 =	sld [smem:$0x3FC0]  }
0x93: {  	[smem:s6], [sflag:s5] =	dma.local [hbm:s2], $0x1  }
0x94: {  	_ =	swait.eq [sflag:s5], $0x1  }
0x95: {  	[sflag:s5] =	ssyncset.done $0x0  }
0x96: {  	[sflag:s5] =	ssyncadd.s32 $0xFFFFFFFF  }
0x97: {  	s16 =	sld [smem:$0x10];
	(tm) =	ssettm $0x1  }
0x98: {  	s17 =	sld [smem:$0x3FFB];
	_ =	sdelay $0x3  }
0x99: {  	_ =	strace s17  }
0x9a: {  	s5 =	sld [smem:$0x3FFC];
	_ =	sdelay $0x3  }
0x9b: {  	_ =	strace s5  }
0x9c: {  	s5 =	sld [smem:$0x3FFD];
	_ =	sdelay $0x3  }
0x9d: {  	_ =	strace s5  }
0x9e: {  	_ =	strace $0x8FFFFFFF  }
0x9f: {  	s18 =	sld [smem:$0x3FDB];
	_ =	sdelay $0x1  }
0xa0: {  	s19 =	simm.s32 $_scs_section_size  }
0xa1: {  	s7 =	simm.s32 $_size__tile_overlayer_lowered;
	s8 =	simm.s32 $_tile_overlayer_lowered  }
0xa2: {  	s22 =	simm.s32 $0x1BFF;
	s21 =	sshll.u32 s8, $0x1;
	s5 =	sadd.s32 s19, s18  }
0xa3: {  	s9 =	simm.s32 $0x0;
	s20 =	sshll.u32 s7, $0x1;
	s7 =	sadd.s32 s21, s5  }
0xa4: {  	[timem:s9], [sflag:s22] =	dma.local [hbm:s7], s20  }
0xa5: {  	_ =	swait.ge [sflag:s22], s20  }
0xa6: {  	s6 =	ssub.s32 $0x0, s20;
	[sflag:s22] =	ssyncset.done $0x0  }
0xa7: {  	[sflag:s22] =	ssyncadd.s32 s6;
	_ =	sdelay $0x1  }
0xa8: {  	s23 =	simm.s32 $0x1B8B  }
0xa9: {  	_ =	swait.ge [sflag:s23], $0x1  }
0xaa: {  	[sflag:s23] =	ssyncset.done $0x0  }
0xab: {  	s25 =	simm.s32 $0x1B8E;
	s24 =	sld [smem:$0x3FFE];
	[sflag:s23] =	ssyncadd.s32 $0xFFFFFFFF  }
0xac: {  	s26 =	simm.s32 $execute0_lowered;
	[smem:$0x3FD2] =	sst s25  }
0xad: {  	s7 =	sshll.u32 s26, $0x1;
	_ =	strace $0x80000046;
	[dreg:$0x1] =	wrdreg $0xFFFFFFFF  }
0xae: {  	s28 =	simm.s32 $_size_execute0_lowered;
	s5 =	sadd.s32 s5, s7;
	[dreg:$0x0] =	wrdreg $0x0  }
0xaf: {  	s7 =	sshll.u32 s28, $0x1;
	[dreg:$0x2] =	wrdreg s5  }
0xb0: {  	[dreg:$0x3] =	wrdreg s7  }
0xb1: {  	[dreg:$0x4] =	wrdreg $0xC0  }
0xb2: {  	_ =	task [dreg:s9], $0x5FFFF  }
0xb3: {  	[dreg:$0x1] =	wrdreg $0xFFFFFFFF  }
0xb4: {  	[dreg:$0x0] =	wrdreg $0x60  }
0xb5: {  	[dreg:$0x2] =	wrdreg s24  }
0xb6: {  	[dreg:$0x3] =	wrdreg s4  }
0xb7: {  	[dreg:$0x4] =	wrdreg s15  }
0xb8: {  	[dreg:$0x5] =	wrdreg s16  }
0xb9: {  	[dreg:$0x6] =	wrdreg $0x9  }
0xba: {  	_ =	task.clear_ibuf [dreg:s9], $0x7FFFF;
	_ =	strace $0x90000046  }
0xbb: {  	s29 =	simm.s32 $0x9;
	_ =	strace $0x80000048  }
0xbc: {  	_ =	swait.ge [sflag:s29], $0x1  }
0xbd: {  	[sflag:s29] =	ssyncadd.s32 $0xFFFFFFFF  }
0xbe: {  	_ =	strace $0x90000048  }
0xbf: {  	_ =	sfence  }
0xc0: {  	s30 =	sld [smem:$0x0];
	_ =	sdelay $0x2  }
0xc1: {  	s31 =	sshll.u32 s1, $0xD;
	s1 =	sshrl.u32 s1, $0x2  }
0xc2: {  	s3 =	sand.u32 $0x4000, s31;
	s1 =	sadd.s32 s1, s30  }
0xc3: {  	s0 =	sor.u32 s3, s0;
	s1 =	sshll.u32 s1, $0x11  }
0xc4: {  	s0 =	sor.u32 s1, s0  }
0xc5: {  	s0 =	sadd.s32 $0x8F2B, s0  }
0xc6: {  	[sflag:s0] =	ssyncadd.remote.s32 $0x1  }
0xc7: {  	_ =	sfence.sel $0xFFFF  }
0xc8: {  	[dreg:$0x0] =	wrdreg $0xFFFFFFFF;
	(pc) =	sbr.abs _section_cstart, $3  }
0xc9: {  	[dreg:$0x1] =	wrdreg $0xFFFFFFFF  }
0xca: {  	_ =	task.clear_ibuf [dreg:s9], $0x2FFFF;
	_ =	strace $0x9FFFFFFF  }
0xcb: {  	(tm) =	ssettm $0x7FFFFFFF  }
tec
execute0_lowered:
.L_overlay_start_1:
0x0: {  	(tag) =	ssettag $0x1  }
0x1: {  	s5 =	rddreg [dreg:$0x0]  }
0x2: {  	s1 =	rddreg [dreg:$0x1]  }
0x3: {  	s2 =	rddreg [dreg:$0x2]  }
0x4: {  	s8 =	rddreg [dreg:$0x3]  }
0x5: {  	s0 =	rddreg [dreg:$0x4];
	s3 =	simm.s32 $0x0  }
0x6: {  	s6 =	srdreg.scid;
	s4 =	stileid.u32;
	s18 =	simm.s32 $0x80  }
0x7: {  	s19 =	simm.s32 $0x40;
	[smem:$0x7FF] =	sst s3;
	s12 =	sadd.s32 $0x2800, s5  }
0x8: {  	s9 =	sand.u32 $0x1, s6;
	s20 =	smul.u32 $0x19000, s4;
	s10 =	sshll.u32 s4, $0x1  }
0x9: {  	s11 =	sadd.s32 $0x5A00, s5;
	s16 =	smul.u32 $0xC80, s4;
	_ =	strace $0x80000047  }
0xa: {  	s7 =	ssub.s32 $0x2, s9;
	s10 =	sor.u32 s9, s10;
	s17 =	smul.u32 $0x640, s9  }
0xb: {  	s26 =	smul.u32 $0xC800, s9;
	s13 =	sshrl.u32 s7, $0x1;
	s14 =	sadd.s32 s20, s5  }
0xc: {  	s21 =	sshll.u32 s10, $0x5;
	s22 =	sshll.u32 s10, $0x2;
	s23 =	sshll.u32 s10, $0x9  }
0xd: {  	s20 =	simm.s32 $0x100;
	s13 =	ssub.s32 s7, s13;
	s15 =	sor.u32 $0x400, s21  }
0xe: {  	s5 =	sadd.s32 s11, s22;
	s6 =	sadd.s32 s8, s23;
	s28 =	sadd.s32 s17, s16  }
0xf: {  	s16 =	simm.s32 $0x4180;
	s17 =	simm.s32 $0x1;
	s21 =	simm.s32 $0x2100  }
0x10: {  	s22 =	simm.s32 $0x400;
	s23 =	simm.s32 $0x800;
	s24 =	sshrl.u32 s15, $0x3  }
0x11: {  	s25 =	sshll.u32 s15, $0x4;
	s9 =	smax.u32 s13, $0x1;
	s29 =	sadd.s32 $0xC800, s28  }
0x12: {  	s30 =	sshrl.u32 s28, $0x3;
	s13 =	simm.s32 $0x4100;
	s15 =	simm.s32 $0x20  }
0x13: {  	s7 =	sadd.s32 s11, s24;
	s8 =	sadd.s32 s8, s25;
	s11 =	sadd.s32 s26, s14  }
0x14: {  	s31 =	sshrl.u32 s29, $0x3;
	s14 =	simm.s32 $0x2;
	s24 =	simm.s32 $0x0  }
0x15: {  	s10 =	sadd.s32 $0x5C80, s11;
	s11 =	sadd.s32 s30, s12;
	s12 =	sadd.s32 s31, s12  }
.LBB2_1:
0x16: {  	[tilespmem:s13], [sflag:$0x2] =	stream.linear.gather [hbm4b:s5+s3], $0x20, $0x38;
	[tilespmem:$0x5180] =	vst v63  }
0x17: {  	_ =	swait.ge [sflag:s14], $0x20  }
0x18: {  	[sflag:s14] =	ssyncset.done $0x0  }
0x19: {  	[sflag:s14] =	ssyncadd.s32 $0xFFFFFFE0  }
0x1a: {  	[tilespmem:s16], [sflag:$0x1] =	stream.indirect.gather [hbm4b:s2+s15], $0x80, s13, s15, $0xb8;
	[tilespmem:$0x5180] =	vst v63  }
0x1b: {  	_ =	swait.ge [sflag:s17], $0x1000  }
0x1c: {  	[sflag:s17] =	ssyncset.done $0x0  }
0x1d: {  	[sflag:s17] =	ssyncadd.s32 $0xFFFFF000  }
0x1e: {  	[hbm4b:s6+s3] =	stream.linear.scatter [tilespmem:s16], [sflag:$0x2], $0x1000, $0x38;
	[tilespmem:$0x5180] =	vst v63  }
0x1f: {  	_ =	swait.ge [sflag:s14], $0x1000  }
0x20: {  	[sflag:s14] =	ssyncset.done $0x0  }
0x21: {  	[sflag:s14] =	ssyncadd.s32 $0xFFFFF000  }
0x22: {  	[tilespmem:s13], [sflag:$0x2] =	stream.linear.gather [hbm4b:s7+s3], $0x20, $0x38;
	[tilespmem:$0x5180] =	vst v63  }
0x23: {  	_ =	swait.ge [sflag:s14], $0x20  }
0x24: {  	[sflag:s14] =	ssyncset.done $0x0  }
0x25: {  	[sflag:s14] =	ssyncadd.s32 $0xFFFFFFE0  }
0x26: {  	v0 =	vld [tilespmem:$0x4100]  }
0x27: {  	v1 =	vld [tilespmem:$0x4110];
	_ =	sdelay $0x3  }
0x28: {  	v0 =	vadd.s32 $0x186A0, v0  }
0x29: {  	v59 =	vadd.s32 $0x186A0, v1;
	[tilespmem:$0x4100] =	vst v0  }
0x2a: {  	[tilespmem:$0x4110] =	vst v59  }
0x2b: {  	[tilespmem:s16], [sflag:$0x1] =	stream.indirect.gather [hbm4b:s2+s15], $0x80, s13, s15, $0xb8;
	[tilespmem:$0x5180] =	vst v63  }
0x2c: {  	_ =	swait.ge [sflag:s17], $0x1000  }
0x2d: {  	[sflag:s17] =	ssyncset.done $0x0  }
0x2e: {  	[sflag:s17] =	ssyncadd.s32 $0xFFFFF000  }
0x2f: {  	[hbm4b:s8+s3] =	stream.linear.scatter [tilespmem:s16], [sflag:$0x2], $0x1000, $0x38;
	[tilespmem:$0x5180] =	vst v63  }
0x30: {  	_ =	swait.ge [sflag:s14], $0x1000  }
0x31: {  	[sflag:s14] =	ssyncset.done $0x0  }
0x32: {  	s25 =	sadd.s32 $0x0, s11;
	[sflag:s14] =	ssyncadd.s32 $0xFFFFF000  }
0x33: {  	[tilespmem:s3], [sflag:$0x2] =	stream.linear.gather [hbm4b:s25+s3], $0x40, $0x38;
	[tilespmem:$0x5180] =	vst v63  }
0x34: {  	_ =	swait.ge [sflag:s14], $0x40  }
0x35: {  	[sflag:s14] =	ssyncset.done $0x0  }
0x36: {  	s30 =	sadd.s32 $0x0, s12;
	[sflag:s14] =	ssyncadd.s32 $0xFFFFFFC0  }
0x37: {  	[tilespmem:s18], [sflag:$0x2] =	stream.linear.gather [hbm4b:s30+s3], $0x40, $0x38;
	[tilespmem:$0x5180] =	vst v63  }
0x38: {  	_ =	swait.ge [sflag:s14], $0x40  }
0x39: {  	[sflag:s14] =	ssyncset.done $0x0  }
0x3a: {  	[sflag:s14] =	ssyncadd.s32 $0xFFFFFFC0  }
0x3b: {  	v60 =	vld [tilespmem:$0xB0]  }
0x3c: {  	v61 =	vld [tilespmem:$0x80]  }
0x3d: {  	v2 =	vld [tilespmem:$0xA0]  }
0x3e: {  	v3 =	vld [tilespmem:$0x90];
	_ =	sdelay $0x1  }
0x3f: {  	v0 =	vadd.s32 $0x3E8, v60  }
0x40: {  	v1 =	vadd.s32 $0x3E8, v61;
	[tilespmem:$0xB0] =	vst v0  }
0x41: {  	v62 =	vadd.s32 $0x3E8, v2;
	[tilespmem:$0x80] =	vst v1  }
0x42: {  	v63 =	vadd.s32 $0x3E8, v3;
	[tilespmem:$0xA0] =	vst v62  }
0x43: {  	[tilespmem:$0x90] =	vst v63  }
0x44: {  	[tilespmem:s20], [sflag:$0x1] =	stream.indirect.gather [hbm4b:s1+s19], $0x80, s3, s19, $0xb8;
	[tilespmem:$0x5180] =	vst v63  }
0x45: {  	_ = 	snop  }
0x46: {  	[tilespmem:s21], [sflag:$0x1] =	stream.indirect.gather [hbm4b:s1+s19], $0x80, s18, s19, $0xb8;
	[tilespmem:$0x5180] =	vst v63  }
0x47: {  	_ =	swait.ge [sflag:s17], $0x2000  }
0x48: {  	[sflag:s17] =	ssyncset.done $0x0  }
0x49: {  	[sflag:s17] =	ssyncadd.s32 $0xFFFFE000  }
0x4a: {  	_ =	swait.ge [sflag:s17], $0x2000  }
0x4b: {  	[sflag:s17] =	ssyncset.done $0x0  }
0x4c: {  	s31 =	sadd.s32 $0xFFFFFF80, s10;
	[sflag:s17] =	ssyncadd.s32 $0xFFFFE000  }
0x4d: {  	[hbm4b:s31+s22] =	stream.strided.scatter [tilespmem:s20], [sflag:$0x1], $0x2000, s23, s22, $0x38;
	[tilespmem:$0x5180] =	vst v63  }
0x4e: {  	_ = 	snop  }
0x4f: {  	[hbm4b:s10+s22] =	stream.strided.scatter [tilespmem:s21], [sflag:$0x1], $0x2000, s23, s22, $0x38;
	[tilespmem:$0x5180] =	vst v63  }
0x50: {  	_ =	swait.ge [sflag:s17], $0x2000  }
0x51: {  	s26 =	smov.u32 s10;
	s25 =	simm.s32 $0x8;
	[sflag:s17] =	ssyncset.done $0x0  }
.LBB2_2:
0x52: {  	p0 =	sne.s32 s25, $0xC0;
	[sflag:s17] =	ssyncadd.s32 $0xFFFFE000;
	s26 =	sadd.s32 $0x800, s26  }
0x53: {  	s28 =	smov.u32 s25;
	s25 =	sadd.s32 $0x8, s25;
	_ =	swait.ge [sflag:s17], $0x2000  }
0x54: {  	[sflag:s17] =	ssyncset.done $0x0  }
0x55: {  	s29 =	sadd.s32 s28, s11;
	[sflag:s17] =	ssyncadd.s32 $0xFFFFE000  }
0x56: {  	[tilespmem:s3], [sflag:$0x2] =	stream.linear.gather [hbm4b:s29+s3], $0x40, $0x38;
	[tilespmem:$0x5180] =	vst v63  }
0x57: {  	_ =	swait.ge [sflag:s14], $0x40  }
0x58: {  	[sflag:s14] =	ssyncset.done $0x0  }
0x59: {  	s28 =	sadd.s32 s28, s12;
	[sflag:s14] =	ssyncadd.s32 $0xFFFFFFC0  }
0x5a: {  	[tilespmem:s18], [sflag:$0x2] =	stream.linear.gather [hbm4b:s28+s3], $0x40, $0x38;
	[tilespmem:$0x5180] =	vst v63  }
0x5b: {  	_ =	swait.ge [sflag:s14], $0x40  }
0x5c: {  	[sflag:s14] =	ssyncset.done $0x0  }
0x5d: {  	[sflag:s14] =	ssyncadd.s32 $0xFFFFFFC0  }
0x5e: {  	v0 =	vld [tilespmem:$0xB0]  }
0x5f: {  	v1 =	vld [tilespmem:$0x80]  }
0x60: {  	v2 =	vld [tilespmem:$0xA0]  }
0x61: {  	v3 =	vld [tilespmem:$0x90];
	_ =	sdelay $0x1  }
0x62: {  	v0 =	vadd.s32 $0x3E8, v0  }
0x63: {  	v1 =	vadd.s32 $0x3E8, v1;
	[tilespmem:$0xB0] =	vst v0  }
0x64: {  	[tilespmem:$0x80] =	vst v1;
	v0 =	vadd.s32 $0x3E8, v2  }
0x65: {  	v1 =	vadd.s32 $0x3E8, v3;
	[tilespmem:$0xA0] =	vst v0  }
0x66: {  	[tilespmem:$0x90] =	vst v1  }
0x67: {  	[tilespmem:s20], [sflag:$0x1] =	stream.indirect.gather [hbm4b:s1+s19], $0x80, s3, s19, $0xb8;
	[tilespmem:$0x5180] =	vst v63  }
0x68: {  	_ = 	snop  }
0x69: {  	[tilespmem:s21], [sflag:$0x1] =	stream.indirect.gather [hbm4b:s1+s19], $0x80, s18, s19, $0xb8;
	[tilespmem:$0x5180] =	vst v63  }
0x6a: {  	_ =	swait.ge [sflag:s17], $0x2000  }
0x6b: {  	[sflag:s17] =	ssyncset.done $0x0  }
0x6c: {  	[sflag:s17] =	ssyncadd.s32 $0xFFFFE000  }
0x6d: {  	_ =	swait.ge [sflag:s17], $0x2000  }
0x6e: {  	[sflag:s17] =	ssyncset.done $0x0  }
0x6f: {  	s28 =	sadd.s32 $0xFFFFFF80, s26;
	[sflag:s17] =	ssyncadd.s32 $0xFFFFE000  }
0x70: {  	[hbm4b:s28+s22] =	stream.strided.scatter [tilespmem:s20], [sflag:$0x1], $0x2000, s23, s22, $0x38;
	[tilespmem:$0x5180] =	vst v63  }
.Ltmp0:
0x71: {  	_ = 	snop;
	(pc) =	sbr.rel @p0 .LBB2_2-.Ltmp0, $4  }
0x72: {  	_ = 	snop  }
0x73: {  	[hbm4b:s26+s22] =	stream.strided.scatter [tilespmem:s21], [sflag:$0x1], $0x2000, s23, s22, $0x38;
	[tilespmem:$0x5180] =	vst v63  }
0x74: {  	_ =	swait.ge [sflag:s17], $0x2000  }
0x75: {  	[sflag:s17] =	ssyncset.done $0x0  }
0x76: {  	s24 =	sadd.s32 $0x1, s24  }
0x77: {  	p0 =	sne.s32 s24, s9  }
.Ltmp1:
0x78: {  	_ = 	snop;
	(pc) =	sbr.rel @p0 .LBB2_1-.Ltmp1, $4  }
0x79: {  	[sflag:s17] =	ssyncadd.s32 $0xFFFFE000  }
0x7a: {  	_ =	swait.ge [sflag:s17], $0x2000  }
0x7b: {  	[sflag:s17] =	ssyncset.done $0x0  }
0x7c: {  	[sflag:s17] =	ssyncadd.s32 $0xFFFFE000  }
0x7d: {  	_ =	sfence.sel $0x180000  }
0x7e: {  	[bflag:$0x0] =	sbarrier.arrive $0xFFFF  }
0x7f: {  	p0 =	sne.s32 s4, $0x0;
	_ =	strace $0x90000047  }
0x80: {  	s0 =	sadd.s32 @!p0 $0x100000, s0;
	[bflag:$0x2] =	sbarrier.arrive $0xFFFF  }
0x81: {  	[sflag:s0] =	ssyncadd.tile.s32 @!p0 $0x1;
	_ =	shalt  }
.Lfunc_end2:
_tile_overlayer_lowered:
.L_overlay_start_2:
0x82: {  	(tag) =	ssettag $0x2  }
0x83: {  	s0 =	rddreg [dreg:$0x0];
	s2 =	stileid.u32  }
0x84: {  	s1 =	rddreg [dreg:$0x1];
	p0 =	sne.s32 s2, $0x0  }
0x85: {  	s3 =	rddreg [dreg:$0x2];
	[bflag:$0x3] =	sbarrier.arrive $0xFFFF;
	s2 =	simm.s32 @!p0 $0x1C02  }
0x86: {  	[timem:s3], [sflag:s2] =	dma.local @!p0 [hbm:s0], s1  }
0x87: {  	s0 =	simm.s32 @!p0 $0x2  }
0x88: {  	_ =	swait.ge @!p0 [sflag:s0], s1  }
0x89: {  	s1 =	ssub.s32 @!p0 $0x0, s1;
	[sflag:s0] =	ssyncset.done @!p0 $0x0  }
0x8a: {  	[sflag:s0] =	ssyncadd.s32 @!p0 s1  }
0x8b: {  	[bflag:$0x3] =	sbarrier.arrive $0xFFFF  }
0x8c: {  	_ =	shalt  }

</sc_bundles>
